<compile_context>
chip_gen: v7x
topology: tpu7x:2x2x1
jax: 0.10.2.dev20260603
libtpu: 0.0.44.dev20260713+nightly
codegen_flags: <defaults>
</compile_context>

<pallas_src>
import functools

import jax
import jax.numpy as jnp
from jax import lax
from jax.experimental import pallas as pl
from jax.experimental.pallas import tpu as pltpu
from jax.experimental.pallas import tpu_sc as plsc

N = 1_000_000
B = 16_384
NC = 2
NS = 16
L = 16
NW = NC * NS
SPT = B // NW

TCB = 44_032
NTCB = 8
TCW = TCB * NTCB
BASE = 20_240
NB = 5
SUB = BASE // NB
U = 23
SSTEPS = SUB // (U * L)
TAIL = N - TCW - NW * BASE


def _sc_body(output_hbm, sample_hbm, stats_hbm, numer_hbm,
             chunk, tailbuf, accbuf, idx_v, gath, res,
             sem0, sem1, sem2, sem3, sem4, gsem):
    c = lax.axis_index("c")
    s = lax.axis_index("s")
    wid = c * NS + s

    sems = (sem0, sem1, sem2, sem3, sem4)
    cps = [
        pltpu.async_copy(
            output_hbm.at[pl.ds(TCW + wid * BASE + b * SUB, SUB)],
            chunk.at[pl.ds(b * SUB, SUB)],
            sems[b],
        )
        for b in range(NB)
    ]

    pltpu.sync_copy(sample_hbm.at[pl.ds(wid * SPT, SPT)], idx_v)
    gcp = pltpu.async_copy(output_hbm.at[idx_v], gath, gsem)

    accs = tuple(jnp.zeros((L,), jnp.float32) for _ in range(U))
    for b in range(NB):
        cps[b].wait()

        def body(i, accs, b=b):
            base = b * SUB + i * (U * L)
            return tuple(
                accs[u] + jnp.exp(chunk[pl.ds(base + u * L, L)])
                for u in range(U)
            )

        accs = plsc.parallel_loop(0, SSTEPS, carry=accs)(body)
    acc = accs[0]
    for u in range(1, U):
        acc = acc + accs[u]

    pltpu.sync_copy(output_hbm.at[pl.ds(N - TAIL, TAIL)], tailbuf)
    tacc = jnp.zeros((L,), jnp.float32)
    for t in range(TAIL // L):
        tacc = tacc + jnp.exp(tailbuf[pl.ds(t * L, L)])
    acc = acc + jnp.where(wid == 0, tacc, jnp.zeros((L,), jnp.float32))

    accbuf[...] = acc
    pltpu.sync_copy(accbuf, stats_hbm.at[wid])

    gcp.wait()

    @plsc.parallel_loop(0, SPT // L, unroll=4)
    def gbody(i):
        res[pl.ds(i * L, L)] = jnp.exp(gath[pl.ds(i * L, L)])

    pltpu.sync_copy(res, numer_hbm.at[pl.ds(wid * SPT, SPT)])


@functools.partial(
    pl.kernel,
    out_type=(
        jax.ShapeDtypeStruct((NW, L), jnp.float32),
        jax.ShapeDtypeStruct((B,), jnp.float32),
    ),
    mesh=plsc.VectorSubcoreMesh(core_axis_name="c", subcore_axis_name="s"),
    scratch_types=[
        pltpu.VMEM((BASE,), jnp.float32),
        pltpu.VMEM((TAIL,), jnp.float32),
        pltpu.VMEM((L,), jnp.float32),
        pltpu.VMEM((SPT,), jnp.int32),
        pltpu.VMEM((SPT,), jnp.float32),
        pltpu.VMEM((SPT,), jnp.float32),
        pltpu.SemaphoreType.DMA,
        pltpu.SemaphoreType.DMA,
        pltpu.SemaphoreType.DMA,
        pltpu.SemaphoreType.DMA,
        pltpu.SemaphoreType.DMA,
        pltpu.SemaphoreType.DMA,
    ],
)
def _sc_stage(output_hbm, sample_hbm, stats_hbm, numer_hbm, *scratch):
    _sc_body(output_hbm, sample_hbm, stats_hbm, numer_hbm, *scratch)


def _tc_sum_body(x_ref, s_ref, acc_ref):
    i = pl.program_id(0)

    @pl.when(i == 0)
    def _():
        acc_ref[0, 0] = 0.0

    acc_ref[0, 0] += jnp.sum(jnp.exp(x_ref[...]))

    @pl.when(i == pl.num_programs(0) - 1)
    def _():
        s_ref[0, 0] = acc_ref[0, 0]


_tc_sum = pl.pallas_call(
    _tc_sum_body,
    grid=(NTCB,),
    in_specs=[pl.BlockSpec((TCB,), lambda i: (i,))],
    out_specs=pl.BlockSpec(memory_space=pltpu.SMEM),
    out_shape=jax.ShapeDtypeStruct((1, 1), jnp.float32),
    scratch_shapes=[pltpu.SMEM((1, 1), jnp.float32)],
)


def _tc_scale_body(s_ref, stats_ref, numer_ref, out_ref):
    inv_s = 1.0 / (s_ref[0, 0] + jnp.sum(stats_ref[...]))
    out_ref[...] = numer_ref[...] * inv_s


_tc_scale = pl.pallas_call(
    _tc_scale_body,
    in_specs=[
        pl.BlockSpec(memory_space=pltpu.SMEM),
        pl.BlockSpec((NW, L), lambda: (0, 0)),
        pl.BlockSpec((B // 128, 128), lambda: (0, 0)),
    ],
    out_shape=jax.ShapeDtypeStruct((B // 128, 128), jnp.float32),
)


def kernel(output, sample):
    stats, numer = _sc_stage(output, sample.astype(jnp.int32))
    s_tc = _tc_sum(output)
    pred = _tc_scale(s_tc, stats, numer.reshape(B // 128, 128))
    return pred.reshape(B)

# --- scband reference (transcript-rebuilt; emitter-appended) ---
"""Pipeline reference for scband-get-index-72112500900148 (READ-ONLY COPY).

The authoritative reference and input builder live on the scoring server;
editing this copy changes nothing except your own understanding.
"""

import jax, jax.numpy as jnp
import numpy as np

def setup_inputs(seed: int = 0) -> dict:
    key = jax.random.key(seed)
    k1, k2 = jax.random.split(key)
    output = jax.random.normal(k1, (1000000,), dtype=jnp.float32)
    sample = jax.random.randint(k2, (16384,), 0, 1000000).astype(jnp.int64) if jax.config.jax_enable_x64 else jax.random.randint(k2, (16384,), 0, 1000000)
    return {"output": output, "sample": sample}

def reference(output, sample):
    # Faithful translation of Get_index.call:
    # output = softmax(reshape(output, (1, -1)), axis=-1)
    p = jax.nn.softmax(jnp.reshape(output, (1, -1)), axis=-1)
    # output = flatten(output)
    p = jnp.reshape(p, (-1,))
    # pred = gather(output, sample)
    pred = jnp.take(p, sample, axis=0)
    return pred

if __name__ == "__main__":
    import jax
    _d = setup_inputs()
    print(jax.jit(kernel)(*tuple(_d.values())))

</pallas_src>

<mosaic_0001>
#map = affine_map<(d0, d1) -> (0)>
#map1 = affine_map<(d0, d1) -> (0, 0)>
module attributes {stable_mosaic.version = 14 : i64} {
  func.func @_sc_stage(%arg0: i32, %arg1: i32, %arg2: memref<1000000xf32, #tpu.memory_space<hbm>>, %arg3: memref<16384xi32, #tpu.memory_space<hbm>>, %arg4: memref<32x16xf32, #tpu.memory_space<hbm>>, %arg5: memref<16384xf32, #tpu.memory_space<hbm>>, %arg6: memref<20240xf32, #tpu.memory_space<vmem>>, %arg7: memref<64xf32, #tpu.memory_space<vmem>>, %arg8: memref<16xf32, #tpu.memory_space<vmem>>, %arg9: memref<512xi32, #tpu.memory_space<vmem>>, %arg10: memref<512xf32, #tpu.memory_space<vmem>>, %arg11: memref<512xf32, #tpu.memory_space<vmem>>, %arg12: memref<!tpu.dma_semaphore, #tpu.memory_space<semaphore_mem>>, %arg13: memref<!tpu.dma_semaphore, #tpu.memory_space<semaphore_mem>>, %arg14: memref<!tpu.dma_semaphore, #tpu.memory_space<semaphore_mem>>, %arg15: memref<!tpu.dma_semaphore, #tpu.memory_space<semaphore_mem>>, %arg16: memref<!tpu.dma_semaphore, #tpu.memory_space<semaphore_mem>>, %arg17: memref<!tpu.dma_semaphore, #tpu.memory_space<semaphore_mem>>) attributes {dimension_semantics = [#tpu.dimension_semantics<core_parallel>, #tpu.dimension_semantics<subcore_parallel>], iteration_bounds = array<i64: 2, 16>, scalar_prefetch = 0 : i64, scratch_operands = 12 : i64, tpu.core_type = #tpu.core_type<sc_vector_subcore>, window_params = [{transform_indices = #map}, {transform_indices = #map}, {transform_indices = #map1}, {transform_indices = #map}]} {
    %mul3A = arith.constant 16 : i32
    %mul3A_0 = arith.muli %arg0, %mul3A : i32
    %add3A = arith.addi %mul3A_0, %arg1 : i32
    %mul3A_1 = arith.constant 20240 : i32
    %mul3A_2 = arith.muli %add3A, %mul3A_1 : i32
    %add3A_3 = arith.constant 352256 : i32
    %add3A_4 = arith.addi %add3A_3, %mul3A_2 : i32
    %add3A_5 = arith.constant 0 : i32
    %add3A_6 = arith.addi %add3A_4, %add3A_5 : i32
    %dma_start3A = arith.constant 0 : i32
    %dma_start3A_7 = tpu.memref_slice %arg6[%dma_start3A] : memref<20240xf32, #tpu.memory_space<vmem>> -> memref<4048xf32, #tpu.memory_space<vmem>>
    %dma_start3A_8 = tpu.memref_slice %arg2[%add3A_6] : memref<1000000xf32, #tpu.memory_space<hbm>> -> memref<4048xf32, #tpu.memory_space<hbm>>
    %dma_start3A_9 = arith.constant 0 : i32
    %dma_start3A_10 = tpu.memref_slice %arg6[%dma_start3A_9] : memref<20240xf32, #tpu.memory_space<vmem>> -> memref<4048xf32, #tpu.memory_space<vmem>>
    %dma_start3A_11 = tpu.memref_slice %arg2[%add3A_6] : memref<1000000xf32, #tpu.memory_space<hbm>> -> memref<4048xf32, #tpu.memory_space<hbm>>
    tpu.enqueue_dma source(%dma_start3A_11 : memref<4048xf32, #tpu.memory_space<hbm>>) target(%dma_start3A_10 : memref<4048xf32, #tpu.memory_space<vmem>>) target_semaphore(%arg12 : memref<!tpu.dma_semaphore, #tpu.memory_space<semaphore_mem>>)
    %mul3A_12 = arith.constant 20240 : i32
    %mul3A_13 = arith.muli %add3A, %mul3A_12 : i32
    %add3A_14 = arith.constant 352256 : i32
    %add3A_15 = arith.addi %add3A_14, %mul3A_13 : i32
    %add3A_16 = arith.constant 4048 : i32
    %add3A_17 = arith.addi %add3A_15, %add3A_16 : i32
    %dma_start3A_18 = arith.constant 4048 : i32
    %dma_start3A_19 = tpu.memref_slice %arg6[%dma_start3A_18] : memref<20240xf32, #tpu.memory_space<vmem>> -> memref<4048xf32, #tpu.memory_space<vmem>>
    %dma_start3A_20 = tpu.memref_slice %arg2[%add3A_17] : memref<1000000xf32, #tpu.memory_space<hbm>> -> memref<4048xf32, #tpu.memory_space<hbm>>
    %dma_start3A_21 = arith.constant 4048 : i32
    %dma_start3A_22 = tpu.memref_slice %arg6[%dma_start3A_21] : memref<20240xf32, #tpu.memory_space<vmem>> -> memref<4048xf32, #tpu.memory_space<vmem>>
    %dma_start3A_23 = tpu.memref_slice %arg2[%add3A_17] : memref<1000000xf32, #tpu.memory_space<hbm>> -> memref<4048xf32, #tpu.memory_space<hbm>>
    tpu.enqueue_dma source(%dma_start3A_23 : memref<4048xf32, #tpu.memory_space<hbm>>) target(%dma_start3A_22 : memref<4048xf32, #tpu.memory_space<vmem>>) target_semaphore(%arg13 : memref<!tpu.dma_semaphore, #tpu.memory_space<semaphore_mem>>)
    %mul3A_24 = arith.constant 20240 : i32
    %mul3A_25 = arith.muli %add3A, %mul3A_24 : i32
    %add3A_26 = arith.constant 352256 : i32
    %add3A_27 = arith.addi %add3A_26, %mul3A_25 : i32
    %add3A_28 = arith.constant 8096 : i32
    %add3A_29 = arith.addi %add3A_27, %add3A_28 : i32
    %dma_start3A_30 = arith.constant 8096 : i32
    %dma_start3A_31 = tpu.memref_slice %arg6[%dma_start3A_30] : memref<20240xf32, #tpu.memory_space<vmem>> -> memref<4048xf32, #tpu.memory_space<vmem>>
    %dma_start3A_32 = tpu.memref_slice %arg2[%add3A_29] : memref<1000000xf32, #tpu.memory_space<hbm>> -> memref<4048xf32, #tpu.memory_space<hbm>>
    %dma_start3A_33 = arith.constant 8096 : i32
    %dma_start3A_34 = tpu.memref_slice %arg6[%dma_start3A_33] : memref<20240xf32, #tpu.memory_space<vmem>> -> memref<4048xf32, #tpu.memory_space<vmem>>
    %dma_start3A_35 = tpu.memref_slice %arg2[%add3A_29] : memref<1000000xf32, #tpu.memory_space<hbm>> -> memref<4048xf32, #tpu.memory_space<hbm>>
    tpu.enqueue_dma source(%dma_start3A_35 : memref<4048xf32, #tpu.memory_space<hbm>>) target(%dma_start3A_34 : memref<4048xf32, #tpu.memory_space<vmem>>) target_semaphore(%arg14 : memref<!tpu.dma_semaphore, #tpu.memory_space<semaphore_mem>>)
    %mul3A_36 = arith.constant 20240 : i32
    %mul3A_37 = arith.muli %add3A, %mul3A_36 : i32
    %add3A_38 = arith.constant 352256 : i32
    %add3A_39 = arith.addi %add3A_38, %mul3A_37 : i32
    %add3A_40 = arith.constant 12144 : i32
    %add3A_41 = arith.addi %add3A_39, %add3A_40 : i32
    %dma_start3A_42 = arith.constant 12144 : i32
    %dma_start3A_43 = tpu.memref_slice %arg6[%dma_start3A_42] : memref<20240xf32, #tpu.memory_space<vmem>> -> memref<4048xf32, #tpu.memory_space<vmem>>
    %dma_start3A_44 = tpu.memref_slice %arg2[%add3A_41] : memref<1000000xf32, #tpu.memory_space<hbm>> -> memref<4048xf32, #tpu.memory_space<hbm>>
    %dma_start3A_45 = arith.constant 12144 : i32
    %dma_start3A_46 = tpu.memref_slice %arg6[%dma_start3A_45] : memref<20240xf32, #tpu.memory_space<vmem>> -> memref<4048xf32, #tpu.memory_space<vmem>>
    %dma_start3A_47 = tpu.memref_slice %arg2[%add3A_41] : memref<1000000xf32, #tpu.memory_space<hbm>> -> memref<4048xf32, #tpu.memory_space<hbm>>
    tpu.enqueue_dma source(%dma_start3A_47 : memref<4048xf32, #tpu.memory_space<hbm>>) target(%dma_start3A_46 : memref<4048xf32, #tpu.memory_space<vmem>>) target_semaphore(%arg15 : memref<!tpu.dma_semaphore, #tpu.memory_space<semaphore_mem>>)
    %mul3A_48 = arith.constant 20240 : i32
    %mul3A_49 = arith.muli %add3A, %mul3A_48 : i32
    %add3A_50 = arith.constant 352256 : i32
    %add3A_51 = arith.addi %add3A_50, %mul3A_49 : i32
    %add3A_52 = arith.constant 16192 : i32
    %add3A_53 = arith.addi %add3A_51, %add3A_52 : i32
    %dma_start3A_54 = arith.constant 16192 : i32
    %dma_start3A_55 = tpu.memref_slice %arg6[%dma_start3A_54] : memref<20240xf32, #tpu.memory_space<vmem>> -> memref<4048xf32, #tpu.memory_space<vmem>>
    %dma_start3A_56 = tpu.memref_slice %arg2[%add3A_53] : memref<1000000xf32, #tpu.memory_space<hbm>> -> memref<4048xf32, #tpu.memory_space<hbm>>
    %dma_start3A_57 = arith.constant 16192 : i32
    %dma_start3A_58 = tpu.memref_slice %arg6[%dma_start3A_57] : memref<20240xf32, #tpu.memory_space<vmem>> -> memref<4048xf32, #tpu.memory_space<vmem>>
    %dma_start3A_59 = tpu.memref_slice %arg2[%add3A_53] : memref<1000000xf32, #tpu.memory_space<hbm>> -> memref<4048xf32, #tpu.memory_space<hbm>>
    tpu.enqueue_dma source(%dma_start3A_59 : memref<4048xf32, #tpu.memory_space<hbm>>) target(%dma_start3A_58 : memref<4048xf32, #tpu.memory_space<vmem>>) target_semaphore(%arg16 : memref<!tpu.dma_semaphore, #tpu.memory_space<semaphore_mem>>)
    %mul3A_60 = arith.constant 512 : i32
    %mul3A_61 = arith.muli %add3A, %mul3A_60 : i32
    "tpu.region"() ({
      %run_scoped3A = tpu.sem_alloc : memref<!tpu.dma_semaphore, #tpu.memory_space<semaphore_mem>>
      %dma_start3A_213 = tpu.memref_slice %arg3[%mul3A_61] : memref<16384xi32, #tpu.memory_space<hbm>> -> memref<512xi32, #tpu.memory_space<hbm>>
      %dma_start3A_214 = tpu.memref_slice %arg3[%mul3A_61] : memref<16384xi32, #tpu.memory_space<hbm>> -> memref<512xi32, #tpu.memory_space<hbm>>
      tpu.enqueue_dma source(%dma_start3A_214 : memref<512xi32, #tpu.memory_space<hbm>>) target(%arg9 : memref<512xi32, #tpu.memory_space<vmem>>) target_semaphore(%run_scoped3A : memref<!tpu.dma_semaphore, #tpu.memory_space<semaphore_mem>>)
      %dma_wait3A_215 = tpu.memref_slice %arg3[%mul3A_61] : memref<16384xi32, #tpu.memory_space<hbm>> -> memref<512xi32, #tpu.memory_space<hbm>>
      %dma_wait3A_216 = tpu.memref_slice %arg3[%mul3A_61] : memref<16384xi32, #tpu.memory_space<hbm>> -> memref<512xi32, #tpu.memory_space<hbm>>
      tpu.wait_dma2 semaphore(%run_scoped3A : memref<!tpu.dma_semaphore, #tpu.memory_space<semaphore_mem>>) src(%dma_wait3A_216 : memref<512xi32, #tpu.memory_space<hbm>>) dst(%arg9 : memref<512xi32, #tpu.memory_space<vmem>>)
      tpu.yield
    }) : () -> ()
    %dma_start3A_62 = arith.constant 0 : i32
    %dma_start3A_63 = tpu.memref_slice %arg2[%dma_start3A_62] : memref<1000000xf32, #tpu.memory_space<hbm>> -> memref<1000000xf32, #tpu.memory_space<hbm>>
    tpu.enqueue_indirect_dma source(%dma_start3A_63 : memref<1000000xf32, #tpu.memory_space<hbm>>) target(%arg10 : memref<512xf32, #tpu.memory_space<vmem>>) offsets(%arg9 : memref<512xi32, #tpu.memory_space<vmem>>) semaphore(%arg17 : memref<!tpu.dma_semaphore, #tpu.memory_space<semaphore_mem>>)
    %broadcast_in_dim3A = arith.constant 0.000000e+00 : f32
    %broadcast_in_dim3A_64 = vector.broadcast %broadcast_in_dim3A : f32 to vector<16xf32>
    %broadcast_in_dim3A_65 = arith.constant 0.000000e+00 : f32
    %broadcast_in_dim3A_66 = vector.broadcast %broadcast_in_dim3A_65 : f32 to vector<16xf32>
    %broadcast_in_dim3A_67 = arith.constant 0.000000e+00 : f32
    %broadcast_in_dim3A_68 = vector.broadcast %broadcast_in_dim3A_67 : f32 to vector<16xf32>
    %broadcast_in_dim3A_69 = arith.constant 0.000000e+00 : f32
    %broadcast_in_dim3A_70 = vector.broadcast %broadcast_in_dim3A_69 : f32 to vector<16xf32>
    %broadcast_in_dim3A_71 = arith.constant 0.000000e+00 : f32
    %broadcast_in_dim3A_72 = vector.broadcast %broadcast_in_dim3A_71 : f32 to vector<16xf32>
    %broadcast_in_dim3A_73 = arith.constant 0.000000e+00 : f32
    %broadcast_in_dim3A_74 = vector.broadcast %broadcast_in_dim3A_73 : f32 to vector<16xf32>
    %broadcast_in_dim3A_75 = arith.constant 0.000000e+00 : f32
    %broadcast_in_dim3A_76 = vector.broadcast %broadcast_in_dim3A_75 : f32 to vector<16xf32>
    %broadcast_in_dim3A_77 = arith.constant 0.000000e+00 : f32
    %broadcast_in_dim3A_78 = vector.broadcast %broadcast_in_dim3A_77 : f32 to vector<16xf32>
    %broadcast_in_dim3A_79 = arith.constant 0.000000e+00 : f32
    %broadcast_in_dim3A_80 = vector.broadcast %broadcast_in_dim3A_79 : f32 to vector<16xf32>
    %broadcast_in_dim3A_81 = arith.constant 0.000000e+00 : f32
    %broadcast_in_dim3A_82 = vector.broadcast %broadcast_in_dim3A_81 : f32 to vector<16xf32>
    %broadcast_in_dim3A_83 = arith.constant 0.000000e+00 : f32
    %broadcast_in_dim3A_84 = vector.broadcast %broadcast_in_dim3A_83 : f32 to vector<16xf32>
    %broadcast_in_dim3A_85 = arith.constant 0.000000e+00 : f32
    %broadcast_in_dim3A_86 = vector.broadcast %broadcast_in_dim3A_85 : f32 to vector<16xf32>
    %broadcast_in_dim3A_87 = arith.constant 0.000000e+00 : f32
    %broadcast_in_dim3A_88 = vector.broadcast %broadcast_in_dim3A_87 : f32 to vector<16xf32>
    %broadcast_in_dim3A_89 = arith.constant 0.000000e+00 : f32
    %broadcast_in_dim3A_90 = vector.broadcast %broadcast_in_dim3A_89 : f32 to vector<16xf32>
    %broadcast_in_dim3A_91 = arith.constant 0.000000e+00 : f32
    %broadcast_in_dim3A_92 = vector.broadcast %broadcast_in_dim3A_91 : f32 to vector<16xf32>
    %broadcast_in_dim3A_93 = arith.constant 0.000000e+00 : f32
    %broadcast_in_dim3A_94 = vector.broadcast %broadcast_in_dim3A_93 : f32 to vector<16xf32>
    %broadcast_in_dim3A_95 = arith.constant 0.000000e+00 : f32
    %broadcast_in_dim3A_96 = vector.broadcast %broadcast_in_dim3A_95 : f32 to vector<16xf32>
    %broadcast_in_dim3A_97 = arith.constant 0.000000e+00 : f32
    %broadcast_in_dim3A_98 = vector.broadcast %broadcast_in_dim3A_97 : f32 to vector<16xf32>
    %broadcast_in_dim3A_99 = arith.constant 0.000000e+00 : f32
    %broadcast_in_dim3A_100 = vector.broadcast %broadcast_in_dim3A_99 : f32 to vector<16xf32>
    %broadcast_in_dim3A_101 = arith.constant 0.000000e+00 : f32
    %broadcast_in_dim3A_102 = vector.broadcast %broadcast_in_dim3A_101 : f32 to vector<16xf32>
    %broadcast_in_dim3A_103 = arith.constant 0.000000e+00 : f32
    %broadcast_in_dim3A_104 = vector.broadcast %broadcast_in_dim3A_103 : f32 to vector<16xf32>
    %broadcast_in_dim3A_105 = arith.constant 0.000000e+00 : f32
    %broadcast_in_dim3A_106 = vector.broadcast %broadcast_in_dim3A_105 : f32 to vector<16xf32>
    %broadcast_in_dim3A_107 = arith.constant 0.000000e+00 : f32
    %broadcast_in_dim3A_108 = vector.broadcast %broadcast_in_dim3A_107 : f32 to vector<16xf32>
    %dma_wait3A = arith.constant 0 : i32
    %dma_wait3A_109 = tpu.memref_slice %arg6[%dma_wait3A] : memref<20240xf32, #tpu.memory_space<vmem>> -> memref<4048xf32, #tpu.memory_space<vmem>>
    %dma_wait3A_110 = tpu.memref_slice %arg2[%add3A_6] : memref<1000000xf32, #tpu.memory_space<hbm>> -> memref<4048xf32, #tpu.memory_space<hbm>>
    %dma_wait3A_111 = arith.constant 0 : i32
    %dma_wait3A_112 = tpu.memref_slice %arg6[%dma_wait3A_111] : memref<20240xf32, #tpu.memory_space<vmem>> -> memref<4048xf32, #tpu.memory_space<vmem>>
    %dma_wait3A_113 = tpu.memref_slice %arg2[%add3A_6] : memref<1000000xf32, #tpu.memory_space<hbm>> -> memref<4048xf32, #tpu.memory_space<hbm>>
    tpu.wait_dma2 semaphore(%arg12 : memref<!tpu.dma_semaphore, #tpu.memory_space<semaphore_mem>>) src(%dma_wait3A_113 : memref<4048xf32, #tpu.memory_space<hbm>>) dst(%dma_wait3A_112 : memref<4048xf32, #tpu.memory_space<vmem>>)
    %parallel_loop3A = arith.constant 0 : i32
    %parallel_loop3A_114 = arith.constant 11 : i32
    %parallel_loop3A_115 = arith.constant 1 : i32
    %parallel_loop3A_116:23 = scf.for %parallel_loop3A_213 = %parallel_loop3A to %parallel_loop3A_114 step %parallel_loop3A_115 iter_args(%parallel_loop3A_214 = %broadcast_in_dim3A_64, %parallel_loop3A_215 = %broadcast_in_dim3A_66, %parallel_loop3A_216 = %broadcast_in_dim3A_68, %parallel_loop3A_217 = %broadcast_in_dim3A_70, %parallel_loop3A_218 = %broadcast_in_dim3A_72, %parallel_loop3A_219 = %broadcast_in_dim3A_74, %parallel_loop3A_220 = %broadcast_in_dim3A_76, %parallel_loop3A_221 = %broadcast_in_dim3A_78, %parallel_loop3A_222 = %broadcast_in_dim3A_80, %parallel_loop3A_223 = %broadcast_in_dim3A_82, %parallel_loop3A_224 = %broadcast_in_dim3A_84, %parallel_loop3A_225 = %broadcast_in_dim3A_86, %parallel_loop3A_226 = %broadcast_in_dim3A_88, %parallel_loop3A_227 = %broadcast_in_dim3A_90, %parallel_loop3A_228 = %broadcast_in_dim3A_92, %parallel_loop3A_229 = %broadcast_in_dim3A_94, %parallel_loop3A_230 = %broadcast_in_dim3A_96, %parallel_loop3A_231 = %broadcast_in_dim3A_98, %parallel_loop3A_232 = %broadcast_in_dim3A_100, %parallel_loop3A_233 = %broadcast_in_dim3A_102, %parallel_loop3A_234 = %broadcast_in_dim3A_104, %parallel_loop3A_235 = %broadcast_in_dim3A_106, %parallel_loop3A_236 = %broadcast_in_dim3A_108) -> (vector<16xf32>, vector<16xf32>, vector<16xf32>, vector<16xf32>, vector<16xf32>, vector<16xf32>, vector<16xf32>, vector<16xf32>, vector<16xf32>, vector<16xf32>, vector<16xf32>, vector<16xf32>, vector<16xf32>, vector<16xf32>, vector<16xf32>, vector<16xf32>, vector<16xf32>, vector<16xf32>, vector<16xf32>, vector<16xf32>, vector<16xf32>, vector<16xf32>, vector<16xf32>)  : i32 {
      %parallel_loop3A_237 = arith.constant 368 : i32
      %parallel_loop3A_238 = arith.muli %parallel_loop3A_213, %parallel_loop3A_237 : i32
      %parallel_loop3A_239 = arith.constant 0 : i32
      %parallel_loop3A_240 = arith.addi %parallel_loop3A_239, %parallel_loop3A_238 : i32
      %parallel_loop3A_241 = arith.constant 0 : i32
      %parallel_loop3A_242 = arith.addi %parallel_loop3A_240, %parallel_loop3A_241 : i32
      %parallel_loop3A_243 = arith.index_cast %parallel_loop3A_242 : i32 to index
      %parallel_loop3A_244 = tpu.vector_load %arg6[%parallel_loop3A_243] {strides = array<i32>} : memref<20240xf32, #tpu.memory_space<vmem>>, vector<16xf32>,
      %parallel_loop3A_245 = vector.shape_cast %parallel_loop3A_244 : vector<16xf32> to vector<16xf32>
      %parallel_loop3A_246 = math.exp %parallel_loop3A_245 : vector<16xf32>
      %parallel_loop3A_247 = arith.addf %parallel_loop3A_214, %parallel_loop3A_246 : vector<16xf32>
      %parallel_loop3A_248 = arith.constant 16 : i32
      %parallel_loop3A_249 = arith.addi %parallel_loop3A_240, %parallel_loop3A_248 : i32
      %parallel_loop3A_250 = arith.index_cast %parallel_loop3A_249 : i32 to index
      %parallel_loop3A_251 = tpu.vector_load %arg6[%parallel_loop3A_250] {strides = array<i32>} : memref<20240xf32, #tpu.memory_space<vmem>>, vector<16xf32>,
      %parallel_loop3A_252 = vector.shape_cast %parallel_loop3A_251 : vector<16xf32> to vector<16xf32>
      %parallel_loop3A_253 = math.exp %parallel_loop3A_252 : vector<16xf32>
      %parallel_loop3A_254 = arith.addf %parallel_loop3A_215, %parallel_loop3A_253 : vector<16xf32>
      %parallel_loop3A_255 = arith.constant 32 : i32
      %parallel_loop3A_256 = arith.addi %parallel_loop3A_240, %parallel_loop3A_255 : i32
      %parallel_loop3A_257 = arith.index_cast %parallel_loop3A_256 : i32 to index
      %parallel_loop3A_258 = tpu.vector_load %arg6[%parallel_loop3A_257] {strides = array<i32>} : memref<20240xf32, #tpu.memory_space<vmem>>, vector<16xf32>,
      %parallel_loop3A_259 = vector.shape_cast %parallel_loop3A_258 : vector<16xf32> to vector<16xf32>
      %parallel_loop3A_260 = math.exp %parallel_loop3A_259 : vector<16xf32>
      %parallel_loop3A_261 = arith.addf %parallel_loop3A_216, %parallel_loop3A_260 : vector<16xf32>
      %parallel_loop3A_262 = arith.constant 48 : i32
      %parallel_loop3A_263 = arith.addi %parallel_loop3A_240, %parallel_loop3A_262 : i32
      %parallel_loop3A_264 = arith.index_cast %parallel_loop3A_263 : i32 to index
      %parallel_loop3A_265 = tpu.vector_load %arg6[%parallel_loop3A_264] {strides = array<i32>} : memref<20240xf32, #tpu.memory_space<vmem>>, vector<16xf32>,
      %parallel_loop3A_266 = vector.shape_cast %parallel_loop3A_265 : vector<16xf32> to vector<16xf32>
      %parallel_loop3A_267 = math.exp %parallel_loop3A_266 : vector<16xf32>
      %parallel_loop3A_268 = arith.addf %parallel_loop3A_217, %parallel_loop3A_267 : vector<16xf32>
      %parallel_loop3A_269 = arith.constant 64 : i32
      %parallel_loop3A_270 = arith.addi %parallel_loop3A_240, %parallel_loop3A_269 : i32
      %parallel_loop3A_271 = arith.index_cast %parallel_loop3A_270 : i32 to index
      %parallel_loop3A_272 = tpu.vector_load %arg6[%parallel_loop3A_271] {strides = array<i32>} : memref<20240xf32, #tpu.memory_space<vmem>>, vector<16xf32>,
      %parallel_loop3A_273 = vector.shape_cast %parallel_loop3A_272 : vector<16xf32> to vector<16xf32>
      %parallel_loop3A_274 = math.exp %parallel_loop3A_273 : vector<16xf32>
      %parallel_loop3A_275 = arith.addf %parallel_loop3A_218, %parallel_loop3A_274 : vector<16xf32>
      %parallel_loop3A_276 = arith.constant 80 : i32
      %parallel_loop3A_277 = arith.addi %parallel_loop3A_240, %parallel_loop3A_276 : i32
      %parallel_loop3A_278 = arith.index_cast %parallel_loop3A_277 : i32 to index
      %parallel_loop3A_279 = tpu.vector_load %arg6[%parallel_loop3A_278] {strides = array<i32>} : memref<20240xf32, #tpu.memory_space<vmem>>, vector<16xf32>,
      %parallel_loop3A_280 = vector.shape_cast %parallel_loop3A_279 : vector<16xf32> to vector<16xf32>
      %parallel_loop3A_281 = math.exp %parallel_loop3A_280 : vector<16xf32>
      %parallel_loop3A_282 = arith.addf %parallel_loop3A_219, %parallel_loop3A_281 : vector<16xf32>
      %parallel_loop3A_283 = arith.constant 96 : i32
      %parallel_loop3A_284 = arith.addi %parallel_loop3A_240, %parallel_loop3A_283 : i32
      %parallel_loop3A_285 = arith.index_cast %parallel_loop3A_284 : i32 to index
      %parallel_loop3A_286 = tpu.vector_load %arg6[%parallel_loop3A_285] {strides = array<i32>} : memref<20240xf32, #tpu.memory_space<vmem>>, vector<16xf32>,
      %parallel_loop3A_287 = vector.shape_cast %parallel_loop3A_286 : vector<16xf32> to vector<16xf32>
      %parallel_loop3A_288 = math.exp %parallel_loop3A_287 : vector<16xf32>
      %parallel_loop3A_289 = arith.addf %parallel_loop3A_220, %parallel_loop3A_288 : vector<16xf32>
      %parallel_loop3A_290 = arith.constant 112 : i32
      %parallel_loop3A_291 = arith.addi %parallel_loop3A_240, %parallel_loop3A_290 : i32
      %parallel_loop3A_292 = arith.index_cast %parallel_loop3A_291 : i32 to index
      %parallel_loop3A_293 = tpu.vector_load %arg6[%parallel_loop3A_292] {strides = array<i32>} : memref<20240xf32, #tpu.memory_space<vmem>>, vector<16xf32>,
      %parallel_loop3A_294 = vector.shape_cast %parallel_loop3A_293 : vector<16xf32> to vector<16xf32>
      %parallel_loop3A_295 = math.exp %parallel_loop3A_294 : vector<16xf32>
      %parallel_loop3A_296 = arith.addf %parallel_loop3A_221, %parallel_loop3A_295 : vector<16xf32>
      %parallel_loop3A_297 = arith.constant 128 : i32
      %parallel_loop3A_298 = arith.addi %parallel_loop3A_240, %parallel_loop3A_297 : i32
      %parallel_loop3A_299 = arith.index_cast %parallel_loop3A_298 : i32 to index
      %parallel_loop3A_300 = tpu.vector_load %arg6[%parallel_loop3A_299] {strides = array<i32>} : memref<20240xf32, #tpu.memory_space<vmem>>, vector<16xf32>,
      %parallel_loop3A_301 = vector.shape_cast %parallel_loop3A_300 : vector<16xf32> to vector<16xf32>
      %parallel_loop3A_302 = math.exp %parallel_loop3A_301 : vector<16xf32>
      %parallel_loop3A_303 = arith.addf %parallel_loop3A_222, %parallel_loop3A_302 : vector<16xf32>
      %parallel_loop3A_304 = arith.constant 144 : i32
      %parallel_loop3A_305 = arith.addi %parallel_loop3A_240, %parallel_loop3A_304 : i32
      %parallel_loop3A_306 = arith.index_cast %parallel_loop3A_305 : i32 to index
      %parallel_loop3A_307 = tpu.vector_load %arg6[%parallel_loop3A_306] {strides = array<i32>} : memref<20240xf32, #tpu.memory_space<vmem>>, vector<16xf32>,
      %parallel_loop3A_308 = vector.shape_cast %parallel_loop3A_307 : vector<16xf32> to vector<16xf32>
      %parallel_loop3A_309 = math.exp %parallel_loop3A_308 : vector<16xf32>
      %parallel_loop3A_310 = arith.addf %parallel_loop3A_223, %parallel_loop3A_309 : vector<16xf32>
      %parallel_loop3A_311 = arith.constant 160 : i32
      %parallel_loop3A_312 = arith.addi %parallel_loop3A_240, %parallel_loop3A_311 : i32
      %parallel_loop3A_313 = arith.index_cast %parallel_loop3A_312 : i32 to index
      %parallel_loop3A_314 = tpu.vector_load %arg6[%parallel_loop3A_313] {strides = array<i32>} : memref<20240xf32, #tpu.memory_space<vmem>>, vector<16xf32>,
      %parallel_loop3A_315 = vector.shape_cast %parallel_loop3A_314 : vector<16xf32> to vector<16xf32>
      %parallel_loop3A_316 = math.exp %parallel_loop3A_315 : vector<16xf32>
      %parallel_loop3A_317 = arith.addf %parallel_loop3A_224, %parallel_loop3A_316 : vector<16xf32>
      %parallel_loop3A_318 = arith.constant 176 : i32
      %parallel_loop3A_319 = arith.addi %parallel_loop3A_240, %parallel_loop3A_318 : i32
      %parallel_loop3A_320 = arith.index_cast %parallel_loop3A_319 : i32 to index
      %parallel_loop3A_321 = tpu.vector_load %arg6[%parallel_loop3A_320] {strides = array<i32>} : memref<20240xf32, #tpu.memory_space<vmem>>, vector<16xf32>,
      %parallel_loop3A_322 = vector.shape_cast %parallel_loop3A_321 : vector<16xf32> to vector<16xf32>
      %parallel_loop3A_323 = math.exp %parallel_loop3A_322 : vector<16xf32>
      %parallel_loop3A_324 = arith.addf %parallel_loop3A_225, %parallel_loop3A_323 : vector<16xf32>
      %parallel_loop3A_325 = arith.constant 192 : i32
      %parallel_loop3A_326 = arith.addi %parallel_loop3A_240, %parallel_loop3A_325 : i32
      %parallel_loop3A_327 = arith.index_cast %parallel_loop3A_326 : i32 to index
      %parallel_loop3A_328 = tpu.vector_load %arg6[%parallel_loop3A_327] {strides = array<i32>} : memref<20240xf32, #tpu.memory_space<vmem>>, vector<16xf32>,
      %parallel_loop3A_329 = vector.shape_cast %parallel_loop3A_328 : vector<16xf32> to vector<16xf32>
      %parallel_loop3A_330 = math.exp %parallel_loop3A_329 : vector<16xf32>
      %parallel_loop3A_331 = arith.addf %parallel_loop3A_226, %parallel_loop3A_330 : vector<16xf32>
      %parallel_loop3A_332 = arith.constant 208 : i32
      %parallel_loop3A_333 = arith.addi %parallel_loop3A_240, %parallel_loop3A_332 : i32
      %parallel_loop3A_334 = arith.index_cast %parallel_loop3A_333 : i32 to index
      %parallel_loop3A_335 = tpu.vector_load %arg6[%parallel_loop3A_334] {strides = array<i32>} : memref<20240xf32, #tpu.memory_space<vmem>>, vector<16xf32>,
      %parallel_loop3A_336 = vector.shape_cast %parallel_loop3A_335 : vector<16xf32> to vector<16xf32>
      %parallel_loop3A_337 = math.exp %parallel_loop3A_336 : vector<16xf32>
      %parallel_loop3A_338 = arith.addf %parallel_loop3A_227, %parallel_loop3A_337 : vector<16xf32>
      %parallel_loop3A_339 = arith.constant 224 : i32
      %parallel_loop3A_340 = arith.addi %parallel_loop3A_240, %parallel_loop3A_339 : i32
      %parallel_loop3A_341 = arith.index_cast %parallel_loop3A_340 : i32 to index
      %parallel_loop3A_342 = tpu.vector_load %arg6[%parallel_loop3A_341] {strides = array<i32>} : memref<20240xf32, #tpu.memory_space<vmem>>, vector<16xf32>,
      %parallel_loop3A_343 = vector.shape_cast %parallel_loop3A_342 : vector<16xf32> to vector<16xf32>
      %parallel_loop3A_344 = math.exp %parallel_loop3A_343 : vector<16xf32>
      %parallel_loop3A_345 = arith.addf %parallel_loop3A_228, %parallel_loop3A_344 : vector<16xf32>
      %parallel_loop3A_346 = arith.constant 240 : i32
      %parallel_loop3A_347 = arith.addi %parallel_loop3A_240, %parallel_loop3A_346 : i32
      %parallel_loop3A_348 = arith.index_cast %parallel_loop3A_347 : i32 to index
      %parallel_loop3A_349 = tpu.vector_load %arg6[%parallel_loop3A_348] {strides = array<i32>} : memref<20240xf32, #tpu.memory_space<vmem>>, vector<16xf32>,
      %parallel_loop3A_350 = vector.shape_cast %parallel_loop3A_349 : vector<16xf32> to vector<16xf32>
      %parallel_loop3A_351 = math.exp %parallel_loop3A_350 : vector<16xf32>
      %parallel_loop3A_352 = arith.addf %parallel_loop3A_229, %parallel_loop3A_351 : vector<16xf32>
      %parallel_loop3A_353 = arith.constant 256 : i32
      %parallel_loop3A_354 = arith.addi %parallel_loop3A_240, %parallel_loop3A_353 : i32
      %parallel_loop3A_355 = arith.index_cast %parallel_loop3A_354 : i32 to index
      %parallel_loop3A_356 = tpu.vector_load %arg6[%parallel_loop3A_355] {strides = array<i32>} : memref<20240xf32, #tpu.memory_space<vmem>>, vector<16xf32>,
      %parallel_loop3A_357 = vector.shape_cast %parallel_loop3A_356 : vector<16xf32> to vector<16xf32>
      %parallel_loop3A_358 = math.exp %parallel_loop3A_357 : vector<16xf32>
      %parallel_loop3A_359 = arith.addf %parallel_loop3A_230, %parallel_loop3A_358 : vector<16xf32>
      %parallel_loop3A_360 = arith.constant 272 : i32
      %parallel_loop3A_361 = arith.addi %parallel_loop3A_240, %parallel_loop3A_360 : i32
      %parallel_loop3A_362 = arith.index_cast %parallel_loop3A_361 : i32 to index
      %parallel_loop3A_363 = tpu.vector_load %arg6[%parallel_loop3A_362] {strides = array<i32>} : memref<20240xf32, #tpu.memory_space<vmem>>, vector<16xf32>,
      %parallel_loop3A_364 = vector.shape_cast %parallel_loop3A_363 : vector<16xf32> to vector<16xf32>
      %parallel_loop3A_365 = math.exp %parallel_loop3A_364 : vector<16xf32>
      %parallel_loop3A_366 = arith.addf %parallel_loop3A_231, %parallel_loop3A_365 : vector<16xf32>
      %parallel_loop3A_367 = arith.constant 288 : i32
      %parallel_loop3A_368 = arith.addi %parallel_loop3A_240, %parallel_loop3A_367 : i32
      %parallel_loop3A_369 = arith.index_cast %parallel_loop3A_368 : i32 to index
      %parallel_loop3A_370 = tpu.vector_load %arg6[%parallel_loop3A_369] {strides = array<i32>} : memref<20240xf32, #tpu.memory_space<vmem>>, vector<16xf32>,
      %parallel_loop3A_371 = vector.shape_cast %parallel_loop3A_370 : vector<16xf32> to vector<16xf32>
      %parallel_loop3A_372 = math.exp %parallel_loop3A_371 : vector<16xf32>
      %parallel_loop3A_373 = arith.addf %parallel_loop3A_232, %parallel_loop3A_372 : vector<16xf32>
      %parallel_loop3A_374 = arith.constant 304 : i32
      %parallel_loop3A_375 = arith.addi %parallel_loop3A_240, %parallel_loop3A_374 : i32
      %parallel_loop3A_376 = arith.index_cast %parallel_loop3A_375 : i32 to index
      %parallel_loop3A_377 = tpu.vector_load %arg6[%parallel_loop3A_376] {strides = array<i32>} : memref<20240xf32, #tpu.memory_space<vmem>>, vector<16xf32>,
      %parallel_loop3A_378 = vector.shape_cast %parallel_loop3A_377 : vector<16xf32> to vector<16xf32>
      %parallel_loop3A_379 = math.exp %parallel_loop3A_378 : vector<16xf32>
      %parallel_loop3A_380 = arith.addf %parallel_loop3A_233, %parallel_loop3A_379 : vector<16xf32>
      %parallel_loop3A_381 = arith.constant 320 : i32
      %parallel_loop3A_382 = arith.addi %parallel_loop3A_240, %parallel_loop3A_381 : i32
      %parallel_loop3A_383 = arith.index_cast %parallel_loop3A_382 : i32 to index
      %parallel_loop3A_384 = tpu.vector_load %arg6[%parallel_loop3A_383] {strides = array<i32>} : memref<20240xf32, #tpu.memory_space<vmem>>, vector<16xf32>,
      %parallel_loop3A_385 = vector.shape_cast %parallel_loop3A_384 : vector<16xf32> to vector<16xf32>
      %parallel_loop3A_386 = math.exp %parallel_loop3A_385 : vector<16xf32>
      %parallel_loop3A_387 = arith.addf %parallel_loop3A_234, %parallel_loop3A_386 : vector<16xf32>
      %parallel_loop3A_388 = arith.constant 336 : i32
      %parallel_loop3A_389 = arith.addi %parallel_loop3A_240, %parallel_loop3A_388 : i32
      %parallel_loop3A_390 = arith.index_cast %parallel_loop3A_389 : i32 to index
      %parallel_loop3A_391 = tpu.vector_load %arg6[%parallel_loop3A_390] {strides = array<i32>} : memref<20240xf32, #tpu.memory_space<vmem>>, vector<16xf32>,
      %parallel_loop3A_392 = vector.shape_cast %parallel_loop3A_391 : vector<16xf32> to vector<16xf32>
      %parallel_loop3A_393 = math.exp %parallel_loop3A_392 : vector<16xf32>
      %parallel_loop3A_394 = arith.addf %parallel_loop3A_235, %parallel_loop3A_393 : vector<16xf32>
      %parallel_loop3A_395 = arith.constant 352 : i32
      %parallel_loop3A_396 = arith.addi %parallel_loop3A_240, %parallel_loop3A_395 : i32
      %parallel_loop3A_397 = arith.index_cast %parallel_loop3A_396 : i32 to index
      %parallel_loop3A_398 = tpu.vector_load %arg6[%parallel_loop3A_397] {strides = array<i32>} : memref<20240xf32, #tpu.memory_space<vmem>>, vector<16xf32>,
      %parallel_loop3A_399 = vector.shape_cast %parallel_loop3A_398 : vector<16xf32> to vector<16xf32>
      %parallel_loop3A_400 = math.exp %parallel_loop3A_399 : vector<16xf32>
      %parallel_loop3A_401 = arith.addf %parallel_loop3A_236, %parallel_loop3A_400 : vector<16xf32>
      scf.yield %parallel_loop3A_247, %parallel_loop3A_254, %parallel_loop3A_261, %parallel_loop3A_268, %parallel_loop3A_275, %parallel_loop3A_282, %parallel_loop3A_289, %parallel_loop3A_296, %parallel_loop3A_303, %parallel_loop3A_310, %parallel_loop3A_317, %parallel_loop3A_324, %parallel_loop3A_331, %parallel_loop3A_338, %parallel_loop3A_345, %parallel_loop3A_352, %parallel_loop3A_359, %parallel_loop3A_366, %parallel_loop3A_373, %parallel_loop3A_380, %parallel_loop3A_387, %parallel_loop3A_394, %parallel_loop3A_401 : vector<16xf32>, vector<16xf32>, vector<16xf32>, vector<16xf32>, vector<16xf32>, vector<16xf32>, vector<16xf32>, vector<16xf32>, vector<16xf32>, vector<16xf32>, vector<16xf32>, vector<16xf32>, vector<16xf32>, vector<16xf32>, vector<16xf32>, vector<16xf32>, vector<16xf32>, vector<16xf32>, vector<16xf32>, vector<16xf32>, vector<16xf32>, vector<16xf32>, vector<16xf32>
    } {sc.loop_unroll_factor = 1 : i64, sc.parallel_access}
    %dma_wait3A_117 = arith.constant 4048 : i32
    %dma_wait3A_118 = tpu.memref_slice %arg6[%dma_wait3A_117] : memref<20240xf32, #tpu.memory_space<vmem>> -> memref<4048xf32, #tpu.memory_space<vmem>>
    %dma_wait3A_119 = tpu.memref_slice %arg2[%add3A_17] : memref<1000000xf32, #tpu.memory_space<hbm>> -> memref<4048xf32, #tpu.memory_space<hbm>>
    %dma_wait3A_120 = arith.constant 4048 : i32
    %dma_wait3A_121 = tpu.memref_slice %arg6[%dma_wait3A_120] : memref<20240xf32, #tpu.memory_space<vmem>> -> memref<4048xf32, #tpu.memory_space<vmem>>
    %dma_wait3A_122 = tpu.memref_slice %arg2[%add3A_17] : memref<1000000xf32, #tpu.memory_space<hbm>> -> memref<4048xf32, #tpu.memory_space<hbm>>
    tpu.wait_dma2 semaphore(%arg13 : memref<!tpu.dma_semaphore, #tpu.memory_space<semaphore_mem>>) src(%dma_wait3A_122 : memref<4048xf32, #tpu.memory_space<hbm>>) dst(%dma_wait3A_121 : memref<4048xf32, #tpu.memory_space<vmem>>)
    %parallel_loop3A_123 = arith.constant 0 : i32
    %parallel_loop3A_124 = arith.constant 11 : i32
    %parallel_loop3A_125 = arith.constant 1 : i32
    %parallel_loop3A_126:23 = scf.for %parallel_loop3A_213 = %parallel_loop3A_123 to %parallel_loop3A_124 step %parallel_loop3A_125 iter_args(%parallel_loop3A_214 = %parallel_loop3A_116#0, %parallel_loop3A_215 = %parallel_loop3A_116#1, %parallel_loop3A_216 = %parallel_loop3A_116#2, %parallel_loop3A_217 = %parallel_loop3A_116#3, %parallel_loop3A_218 = %parallel_loop3A_116#4, %parallel_loop3A_219 = %parallel_loop3A_116#5, %parallel_loop3A_220 = %parallel_loop3A_116#6, %parallel_loop3A_221 = %parallel_loop3A_116#7, %parallel_loop3A_222 = %parallel_loop3A_116#8, %parallel_loop3A_223 = %parallel_loop3A_116#9, %parallel_loop3A_224 = %parallel_loop3A_116#10, %parallel_loop3A_225 = %parallel_loop3A_116#11, %parallel_loop3A_226 = %parallel_loop3A_116#12, %parallel_loop3A_227 = %parallel_loop3A_116#13, %parallel_loop3A_228 = %parallel_loop3A_116#14, %parallel_loop3A_229 = %parallel_loop3A_116#15, %parallel_loop3A_230 = %parallel_loop3A_116#16, %parallel_loop3A_231 = %parallel_loop3A_116#17, %parallel_loop3A_232 = %parallel_loop3A_116#18, %parallel_loop3A_233 = %parallel_loop3A_116#19, %parallel_loop3A_234 = %parallel_loop3A_116#20, %parallel_loop3A_235 = %parallel_loop3A_116#21, %parallel_loop3A_236 = %parallel_loop3A_116#22) -> (vector<16xf32>, vector<16xf32>, vector<16xf32>, vector<16xf32>, vector<16xf32>, vector<16xf32>, vector<16xf32>, vector<16xf32>, vector<16xf32>, vector<16xf32>, vector<16xf32>, vector<16xf32>, vector<16xf32>, vector<16xf32>, vector<16xf32>, vector<16xf32>, vector<16xf32>, vector<16xf32>, vector<16xf32>, vector<16xf32>, vector<16xf32>, vector<16xf32>, vector<16xf32>)  : i32 {
      %parallel_loop3A_237 = arith.constant 368 : i32
      %parallel_loop3A_238 = arith.muli %parallel_loop3A_213, %parallel_loop3A_237 : i32
      %parallel_loop3A_239 = arith.constant 4048 : i32
      %parallel_loop3A_240 = arith.addi %parallel_loop3A_239, %parallel_loop3A_238 : i32
      %parallel_loop3A_241 = arith.constant 0 : i32
      %parallel_loop3A_242 = arith.addi %parallel_loop3A_240, %parallel_loop3A_241 : i32
      %parallel_loop3A_243 = arith.index_cast %parallel_loop3A_242 : i32 to index
      %parallel_loop3A_244 = tpu.vector_load %arg6[%parallel_loop3A_243] {strides = array<i32>} : memref<20240xf32, #tpu.memory_space<vmem>>, vector<16xf32>,
      %parallel_loop3A_245 = vector.shape_cast %parallel_loop3A_244 : vector<16xf32> to vector<16xf32>
      %parallel_loop3A_246 = math.exp %parallel_loop3A_245 : vector<16xf32>
      %parallel_loop3A_247 = arith.addf %parallel_loop3A_214, %parallel_loop3A_246 : vector<16xf32>
      %parallel_loop3A_248 = arith.constant 16 : i32
      %parallel_loop3A_249 = arith.addi %parallel_loop3A_240, %parallel_loop3A_248 : i32
      %parallel_loop3A_250 = arith.index_cast %parallel_loop3A_249 : i32 to index
      %parallel_loop3A_251 = tpu.vector_load %arg6[%parallel_loop3A_250] {strides = array<i32>} : memref<20240xf32, #tpu.memory_space<vmem>>, vector<16xf32>,
      %parallel_loop3A_252 = vector.shape_cast %parallel_loop3A_251 : vector<16xf32> to vector<16xf32>
      %parallel_loop3A_253 = math.exp %parallel_loop3A_252 : vector<16xf32>
      %parallel_loop3A_254 = arith.addf %parallel_loop3A_215, %parallel_loop3A_253 : vector<16xf32>
      %parallel_loop3A_255 = arith.constant 32 : i32
      %parallel_loop3A_256 = arith.addi %parallel_loop3A_240, %parallel_loop3A_255 : i32
      %parallel_loop3A_257 = arith.index_cast %parallel_loop3A_256 : i32 to index
      %parallel_loop3A_258 = tpu.vector_load %arg6[%parallel_loop3A_257] {strides = array<i32>} : memref<20240xf32, #tpu.memory_space<vmem>>, vector<16xf32>,
      %parallel_loop3A_259 = vector.shape_cast %parallel_loop3A_258 : vector<16xf32> to vector<16xf32>
      %parallel_loop3A_260 = math.exp %parallel_loop3A_259 : vector<16xf32>
      %parallel_loop3A_261 = arith.addf %parallel_loop3A_216, %parallel_loop3A_260 : vector<16xf32>
      %parallel_loop3A_262 = arith.constant 48 : i32
      %parallel_loop3A_263 = arith.addi %parallel_loop3A_240, %parallel_loop3A_262 : i32
      %parallel_loop3A_264 = arith.index_cast %parallel_loop3A_263 : i32 to index
      %parallel_loop3A_265 = tpu.vector_load %arg6[%parallel_loop3A_264] {strides = array<i32>} : memref<20240xf32, #tpu.memory_space<vmem>>, vector<16xf32>,
      %parallel_loop3A_266 = vector.shape_cast %parallel_loop3A_265 : vector<16xf32> to vector<16xf32>
      %parallel_loop3A_267 = math.exp %parallel_loop3A_266 : vector<16xf32>
      %parallel_loop3A_268 = arith.addf %parallel_loop3A_217, %parallel_loop3A_267 : vector<16xf32>
      %parallel_loop3A_269 = arith.constant 64 : i32
      %parallel_loop3A_270 = arith.addi %parallel_loop3A_240, %parallel_loop3A_269 : i32
      %parallel_loop3A_271 = arith.index_cast %parallel_loop3A_270 : i32 to index
      %parallel_loop3A_272 = tpu.vector_load %arg6[%parallel_loop3A_271] {strides = array<i32>} : memref<20240xf32, #tpu.memory_space<vmem>>, vector<16xf32>,
      %parallel_loop3A_273 = vector.shape_cast %parallel_loop3A_272 : vector<16xf32> to vector<16xf32>
      %parallel_loop3A_274 = math.exp %parallel_loop3A_273 : vector<16xf32>
      %parallel_loop3A_275 = arith.addf %parallel_loop3A_218, %parallel_loop3A_274 : vector<16xf32>
      %parallel_loop3A_276 = arith.constant 80 : i32
      %parallel_loop3A_277 = arith.addi %parallel_loop3A_240, %parallel_loop3A_276 : i32
      %parallel_loop3A_278 = arith.index_cast %parallel_loop3A_277 : i32 to index
      %parallel_loop3A_279 = tpu.vector_load %arg6[%parallel_loop3A_278] {strides = array<i32>} : memref<20240xf32, #tpu.memory_space<vmem>>, vector<16xf32>,
      %parallel_loop3A_280 = vector.shape_cast %parallel_loop3A_279 : vector<16xf32> to vector<16xf32>
      %parallel_loop3A_281 = math.exp %parallel_loop3A_280 : vector<16xf32>
      %parallel_loop3A_282 = arith.addf %parallel_loop3A_219, %parallel_loop3A_281 : vector<16xf32>
      %parallel_loop3A_283 = arith.constant 96 : i32
      %parallel_loop3A_284 = arith.addi %parallel_loop3A_240, %parallel_loop3A_283 : i32
      %parallel_loop3A_285 = arith.index_cast %parallel_loop3A_284 : i32 to index
      %parallel_loop3A_286 = tpu.vector_load %arg6[%parallel_loop3A_285] {strides = array<i32>} : memref<20240xf32, #tpu.memory_space<vmem>>, vector<16xf32>,
      %parallel_loop3A_287 = vector.shape_cast %parallel_loop3A_286 : vector<16xf32> to vector<16xf32>
      %parallel_loop3A_288 = math.exp %parallel_loop3A_287 : vector<16xf32>
      %parallel_loop3A_289 = arith.addf %parallel_loop3A_220, %parallel_loop3A_288 : vector<16xf32>
      %parallel_loop3A_290 = arith.constant 112 : i32
      %parallel_loop3A_291 = arith.addi %parallel_loop3A_240, %parallel_loop3A_290 : i32
      %parallel_loop3A_292 = arith.index_cast %parallel_loop3A_291 : i32 to index
      %parallel_loop3A_293 = tpu.vector_load %arg6[%parallel_loop3A_292] {strides = array<i32>} : memref<20240xf32, #tpu.memory_space<vmem>>, vector<16xf32>,
      %parallel_loop3A_294 = vector.shape_cast %parallel_loop3A_293 : vector<16xf32> to vector<16xf32>
      %parallel_loop3A_295 = math.exp %parallel_loop3A_294 : vector<16xf32>
      %parallel_loop3A_296 = arith.addf %parallel_loop3A_221, %parallel_loop3A_295 : vector<16xf32>
      %parallel_loop3A_297 = arith.constant 128 : i32
      %parallel_loop3A_298 = arith.addi %parallel_loop3A_240, %parallel_loop3A_297 : i32
      %parallel_loop3A_299 = arith.index_cast %parallel_loop3A_298 : i32 to index
      %parallel_loop3A_300 = tpu.vector_load %arg6[%parallel_loop3A_299] {strides = array<i32>} : memref<20240xf32, #tpu.memory_space<vmem>>, vector<16xf32>,
      %parallel_loop3A_301 = vector.shape_cast %parallel_loop3A_300 : vector<16xf32> to vector<16xf32>
      %parallel_loop3A_302 = math.exp %parallel_loop3A_301 : vector<16xf32>
      %parallel_loop3A_303 = arith.addf %parallel_loop3A_222, %parallel_loop3A_302 : vector<16xf32>
      %parallel_loop3A_304 = arith.constant 144 : i32
      %parallel_loop3A_305 = arith.addi %parallel_loop3A_240, %parallel_loop3A_304 : i32
      %parallel_loop3A_306 = arith.index_cast %parallel_loop3A_305 : i32 to index
      %parallel_loop3A_307 = tpu.vector_load %arg6[%parallel_loop3A_306] {strides = array<i32>} : memref<20240xf32, #tpu.memory_space<vmem>>, vector<16xf32>,
      %parallel_loop3A_308 = vector.shape_cast %parallel_loop3A_307 : vector<16xf32> to vector<16xf32>
      %parallel_loop3A_309 = math.exp %parallel_loop3A_308 : vector<16xf32>
      %parallel_loop3A_310 = arith.addf %parallel_loop3A_223, %parallel_loop3A_309 : vector<16xf32>
      %parallel_loop3A_311 = arith.constant 160 : i32
      %parallel_loop3A_312 = arith.addi %parallel_loop3A_240, %parallel_loop3A_311 : i32
      %parallel_loop3A_313 = arith.index_cast %parallel_loop3A_312 : i32 to index
      %parallel_loop3A_314 = tpu.vector_load %arg6[%parallel_loop3A_313] {strides = array<i32>} : memref<20240xf32, #tpu.memory_space<vmem>>, vector<16xf32>,
      %parallel_loop3A_315 = vector.shape_cast %parallel_loop3A_314 : vector<16xf32> to vector<16xf32>
      %parallel_loop3A_316 = math.exp %parallel_loop3A_315 : vector<16xf32>
      %parallel_loop3A_317 = arith.addf %parallel_loop3A_224, %parallel_loop3A_316 : vector<16xf32>
      %parallel_loop3A_318 = arith.constant 176 : i32
      %parallel_loop3A_319 = arith.addi %parallel_loop3A_240, %parallel_loop3A_318 : i32
      %parallel_loop3A_320 = arith.index_cast %parallel_loop3A_319 : i32 to index
      %parallel_loop3A_321 = tpu.vector_load %arg6[%parallel_loop3A_320] {strides = array<i32>} : memref<20240xf32, #tpu.memory_space<vmem>>, vector<16xf32>,
      %parallel_loop3A_322 = vector.shape_cast %parallel_loop3A_321 : vector<16xf32> to vector<16xf32>
      %parallel_loop3A_323 = math.exp %parallel_loop3A_322 : vector<16xf32>
      %parallel_loop3A_324 = arith.addf %parallel_loop3A_225, %parallel_loop3A_323 : vector<16xf32>
      %parallel_loop3A_325 = arith.constant 192 : i32
      %parallel_loop3A_326 = arith.addi %parallel_loop3A_240, %parallel_loop3A_325 : i32
      %parallel_loop3A_327 = arith.index_cast %parallel_loop3A_326 : i32 to index
      %parallel_loop3A_328 = tpu.vector_load %arg6[%parallel_loop3A_327] {strides = array<i32>} : memref<20240xf32, #tpu.memory_space<vmem>>, vector<16xf32>,
      %parallel_loop3A_329 = vector.shape_cast %parallel_loop3A_328 : vector<16xf32> to vector<16xf32>
      %parallel_loop3A_330 = math.exp %parallel_loop3A_329 : vector<16xf32>
      %parallel_loop3A_331 = arith.addf %parallel_loop3A_226, %parallel_loop3A_330 : vector<16xf32>
      %parallel_loop3A_332 = arith.constant 208 : i32
      %parallel_loop3A_333 = arith.addi %parallel_loop3A_240, %parallel_loop3A_332 : i32
      %parallel_loop3A_334 = arith.index_cast %parallel_loop3A_333 : i32 to index
      %parallel_loop3A_335 = tpu.vector_load %arg6[%parallel_loop3A_334] {strides = array<i32>} : memref<20240xf32, #tpu.memory_space<vmem>>, vector<16xf32>,
      %parallel_loop3A_336 = vector.shape_cast %parallel_loop3A_335 : vector<16xf32> to vector<16xf32>
      %parallel_loop3A_337 = math.exp %parallel_loop3A_336 : vector<16xf32>
      %parallel_loop3A_338 = arith.addf %parallel_loop3A_227, %parallel_loop3A_337 : vector<16xf32>
      %parallel_loop3A_339 = arith.constant 224 : i32
      %parallel_loop3A_340 = arith.addi %parallel_loop3A_240, %parallel_loop3A_339 : i32
      %parallel_loop3A_341 = arith.index_cast %parallel_loop3A_340 : i32 to index
      %parallel_loop3A_342 = tpu.vector_load %arg6[%parallel_loop3A_341] {strides = array<i32>} : memref<20240xf32, #tpu.memory_space<vmem>>, vector<16xf32>,
      %parallel_loop3A_343 = vector.shape_cast %parallel_loop3A_342 : vector<16xf32> to vector<16xf32>
      %parallel_loop3A_344 = math.exp %parallel_loop3A_343 : vector<16xf32>
      %parallel_loop3A_345 = arith.addf %parallel_loop3A_228, %parallel_loop3A_344 : vector<16xf32>
      %parallel_loop3A_346 = arith.constant 240 : i32
      %parallel_loop3A_347 = arith.addi %parallel_loop3A_240, %parallel_loop3A_346 : i32
      %parallel_loop3A_348 = arith.index_cast %parallel_loop3A_347 : i32 to index
      %parallel_loop3A_349 = tpu.vector_load %arg6[%parallel_loop3A_348] {strides = array<i32>} : memref<20240xf32, #tpu.memory_space<vmem>>, vector<16xf32>,
      %parallel_loop3A_350 = vector.shape_cast %parallel_loop3A_349 : vector<16xf32> to vector<16xf32>
      %parallel_loop3A_351 = math.exp %parallel_loop3A_350 : vector<16xf32>
      %parallel_loop3A_352 = arith.addf %parallel_loop3A_229, %parallel_loop3A_351 : vector<16xf32>
      %parallel_loop3A_353 = arith.constant 256 : i32
      %parallel_loop3A_354 = arith.addi %parallel_loop3A_240, %parallel_loop3A_353 : i32
      %parallel_loop3A_355 = arith.index_cast %parallel_loop3A_354 : i32 to index
      %parallel_loop3A_356 = tpu.vector_load %arg6[%parallel_loop3A_355] {strides = array<i32>} : memref<20240xf32, #tpu.memory_space<vmem>>, vector<16xf32>,
      %parallel_loop3A_357 = vector.shape_cast %parallel_loop3A_356 : vector<16xf32> to vector<16xf32>
      %parallel_loop3A_358 = math.exp %parallel_loop3A_357 : vector<16xf32>
      %parallel_loop3A_359 = arith.addf %parallel_loop3A_230, %parallel_loop3A_358 : vector<16xf32>
      %parallel_loop3A_360 = arith.constant 272 : i32
      %parallel_loop3A_361 = arith.addi %parallel_loop3A_240, %parallel_loop3A_360 : i32
      %parallel_loop3A_362 = arith.index_cast %parallel_loop3A_361 : i32 to index
      %parallel_loop3A_363 = tpu.vector_load %arg6[%parallel_loop3A_362] {strides = array<i32>} : memref<20240xf32, #tpu.memory_space<vmem>>, vector<16xf32>,
      %parallel_loop3A_364 = vector.shape_cast %parallel_loop3A_363 : vector<16xf32> to vector<16xf32>
      %parallel_loop3A_365 = math.exp %parallel_loop3A_364 : vector<16xf32>
      %parallel_loop3A_366 = arith.addf %parallel_loop3A_231, %parallel_loop3A_365 : vector<16xf32>
      %parallel_loop3A_367 = arith.constant 288 : i32
      %parallel_loop3A_368 = arith.addi %parallel_loop3A_240, %parallel_loop3A_367 : i32
      %parallel_loop3A_369 = arith.index_cast %parallel_loop3A_368 : i32 to index
      %parallel_loop3A_370 = tpu.vector_load %arg6[%parallel_loop3A_369] {strides = array<i32>} : memref<20240xf32, #tpu.memory_space<vmem>>, vector<16xf32>,
      %parallel_loop3A_371 = vector.shape_cast %parallel_loop3A_370 : vector<16xf32> to vector<16xf32>
      %parallel_loop3A_372 = math.exp %parallel_loop3A_371 : vector<16xf32>
      %parallel_loop3A_373 = arith.addf %parallel_loop3A_232, %parallel_loop3A_372 : vector<16xf32>
      %parallel_loop3A_374 = arith.constant 304 : i32
      %parallel_loop3A_375 = arith.addi %parallel_loop3A_240, %parallel_loop3A_374 : i32
      %parallel_loop3A_376 = arith.index_cast %parallel_loop3A_375 : i32 to index
      %parallel_loop3A_377 = tpu.vector_load %arg6[%parallel_loop3A_376] {strides = array<i32>} : memref<20240xf32, #tpu.memory_space<vmem>>, vector<16xf32>,
      %parallel_loop3A_378 = vector.shape_cast %parallel_loop3A_377 : vector<16xf32> to vector<16xf32>
      %parallel_loop3A_379 = math.exp %parallel_loop3A_378 : vector<16xf32>
      %parallel_loop3A_380 = arith.addf %parallel_loop3A_233, %parallel_loop3A_379 : vector<16xf32>
      %parallel_loop3A_381 = arith.constant 320 : i32
      %parallel_loop3A_382 = arith.addi %parallel_loop3A_240, %parallel_loop3A_381 : i32
      %parallel_loop3A_383 = arith.index_cast %parallel_loop3A_382 : i32 to index
      %parallel_loop3A_384 = tpu.vector_load %arg6[%parallel_loop3A_383] {strides = array<i32>} : memref<20240xf32, #tpu.memory_space<vmem>>, vector<16xf32>,
      %parallel_loop3A_385 = vector.shape_cast %parallel_loop3A_384 : vector<16xf32> to vector<16xf32>
      %parallel_loop3A_386 = math.exp %parallel_loop3A_385 : vector<16xf32>
      %parallel_loop3A_387 = arith.addf %parallel_loop3A_234, %parallel_loop3A_386 : vector<16xf32>
      %parallel_loop3A_388 = arith.constant 336 : i32
      %parallel_loop3A_389 = arith.addi %parallel_loop3A_240, %parallel_loop3A_388 : i32
      %parallel_loop3A_390 = arith.index_cast %parallel_loop3A_389 : i32 to index
      %parallel_loop3A_391 = tpu.vector_load %arg6[%parallel_loop3A_390] {strides = array<i32>} : memref<20240xf32, #tpu.memory_space<vmem>>, vector<16xf32>,
      %parallel_loop3A_392 = vector.shape_cast %parallel_loop3A_391 : vector<16xf32> to vector<16xf32>
      %parallel_loop3A_393 = math.exp %parallel_loop3A_392 : vector<16xf32>
      %parallel_loop3A_394 = arith.addf %parallel_loop3A_235, %parallel_loop3A_393 : vector<16xf32>
      %parallel_loop3A_395 = arith.constant 352 : i32
      %parallel_loop3A_396 = arith.addi %parallel_loop3A_240, %parallel_loop3A_395 : i32
      %parallel_loop3A_397 = arith.index_cast %parallel_loop3A_396 : i32 to index
      %parallel_loop3A_398 = tpu.vector_load %arg6[%parallel_loop3A_397] {strides = array<i32>} : memref<20240xf32, #tpu.memory_space<vmem>>, vector<16xf32>,
      %parallel_loop3A_399 = vector.shape_cast %parallel_loop3A_398 : vector<16xf32> to vector<16xf32>
      %parallel_loop3A_400 = math.exp %parallel_loop3A_399 : vector<16xf32>
      %parallel_loop3A_401 = arith.addf %parallel_loop3A_236, %parallel_loop3A_400 : vector<16xf32>
      scf.yield %parallel_loop3A_247, %parallel_loop3A_254, %parallel_loop3A_261, %parallel_loop3A_268, %parallel_loop3A_275, %parallel_loop3A_282, %parallel_loop3A_289, %parallel_loop3A_296, %parallel_loop3A_303, %parallel_loop3A_310, %parallel_loop3A_317, %parallel_loop3A_324, %parallel_loop3A_331, %parallel_loop3A_338, %parallel_loop3A_345, %parallel_loop3A_352, %parallel_loop3A_359, %parallel_loop3A_366, %parallel_loop3A_373, %parallel_loop3A_380, %parallel_loop3A_387, %parallel_loop3A_394, %parallel_loop3A_401 : vector<16xf32>, vector<16xf32>, vector<16xf32>, vector<16xf32>, vector<16xf32>, vector<16xf32>, vector<16xf32>, vector<16xf32>, vector<16xf32>, vector<16xf32>, vector<16xf32>, vector<16xf32>, vector<16xf32>, vector<16xf32>, vector<16xf32>, vector<16xf32>, vector<16xf32>, vector<16xf32>, vector<16xf32>, vector<16xf32>, vector<16xf32>, vector<16xf32>, vector<16xf32>
    } {sc.loop_unroll_factor = 1 : i64, sc.parallel_access}
    %dma_wait3A_127 = arith.constant 8096 : i32
    %dma_wait3A_128 = tpu.memref_slice %arg6[%dma_wait3A_127] : memref<20240xf32, #tpu.memory_space<vmem>> -> memref<4048xf32, #tpu.memory_space<vmem>>
    %dma_wait3A_129 = tpu.memref_slice %arg2[%add3A_29] : memref<1000000xf32, #tpu.memory_space<hbm>> -> memref<4048xf32, #tpu.memory_space<hbm>>
    %dma_wait3A_130 = arith.constant 8096 : i32
    %dma_wait3A_131 = tpu.memref_slice %arg6[%dma_wait3A_130] : memref<20240xf32, #tpu.memory_space<vmem>> -> memref<4048xf32, #tpu.memory_space<vmem>>
    %dma_wait3A_132 = tpu.memref_slice %arg2[%add3A_29] : memref<1000000xf32, #tpu.memory_space<hbm>> -> memref<4048xf32, #tpu.memory_space<hbm>>
    tpu.wait_dma2 semaphore(%arg14 : memref<!tpu.dma_semaphore, #tpu.memory_space<semaphore_mem>>) src(%dma_wait3A_132 : memref<4048xf32, #tpu.memory_space<hbm>>) dst(%dma_wait3A_131 : memref<4048xf32, #tpu.memory_space<vmem>>)
    %parallel_loop3A_133 = arith.constant 0 : i32
    %parallel_loop3A_134 = arith.constant 11 : i32
    %parallel_loop3A_135 = arith.constant 1 : i32
    %parallel_loop3A_136:23 = scf.for %parallel_loop3A_213 = %parallel_loop3A_133 to %parallel_loop3A_134 step %parallel_loop3A_135 iter_args(%parallel_loop3A_214 = %parallel_loop3A_126#0, %parallel_loop3A_215 = %parallel_loop3A_126#1, %parallel_loop3A_216 = %parallel_loop3A_126#2, %parallel_loop3A_217 = %parallel_loop3A_126#3, %parallel_loop3A_218 = %parallel_loop3A_126#4, %parallel_loop3A_219 = %parallel_loop3A_126#5, %parallel_loop3A_220 = %parallel_loop3A_126#6, %parallel_loop3A_221 = %parallel_loop3A_126#7, %parallel_loop3A_222 = %parallel_loop3A_126#8, %parallel_loop3A_223 = %parallel_loop3A_126#9, %parallel_loop3A_224 = %parallel_loop3A_126#10, %parallel_loop3A_225 = %parallel_loop3A_126#11, %parallel_loop3A_226 = %parallel_loop3A_126#12, %parallel_loop3A_227 = %parallel_loop3A_126#13, %parallel_loop3A_228 = %parallel_loop3A_126#14, %parallel_loop3A_229 = %parallel_loop3A_126#15, %parallel_loop3A_230 = %parallel_loop3A_126#16, %parallel_loop3A_231 = %parallel_loop3A_126#17, %parallel_loop3A_232 = %parallel_loop3A_126#18, %parallel_loop3A_233 = %parallel_loop3A_126#19, %parallel_loop3A_234 = %parallel_loop3A_126#20, %parallel_loop3A_235 = %parallel_loop3A_126#21, %parallel_loop3A_236 = %parallel_loop3A_126#22) -> (vector<16xf32>, vector<16xf32>, vector<16xf32>, vector<16xf32>, vector<16xf32>, vector<16xf32>, vector<16xf32>, vector<16xf32>, vector<16xf32>, vector<16xf32>, vector<16xf32>, vector<16xf32>, vector<16xf32>, vector<16xf32>, vector<16xf32>, vector<16xf32>, vector<16xf32>, vector<16xf32>, vector<16xf32>, vector<16xf32>, vector<16xf32>, vector<16xf32>, vector<16xf32>)  : i32 {
      %parallel_loop3A_237 = arith.constant 368 : i32
      %parallel_loop3A_238 = arith.muli %parallel_loop3A_213, %parallel_loop3A_237 : i32
      %parallel_loop3A_239 = arith.constant 8096 : i32
      %parallel_loop3A_240 = arith.addi %parallel_loop3A_239, %parallel_loop3A_238 : i32
      %parallel_loop3A_241 = arith.constant 0 : i32
      %parallel_loop3A_242 = arith.addi %parallel_loop3A_240, %parallel_loop3A_241 : i32
      %parallel_loop3A_243 = arith.index_cast %parallel_loop3A_242 : i32 to index
      %parallel_loop3A_244 = tpu.vector_load %arg6[%parallel_loop3A_243] {strides = array<i32>} : memref<20240xf32, #tpu.memory_space<vmem>>, vector<16xf32>,
      %parallel_loop3A_245 = vector.shape_cast %parallel_loop3A_244 : vector<16xf32> to vector<16xf32>
      %parallel_loop3A_246 = math.exp %parallel_loop3A_245 : vector<16xf32>
      %parallel_loop3A_247 = arith.addf %parallel_loop3A_214, %parallel_loop3A_246 : vector<16xf32>
      %parallel_loop3A_248 = arith.constant 16 : i32
      %parallel_loop3A_249 = arith.addi %parallel_loop3A_240, %parallel_loop3A_248 : i32
      %parallel_loop3A_250 = arith.index_cast %parallel_loop3A_249 : i32 to index
      %parallel_loop3A_251 = tpu.vector_load %arg6[%parallel_loop3A_250] {strides = array<i32>} : memref<20240xf32, #tpu.memory_space<vmem>>, vector<16xf32>,
      %parallel_loop3A_252 = vector.shape_cast %parallel_loop3A_251 : vector<16xf32> to vector<16xf32>
      %parallel_loop3A_253 = math.exp %parallel_loop3A_252 : vector<16xf32>
      %parallel_loop3A_254 = arith.addf %parallel_loop3A_215, %parallel_loop3A_253 : vector<16xf32>
      %parallel_loop3A_255 = arith.constant 32 : i32
      %parallel_loop3A_256 = arith.addi %parallel_loop3A_240, %parallel_loop3A_255 : i32
      %parallel_loop3A_257 = arith.index_cast %parallel_loop3A_256 : i32 to index
      %parallel_loop3A_258 = tpu.vector_load %arg6[%parallel_loop3A_257] {strides = array<i32>} : memref<20240xf32, #tpu.memory_space<vmem>>, vector<16xf32>,
      %parallel_loop3A_259 = vector.shape_cast %parallel_loop3A_258 : vector<16xf32> to vector<16xf32>
      %parallel_loop3A_260 = math.exp %parallel_loop3A_259 : vector<16xf32>
      %parallel_loop3A_261 = arith.addf %parallel_loop3A_216, %parallel_loop3A_260 : vector<16xf32>
      %parallel_loop3A_262 = arith.constant 48 : i32
      %parallel_loop3A_263 = arith.addi %parallel_loop3A_240, %parallel_loop3A_262 : i32
      %parallel_loop3A_264 = arith.index_cast %parallel_loop3A_263 : i32 to index
      %parallel_loop3A_265 = tpu.vector_load %arg6[%parallel_loop3A_264] {strides = array<i32>} : memref<20240xf32, #tpu.memory_space<vmem>>, vector<16xf32>,
      %parallel_loop3A_266 = vector.shape_cast %parallel_loop3A_265 : vector<16xf32> to vector<16xf32>
      %parallel_loop3A_267 = math.exp %parallel_loop3A_266 : vector<16xf32>
      %parallel_loop3A_268 = arith.addf %parallel_loop3A_217, %parallel_loop3A_267 : vector<16xf32>
      %parallel_loop3A_269 = arith.constant 64 : i32
      %parallel_loop3A_270 = arith.addi %parallel_loop3A_240, %parallel_loop3A_269 : i32
      %parallel_loop3A_271 = arith.index_cast %parallel_loop3A_270 : i32 to index
      %parallel_loop3A_272 = tpu.vector_load %arg6[%parallel_loop3A_271] {strides = array<i32>} : memref<20240xf32, #tpu.memory_space<vmem>>, vector<16xf32>,
      %parallel_loop3A_273 = vector.shape_cast %parallel_loop3A_272 : vector<16xf32> to vector<16xf32>
      %parallel_loop3A_274 = math.exp %parallel_loop3A_273 : vector<16xf32>
      %parallel_loop3A_275 = arith.addf %parallel_loop3A_218, %parallel_loop3A_274 : vector<16xf32>
      %parallel_loop3A_276 = arith.constant 80 : i32
      %parallel_loop3A_277 = arith.addi %parallel_loop3A_240, %parallel_loop3A_276 : i32
      %parallel_loop3A_278 = arith.index_cast %parallel_loop3A_277 : i32 to index
      %parallel_loop3A_279 = tpu.vector_load %arg6[%parallel_loop3A_278] {strides = array<i32>} : memref<20240xf32, #tpu.memory_space<vmem>>, vector<16xf32>,
      %parallel_loop3A_280 = vector.shape_cast %parallel_loop3A_279 : vector<16xf32> to vector<16xf32>
      %parallel_loop3A_281 = math.exp %parallel_loop3A_280 : vector<16xf32>
      %parallel_loop3A_282 = arith.addf %parallel_loop3A_219, %parallel_loop3A_281 : vector<16xf32>
      %parallel_loop3A_283 = arith.constant 96 : i32
      %parallel_loop3A_284 = arith.addi %parallel_loop3A_240, %parallel_loop3A_283 : i32
      %parallel_loop3A_285 = arith.index_cast %parallel_loop3A_284 : i32 to index
      %parallel_loop3A_286 = tpu.vector_load %arg6[%parallel_loop3A_285] {strides = array<i32>} : memref<20240xf32, #tpu.memory_space<vmem>>, vector<16xf32>,
      %parallel_loop3A_287 = vector.shape_cast %parallel_loop3A_286 : vector<16xf32> to vector<16xf32>
      %parallel_loop3A_288 = math.exp %parallel_loop3A_287 : vector<16xf32>
      %parallel_loop3A_289 = arith.addf %parallel_loop3A_220, %parallel_loop3A_288 : vector<16xf32>
      %parallel_loop3A_290 = arith.constant 112 : i32
      %parallel_loop3A_291 = arith.addi %parallel_loop3A_240, %parallel_loop3A_290 : i32
      %parallel_loop3A_292 = arith.index_cast %parallel_loop3A_291 : i32 to index
      %parallel_loop3A_293 = tpu.vector_load %arg6[%parallel_loop3A_292] {strides = array<i32>} : memref<20240xf32, #tpu.memory_space<vmem>>, vector<16xf32>,
      %parallel_loop3A_294 = vector.shape_cast %parallel_loop3A_293 : vector<16xf32> to vector<16xf32>
      %parallel_loop3A_295 = math.exp %parallel_loop3A_294 : vector<16xf32>
      %parallel_loop3A_296 = arith.addf %parallel_loop3A_221, %parallel_loop3A_295 : vector<16xf32>
      %parallel_loop3A_297 = arith.constant 128 : i32
      %parallel_loop3A_298 = arith.addi %parallel_loop3A_240, %parallel_loop3A_297 : i32
      %parallel_loop3A_299 = arith.index_cast %parallel_loop3A_298 : i32 to index
      %parallel_loop3A_300 = tpu.vector_load %arg6[%parallel_loop3A_299] {strides = array<i32>} : memref<20240xf32, #tpu.memory_space<vmem>>, vector<16xf32>,
      %parallel_loop3A_301 = vector.shape_cast %parallel_loop3A_300 : vector<16xf32> to vector<16xf32>
      %parallel_loop3A_302 = math.exp %parallel_loop3A_301 : vector<16xf32>
      %parallel_loop3A_303 = arith.addf %parallel_loop3A_222, %parallel_loop3A_302 : vector<16xf32>
      %parallel_loop3A_304 = arith.constant 144 : i32
      %parallel_loop3A_305 = arith.addi %parallel_loop3A_240, %parallel_loop3A_304 : i32
      %parallel_loop3A_306 = arith.index_cast %parallel_loop3A_305 : i32 to index
      %parallel_loop3A_307 = tpu.vector_load %arg6[%parallel_loop3A_306] {strides = array<i32>} : memref<20240xf32, #tpu.memory_space<vmem>>, vector<16xf32>,
      %parallel_loop3A_308 = vector.shape_cast %parallel_loop3A_307 : vector<16xf32> to vector<16xf32>
      %parallel_loop3A_309 = math.exp %parallel_loop3A_308 : vector<16xf32>
      %parallel_loop3A_310 = arith.addf %parallel_loop3A_223, %parallel_loop3A_309 : vector<16xf32>
      %parallel_loop3A_311 = arith.constant 160 : i32
      %parallel_loop3A_312 = arith.addi %parallel_loop3A_240, %parallel_loop3A_311 : i32
      %parallel_loop3A_313 = arith.index_cast %parallel_loop3A_312 : i32 to index
      %parallel_loop3A_314 = tpu.vector_load %arg6[%parallel_loop3A_313] {strides = array<i32>} : memref<20240xf32, #tpu.memory_space<vmem>>, vector<16xf32>,
      %parallel_loop3A_315 = vector.shape_cast %parallel_loop3A_314 : vector<16xf32> to vector<16xf32>
      %parallel_loop3A_316 = math.exp %parallel_loop3A_315 : vector<16xf32>
      %parallel_loop3A_317 = arith.addf %parallel_loop3A_224, %parallel_loop3A_316 : vector<16xf32>
      %parallel_loop3A_318 = arith.constant 176 : i32
      %parallel_loop3A_319 = arith.addi %parallel_loop3A_240, %parallel_loop3A_318 : i32
      %parallel_loop3A_320 = arith.index_cast %parallel_loop3A_319 : i32 to index
      %parallel_loop3A_321 = tpu.vector_load %arg6[%parallel_loop3A_320] {strides = array<i32>} : memref<20240xf32, #tpu.memory_space<vmem>>, vector<16xf32>,
      %parallel_loop3A_322 = vector.shape_cast %parallel_loop3A_321 : vector<16xf32> to vector<16xf32>
      %parallel_loop3A_323 = math.exp %parallel_loop3A_322 : vector<16xf32>
      %parallel_loop3A_324 = arith.addf %parallel_loop3A_225, %parallel_loop3A_323 : vector<16xf32>
      %parallel_loop3A_325 = arith.constant 192 : i32
      %parallel_loop3A_326 = arith.addi %parallel_loop3A_240, %parallel_loop3A_325 : i32
      %parallel_loop3A_327 = arith.index_cast %parallel_loop3A_326 : i32 to index
      %parallel_loop3A_328 = tpu.vector_load %arg6[%parallel_loop3A_327] {strides = array<i32>} : memref<20240xf32, #tpu.memory_space<vmem>>, vector<16xf32>,
      %parallel_loop3A_329 = vector.shape_cast %parallel_loop3A_328 : vector<16xf32> to vector<16xf32>
      %parallel_loop3A_330 = math.exp %parallel_loop3A_329 : vector<16xf32>
      %parallel_loop3A_331 = arith.addf %parallel_loop3A_226, %parallel_loop3A_330 : vector<16xf32>
      %parallel_loop3A_332 = arith.constant 208 : i32
      %parallel_loop3A_333 = arith.addi %parallel_loop3A_240, %parallel_loop3A_332 : i32
      %parallel_loop3A_334 = arith.index_cast %parallel_loop3A_333 : i32 to index
      %parallel_loop3A_335 = tpu.vector_load %arg6[%parallel_loop3A_334] {strides = array<i32>} : memref<20240xf32, #tpu.memory_space<vmem>>, vector<16xf32>,
      %parallel_loop3A_336 = vector.shape_cast %parallel_loop3A_335 : vector<16xf32> to vector<16xf32>
      %parallel_loop3A_337 = math.exp %parallel_loop3A_336 : vector<16xf32>
      %parallel_loop3A_338 = arith.addf %parallel_loop3A_227, %parallel_loop3A_337 : vector<16xf32>
      %parallel_loop3A_339 = arith.constant 224 : i32
      %parallel_loop3A_340 = arith.addi %parallel_loop3A_240, %parallel_loop3A_339 : i32
      %parallel_loop3A_341 = arith.index_cast %parallel_loop3A_340 : i32 to index
      %parallel_loop3A_342 = tpu.vector_load %arg6[%parallel_loop3A_341] {strides = array<i32>} : memref<20240xf32, #tpu.memory_space<vmem>>, vector<16xf32>,
      %parallel_loop3A_343 = vector.shape_cast %parallel_loop3A_342 : vector<16xf32> to vector<16xf32>
      %parallel_loop3A_344 = math.exp %parallel_loop3A_343 : vector<16xf32>
      %parallel_loop3A_345 = arith.addf %parallel_loop3A_228, %parallel_loop3A_344 : vector<16xf32>
      %parallel_loop3A_346 = arith.constant 240 : i32
      %parallel_loop3A_347 = arith.addi %parallel_loop3A_240, %parallel_loop3A_346 : i32
      %parallel_loop3A_348 = arith.index_cast %parallel_loop3A_347 : i32 to index
      %parallel_loop3A_349 = tpu.vector_load %arg6[%parallel_loop3A_348] {strides = array<i32>} : memref<20240xf32, #tpu.memory_space<vmem>>, vector<16xf32>,
      %parallel_loop3A_350 = vector.shape_cast %parallel_loop3A_349 : vector<16xf32> to vector<16xf32>
      %parallel_loop3A_351 = math.exp %parallel_loop3A_350 : vector<16xf32>
      %parallel_loop3A_352 = arith.addf %parallel_loop3A_229, %parallel_loop3A_351 : vector<16xf32>
      %parallel_loop3A_353 = arith.constant 256 : i32
      %parallel_loop3A_354 = arith.addi %parallel_loop3A_240, %parallel_loop3A_353 : i32
      %parallel_loop3A_355 = arith.index_cast %parallel_loop3A_354 : i32 to index
      %parallel_loop3A_356 = tpu.vector_load %arg6[%parallel_loop3A_355] {strides = array<i32>} : memref<20240xf32, #tpu.memory_space<vmem>>, vector<16xf32>,
      %parallel_loop3A_357 = vector.shape_cast %parallel_loop3A_356 : vector<16xf32> to vector<16xf32>
      %parallel_loop3A_358 = math.exp %parallel_loop3A_357 : vector<16xf32>
      %parallel_loop3A_359 = arith.addf %parallel_loop3A_230, %parallel_loop3A_358 : vector<16xf32>
      %parallel_loop3A_360 = arith.constant 272 : i32
      %parallel_loop3A_361 = arith.addi %parallel_loop3A_240, %parallel_loop3A_360 : i32
      %parallel_loop3A_362 = arith.index_cast %parallel_loop3A_361 : i32 to index
      %parallel_loop3A_363 = tpu.vector_load %arg6[%parallel_loop3A_362] {strides = array<i32>} : memref<20240xf32, #tpu.memory_space<vmem>>, vector<16xf32>,
      %parallel_loop3A_364 = vector.shape_cast %parallel_loop3A_363 : vector<16xf32> to vector<16xf32>
      %parallel_loop3A_365 = math.exp %parallel_loop3A_364 : vector<16xf32>
      %parallel_loop3A_366 = arith.addf %parallel_loop3A_231, %parallel_loop3A_365 : vector<16xf32>
      %parallel_loop3A_367 = arith.constant 288 : i32
      %parallel_loop3A_368 = arith.addi %parallel_loop3A_240, %parallel_loop3A_367 : i32
      %parallel_loop3A_369 = arith.index_cast %parallel_loop3A_368 : i32 to index
      %parallel_loop3A_370 = tpu.vector_load %arg6[%parallel_loop3A_369] {strides = array<i32>} : memref<20240xf32, #tpu.memory_space<vmem>>, vector<16xf32>,
      %parallel_loop3A_371 = vector.shape_cast %parallel_loop3A_370 : vector<16xf32> to vector<16xf32>
      %parallel_loop3A_372 = math.exp %parallel_loop3A_371 : vector<16xf32>
      %parallel_loop3A_373 = arith.addf %parallel_loop3A_232, %parallel_loop3A_372 : vector<16xf32>
      %parallel_loop3A_374 = arith.constant 304 : i32
      %parallel_loop3A_375 = arith.addi %parallel_loop3A_240, %parallel_loop3A_374 : i32
      %parallel_loop3A_376 = arith.index_cast %parallel_loop3A_375 : i32 to index
      %parallel_loop3A_377 = tpu.vector_load %arg6[%parallel_loop3A_376] {strides = array<i32>} : memref<20240xf32, #tpu.memory_space<vmem>>, vector<16xf32>,
      %parallel_loop3A_378 = vector.shape_cast %parallel_loop3A_377 : vector<16xf32> to vector<16xf32>
      %parallel_loop3A_379 = math.exp %parallel_loop3A_378 : vector<16xf32>
      %parallel_loop3A_380 = arith.addf %parallel_loop3A_233, %parallel_loop3A_379 : vector<16xf32>
      %parallel_loop3A_381 = arith.constant 320 : i32
      %parallel_loop3A_382 = arith.addi %parallel_loop3A_240, %parallel_loop3A_381 : i32
      %parallel_loop3A_383 = arith.index_cast %parallel_loop3A_382 : i32 to index
      %parallel_loop3A_384 = tpu.vector_load %arg6[%parallel_loop3A_383] {strides = array<i32>} : memref<20240xf32, #tpu.memory_space<vmem>>, vector<16xf32>,
      %parallel_loop3A_385 = vector.shape_cast %parallel_loop3A_384 : vector<16xf32> to vector<16xf32>
      %parallel_loop3A_386 = math.exp %parallel_loop3A_385 : vector<16xf32>
      %parallel_loop3A_387 = arith.addf %parallel_loop3A_234, %parallel_loop3A_386 : vector<16xf32>
      %parallel_loop3A_388 = arith.constant 336 : i32
      %parallel_loop3A_389 = arith.addi %parallel_loop3A_240, %parallel_loop3A_388 : i32
      %parallel_loop3A_390 = arith.index_cast %parallel_loop3A_389 : i32 to index
      %parallel_loop3A_391 = tpu.vector_load %arg6[%parallel_loop3A_390] {strides = array<i32>} : memref<20240xf32, #tpu.memory_space<vmem>>, vector<16xf32>,
      %parallel_loop3A_392 = vector.shape_cast %parallel_loop3A_391 : vector<16xf32> to vector<16xf32>
      %parallel_loop3A_393 = math.exp %parallel_loop3A_392 : vector<16xf32>
      %parallel_loop3A_394 = arith.addf %parallel_loop3A_235, %parallel_loop3A_393 : vector<16xf32>
      %parallel_loop3A_395 = arith.constant 352 : i32
      %parallel_loop3A_396 = arith.addi %parallel_loop3A_240, %parallel_loop3A_395 : i32
      %parallel_loop3A_397 = arith.index_cast %parallel_loop3A_396 : i32 to index
      %parallel_loop3A_398 = tpu.vector_load %arg6[%parallel_loop3A_397] {strides = array<i32>} : memref<20240xf32, #tpu.memory_space<vmem>>, vector<16xf32>,
      %parallel_loop3A_399 = vector.shape_cast %parallel_loop3A_398 : vector<16xf32> to vector<16xf32>
      %parallel_loop3A_400 = math.exp %parallel_loop3A_399 : vector<16xf32>
      %parallel_loop3A_401 = arith.addf %parallel_loop3A_236, %parallel_loop3A_400 : vector<16xf32>
      scf.yield %parallel_loop3A_247, %parallel_loop3A_254, %parallel_loop3A_261, %parallel_loop3A_268, %parallel_loop3A_275, %parallel_loop3A_282, %parallel_loop3A_289, %parallel_loop3A_296, %parallel_loop3A_303, %parallel_loop3A_310, %parallel_loop3A_317, %parallel_loop3A_324, %parallel_loop3A_331, %parallel_loop3A_338, %parallel_loop3A_345, %parallel_loop3A_352, %parallel_loop3A_359, %parallel_loop3A_366, %parallel_loop3A_373, %parallel_loop3A_380, %parallel_loop3A_387, %parallel_loop3A_394, %parallel_loop3A_401 : vector<16xf32>, vector<16xf32>, vector<16xf32>, vector<16xf32>, vector<16xf32>, vector<16xf32>, vector<16xf32>, vector<16xf32>, vector<16xf32>, vector<16xf32>, vector<16xf32>, vector<16xf32>, vector<16xf32>, vector<16xf32>, vector<16xf32>, vector<16xf32>, vector<16xf32>, vector<16xf32>, vector<16xf32>, vector<16xf32>, vector<16xf32>, vector<16xf32>, vector<16xf32>
    } {sc.loop_unroll_factor = 1 : i64, sc.parallel_access}
    %dma_wait3A_137 = arith.constant 12144 : i32
    %dma_wait3A_138 = tpu.memref_slice %arg6[%dma_wait3A_137] : memref<20240xf32, #tpu.memory_space<vmem>> -> memref<4048xf32, #tpu.memory_space<vmem>>
    %dma_wait3A_139 = tpu.memref_slice %arg2[%add3A_41] : memref<1000000xf32, #tpu.memory_space<hbm>> -> memref<4048xf32, #tpu.memory_space<hbm>>
    %dma_wait3A_140 = arith.constant 12144 : i32
    %dma_wait3A_141 = tpu.memref_slice %arg6[%dma_wait3A_140] : memref<20240xf32, #tpu.memory_space<vmem>> -> memref<4048xf32, #tpu.memory_space<vmem>>
    %dma_wait3A_142 = tpu.memref_slice %arg2[%add3A_41] : memref<1000000xf32, #tpu.memory_space<hbm>> -> memref<4048xf32, #tpu.memory_space<hbm>>
    tpu.wait_dma2 semaphore(%arg15 : memref<!tpu.dma_semaphore, #tpu.memory_space<semaphore_mem>>) src(%dma_wait3A_142 : memref<4048xf32, #tpu.memory_space<hbm>>) dst(%dma_wait3A_141 : memref<4048xf32, #tpu.memory_space<vmem>>)
    %parallel_loop3A_143 = arith.constant 0 : i32
    %parallel_loop3A_144 = arith.constant 11 : i32
    %parallel_loop3A_145 = arith.constant 1 : i32
    %parallel_loop3A_146:23 = scf.for %parallel_loop3A_213 = %parallel_loop3A_143 to %parallel_loop3A_144 step %parallel_loop3A_145 iter_args(%parallel_loop3A_214 = %parallel_loop3A_136#0, %parallel_loop3A_215 = %parallel_loop3A_136#1, %parallel_loop3A_216 = %parallel_loop3A_136#2, %parallel_loop3A_217 = %parallel_loop3A_136#3, %parallel_loop3A_218 = %parallel_loop3A_136#4, %parallel_loop3A_219 = %parallel_loop3A_136#5, %parallel_loop3A_220 = %parallel_loop3A_136#6, %parallel_loop3A_221 = %parallel_loop3A_136#7, %parallel_loop3A_222 = %parallel_loop3A_136#8, %parallel_loop3A_223 = %parallel_loop3A_136#9, %parallel_loop3A_224 = %parallel_loop3A_136#10, %parallel_loop3A_225 = %parallel_loop3A_136#11, %parallel_loop3A_226 = %parallel_loop3A_136#12, %parallel_loop3A_227 = %parallel_loop3A_136#13, %parallel_loop3A_228 = %parallel_loop3A_136#14, %parallel_loop3A_229 = %parallel_loop3A_136#15, %parallel_loop3A_230 = %parallel_loop3A_136#16, %parallel_loop3A_231 = %parallel_loop3A_136#17, %parallel_loop3A_232 = %parallel_loop3A_136#18, %parallel_loop3A_233 = %parallel_loop3A_136#19, %parallel_loop3A_234 = %parallel_loop3A_136#20, %parallel_loop3A_235 = %parallel_loop3A_136#21, %parallel_loop3A_236 = %parallel_loop3A_136#22) -> (vector<16xf32>, vector<16xf32>, vector<16xf32>, vector<16xf32>, vector<16xf32>, vector<16xf32>, vector<16xf32>, vector<16xf32>, vector<16xf32>, vector<16xf32>, vector<16xf32>, vector<16xf32>, vector<16xf32>, vector<16xf32>, vector<16xf32>, vector<16xf32>, vector<16xf32>, vector<16xf32>, vector<16xf32>, vector<16xf32>, vector<16xf32>, vector<16xf32>, vector<16xf32>)  : i32 {
      %parallel_loop3A_237 = arith.constant 368 : i32
      %parallel_loop3A_238 = arith.muli %parallel_loop3A_213, %parallel_loop3A_237 : i32
      %parallel_loop3A_239 = arith.constant 12144 : i32
      %parallel_loop3A_240 = arith.addi %parallel_loop3A_239, %parallel_loop3A_238 : i32
      %parallel_loop3A_241 = arith.constant 0 : i32
      %parallel_loop3A_242 = arith.addi %parallel_loop3A_240, %parallel_loop3A_241 : i32
      %parallel_loop3A_243 = arith.index_cast %parallel_loop3A_242 : i32 to index
      %parallel_loop3A_244 = tpu.vector_load %arg6[%parallel_loop3A_243] {strides = array<i32>} : memref<20240xf32, #tpu.memory_space<vmem>>, vector<16xf32>,
      %parallel_loop3A_245 = vector.shape_cast %parallel_loop3A_244 : vector<16xf32> to vector<16xf32>
      %parallel_loop3A_246 = math.exp %parallel_loop3A_245 : vector<16xf32>
      %parallel_loop3A_247 = arith.addf %parallel_loop3A_214, %parallel_loop3A_246 : vector<16xf32>
      %parallel_loop3A_248 = arith.constant 16 : i32
      %parallel_loop3A_249 = arith.addi %parallel_loop3A_240, %parallel_loop3A_248 : i32
      %parallel_loop3A_250 = arith.index_cast %parallel_loop3A_249 : i32 to index
      %parallel_loop3A_251 = tpu.vector_load %arg6[%parallel_loop3A_250] {strides = array<i32>} : memref<20240xf32, #tpu.memory_space<vmem>>, vector<16xf32>,
      %parallel_loop3A_252 = vector.shape_cast %parallel_loop3A_251 : vector<16xf32> to vector<16xf32>
      %parallel_loop3A_253 = math.exp %parallel_loop3A_252 : vector<16xf32>
      %parallel_loop3A_254 = arith.addf %parallel_loop3A_215, %parallel_loop3A_253 : vector<16xf32>
      %parallel_loop3A_255 = arith.constant 32 : i32
      %parallel_loop3A_256 = arith.addi %parallel_loop3A_240, %parallel_loop3A_255 : i32
      %parallel_loop3A_257 = arith.index_cast %parallel_loop3A_256 : i32 to index
      %parallel_loop3A_258 = tpu.vector_load %arg6[%parallel_loop3A_257] {strides = array<i32>} : memref<20240xf32, #tpu.memory_space<vmem>>, vector<16xf32>,
      %parallel_loop3A_259 = vector.shape_cast %parallel_loop3A_258 : vector<16xf32> to vector<16xf32>
      %parallel_loop3A_260 = math.exp %parallel_loop3A_259 : vector<16xf32>
      %parallel_loop3A_261 = arith.addf %parallel_loop3A_216, %parallel_loop3A_260 : vector<16xf32>
      %parallel_loop3A_262 = arith.constant 48 : i32
      %parallel_loop3A_263 = arith.addi %parallel_loop3A_240, %parallel_loop3A_262 : i32
      %parallel_loop3A_264 = arith.index_cast %parallel_loop3A_263 : i32 to index
      %parallel_loop3A_265 = tpu.vector_load %arg6[%parallel_loop3A_264] {strides = array<i32>} : memref<20240xf32, #tpu.memory_space<vmem>>, vector<16xf32>,
      %parallel_loop3A_266 = vector.shape_cast %parallel_loop3A_265 : vector<16xf32> to vector<16xf32>
      %parallel_loop3A_267 = math.exp %parallel_loop3A_266 : vector<16xf32>
      %parallel_loop3A_268 = arith.addf %parallel_loop3A_217, %parallel_loop3A_267 : vector<16xf32>
      %parallel_loop3A_269 = arith.constant 64 : i32
      %parallel_loop3A_270 = arith.addi %parallel_loop3A_240, %parallel_loop3A_269 : i32
      %parallel_loop3A_271 = arith.index_cast %parallel_loop3A_270 : i32 to index
      %parallel_loop3A_272 = tpu.vector_load %arg6[%parallel_loop3A_271] {strides = array<i32>} : memref<20240xf32, #tpu.memory_space<vmem>>, vector<16xf32>,
      %parallel_loop3A_273 = vector.shape_cast %parallel_loop3A_272 : vector<16xf32> to vector<16xf32>
      %parallel_loop3A_274 = math.exp %parallel_loop3A_273 : vector<16xf32>
      %parallel_loop3A_275 = arith.addf %parallel_loop3A_218, %parallel_loop3A_274 : vector<16xf32>
      %parallel_loop3A_276 = arith.constant 80 : i32
      %parallel_loop3A_277 = arith.addi %parallel_loop3A_240, %parallel_loop3A_276 : i32
      %parallel_loop3A_278 = arith.index_cast %parallel_loop3A_277 : i32 to index
      %parallel_loop3A_279 = tpu.vector_load %arg6[%parallel_loop3A_278] {strides = array<i32>} : memref<20240xf32, #tpu.memory_space<vmem>>, vector<16xf32>,
      %parallel_loop3A_280 = vector.shape_cast %parallel_loop3A_279 : vector<16xf32> to vector<16xf32>
      %parallel_loop3A_281 = math.exp %parallel_loop3A_280 : vector<16xf32>
      %parallel_loop3A_282 = arith.addf %parallel_loop3A_219, %parallel_loop3A_281 : vector<16xf32>
      %parallel_loop3A_283 = arith.constant 96 : i32
      %parallel_loop3A_284 = arith.addi %parallel_loop3A_240, %parallel_loop3A_283 : i32
      %parallel_loop3A_285 = arith.index_cast %parallel_loop3A_284 : i32 to index
      %parallel_loop3A_286 = tpu.vector_load %arg6[%parallel_loop3A_285] {strides = array<i32>} : memref<20240xf32, #tpu.memory_space<vmem>>, vector<16xf32>,
      %parallel_loop3A_287 = vector.shape_cast %parallel_loop3A_286 : vector<16xf32> to vector<16xf32>
      %parallel_loop3A_288 = math.exp %parallel_loop3A_287 : vector<16xf32>
      %parallel_loop3A_289 = arith.addf %parallel_loop3A_220, %parallel_loop3A_288 : vector<16xf32>
      %parallel_loop3A_290 = arith.constant 112 : i32
      %parallel_loop3A_291 = arith.addi %parallel_loop3A_240, %parallel_loop3A_290 : i32
      %parallel_loop3A_292 = arith.index_cast %parallel_loop3A_291 : i32 to index
      %parallel_loop3A_293 = tpu.vector_load %arg6[%parallel_loop3A_292] {strides = array<i32>} : memref<20240xf32, #tpu.memory_space<vmem>>, vector<16xf32>,
      %parallel_loop3A_294 = vector.shape_cast %parallel_loop3A_293 : vector<16xf32> to vector<16xf32>
      %parallel_loop3A_295 = math.exp %parallel_loop3A_294 : vector<16xf32>
      %parallel_loop3A_296 = arith.addf %parallel_loop3A_221, %parallel_loop3A_295 : vector<16xf32>
      %parallel_loop3A_297 = arith.constant 128 : i32
      %parallel_loop3A_298 = arith.addi %parallel_loop3A_240, %parallel_loop3A_297 : i32
      %parallel_loop3A_299 = arith.index_cast %parallel_loop3A_298 : i32 to index
      %parallel_loop3A_300 = tpu.vector_load %arg6[%parallel_loop3A_299] {strides = array<i32>} : memref<20240xf32, #tpu.memory_space<vmem>>, vector<16xf32>,
      %parallel_loop3A_301 = vector.shape_cast %parallel_loop3A_300 : vector<16xf32> to vector<16xf32>
      %parallel_loop3A_302 = math.exp %parallel_loop3A_301 : vector<16xf32>
      %parallel_loop3A_303 = arith.addf %parallel_loop3A_222, %parallel_loop3A_302 : vector<16xf32>
      %parallel_loop3A_304 = arith.constant 144 : i32
      %parallel_loop3A_305 = arith.addi %parallel_loop3A_240, %parallel_loop3A_304 : i32
      %parallel_loop3A_306 = arith.index_cast %parallel_loop3A_305 : i32 to index
      %parallel_loop3A_307 = tpu.vector_load %arg6[%parallel_loop3A_306] {strides = array<i32>} : memref<20240xf32, #tpu.memory_space<vmem>>, vector<16xf32>,
      %parallel_loop3A_308 = vector.shape_cast %parallel_loop3A_307 : vector<16xf32> to vector<16xf32>
      %parallel_loop3A_309 = math.exp %parallel_loop3A_308 : vector<16xf32>
      %parallel_loop3A_310 = arith.addf %parallel_loop3A_223, %parallel_loop3A_309 : vector<16xf32>
      %parallel_loop3A_311 = arith.constant 160 : i32
      %parallel_loop3A_312 = arith.addi %parallel_loop3A_240, %parallel_loop3A_311 : i32
      %parallel_loop3A_313 = arith.index_cast %parallel_loop3A_312 : i32 to index
      %parallel_loop3A_314 = tpu.vector_load %arg6[%parallel_loop3A_313] {strides = array<i32>} : memref<20240xf32, #tpu.memory_space<vmem>>, vector<16xf32>,
      %parallel_loop3A_315 = vector.shape_cast %parallel_loop3A_314 : vector<16xf32> to vector<16xf32>
      %parallel_loop3A_316 = math.exp %parallel_loop3A_315 : vector<16xf32>
      %parallel_loop3A_317 = arith.addf %parallel_loop3A_224, %parallel_loop3A_316 : vector<16xf32>
      %parallel_loop3A_318 = arith.constant 176 : i32
      %parallel_loop3A_319 = arith.addi %parallel_loop3A_240, %parallel_loop3A_318 : i32
      %parallel_loop3A_320 = arith.index_cast %parallel_loop3A_319 : i32 to index
      %parallel_loop3A_321 = tpu.vector_load %arg6[%parallel_loop3A_320] {strides = array<i32>} : memref<20240xf32, #tpu.memory_space<vmem>>, vector<16xf32>,
      %parallel_loop3A_322 = vector.shape_cast %parallel_loop3A_321 : vector<16xf32> to vector<16xf32>
      %parallel_loop3A_323 = math.exp %parallel_loop3A_322 : vector<16xf32>
      %parallel_loop3A_324 = arith.addf %parallel_loop3A_225, %parallel_loop3A_323 : vector<16xf32>
      %parallel_loop3A_325 = arith.constant 192 : i32
      %parallel_loop3A_326 = arith.addi %parallel_loop3A_240, %parallel_loop3A_325 : i32
      %parallel_loop3A_327 = arith.index_cast %parallel_loop3A_326 : i32 to index
      %parallel_loop3A_328 = tpu.vector_load %arg6[%parallel_loop3A_327] {strides = array<i32>} : memref<20240xf32, #tpu.memory_space<vmem>>, vector<16xf32>,
      %parallel_loop3A_329 = vector.shape_cast %parallel_loop3A_328 : vector<16xf32> to vector<16xf32>
      %parallel_loop3A_330 = math.exp %parallel_loop3A_329 : vector<16xf32>
      %parallel_loop3A_331 = arith.addf %parallel_loop3A_226, %parallel_loop3A_330 : vector<16xf32>
      %parallel_loop3A_332 = arith.constant 208 : i32
      %parallel_loop3A_333 = arith.addi %parallel_loop3A_240, %parallel_loop3A_332 : i32
      %parallel_loop3A_334 = arith.index_cast %parallel_loop3A_333 : i32 to index
      %parallel_loop3A_335 = tpu.vector_load %arg6[%parallel_loop3A_334] {strides = array<i32>} : memref<20240xf32, #tpu.memory_space<vmem>>, vector<16xf32>,
      %parallel_loop3A_336 = vector.shape_cast %parallel_loop3A_335 : vector<16xf32> to vector<16xf32>
      %parallel_loop3A_337 = math.exp %parallel_loop3A_336 : vector<16xf32>
      %parallel_loop3A_338 = arith.addf %parallel_loop3A_227, %parallel_loop3A_337 : vector<16xf32>
      %parallel_loop3A_339 = arith.constant 224 : i32
      %parallel_loop3A_340 = arith.addi %parallel_loop3A_240, %parallel_loop3A_339 : i32
      %parallel_loop3A_341 = arith.index_cast %parallel_loop3A_340 : i32 to index
      %parallel_loop3A_342 = tpu.vector_load %arg6[%parallel_loop3A_341] {strides = array<i32>} : memref<20240xf32, #tpu.memory_space<vmem>>, vector<16xf32>,
      %parallel_loop3A_343 = vector.shape_cast %parallel_loop3A_342 : vector<16xf32> to vector<16xf32>
      %parallel_loop3A_344 = math.exp %parallel_loop3A_343 : vector<16xf32>
      %parallel_loop3A_345 = arith.addf %parallel_loop3A_228, %parallel_loop3A_344 : vector<16xf32>
      %parallel_loop3A_346 = arith.constant 240 : i32
      %parallel_loop3A_347 = arith.addi %parallel_loop3A_240, %parallel_loop3A_346 : i32
      %parallel_loop3A_348 = arith.index_cast %parallel_loop3A_347 : i32 to index
      %parallel_loop3A_349 = tpu.vector_load %arg6[%parallel_loop3A_348] {strides = array<i32>} : memref<20240xf32, #tpu.memory_space<vmem>>, vector<16xf32>,
      %parallel_loop3A_350 = vector.shape_cast %parallel_loop3A_349 : vector<16xf32> to vector<16xf32>
      %parallel_loop3A_351 = math.exp %parallel_loop3A_350 : vector<16xf32>
      %parallel_loop3A_352 = arith.addf %parallel_loop3A_229, %parallel_loop3A_351 : vector<16xf32>
      %parallel_loop3A_353 = arith.constant 256 : i32
      %parallel_loop3A_354 = arith.addi %parallel_loop3A_240, %parallel_loop3A_353 : i32
      %parallel_loop3A_355 = arith.index_cast %parallel_loop3A_354 : i32 to index
      %parallel_loop3A_356 = tpu.vector_load %arg6[%parallel_loop3A_355] {strides = array<i32>} : memref<20240xf32, #tpu.memory_space<vmem>>, vector<16xf32>,
      %parallel_loop3A_357 = vector.shape_cast %parallel_loop3A_356 : vector<16xf32> to vector<16xf32>
      %parallel_loop3A_358 = math.exp %parallel_loop3A_357 : vector<16xf32>
      %parallel_loop3A_359 = arith.addf %parallel_loop3A_230, %parallel_loop3A_358 : vector<16xf32>
      %parallel_loop3A_360 = arith.constant 272 : i32
      %parallel_loop3A_361 = arith.addi %parallel_loop3A_240, %parallel_loop3A_360 : i32
      %parallel_loop3A_362 = arith.index_cast %parallel_loop3A_361 : i32 to index
      %parallel_loop3A_363 = tpu.vector_load %arg6[%parallel_loop3A_362] {strides = array<i32>} : memref<20240xf32, #tpu.memory_space<vmem>>, vector<16xf32>,
      %parallel_loop3A_364 = vector.shape_cast %parallel_loop3A_363 : vector<16xf32> to vector<16xf32>
      %parallel_loop3A_365 = math.exp %parallel_loop3A_364 : vector<16xf32>
      %parallel_loop3A_366 = arith.addf %parallel_loop3A_231, %parallel_loop3A_365 : vector<16xf32>
      %parallel_loop3A_367 = arith.constant 288 : i32
      %parallel_loop3A_368 = arith.addi %parallel_loop3A_240, %parallel_loop3A_367 : i32
      %parallel_loop3A_369 = arith.index_cast %parallel_loop3A_368 : i32 to index
      %parallel_loop3A_370 = tpu.vector_load %arg6[%parallel_loop3A_369] {strides = array<i32>} : memref<20240xf32, #tpu.memory_space<vmem>>, vector<16xf32>,
      %parallel_loop3A_371 = vector.shape_cast %parallel_loop3A_370 : vector<16xf32> to vector<16xf32>
      %parallel_loop3A_372 = math.exp %parallel_loop3A_371 : vector<16xf32>
      %parallel_loop3A_373 = arith.addf %parallel_loop3A_232, %parallel_loop3A_372 : vector<16xf32>
      %parallel_loop3A_374 = arith.constant 304 : i32
      %parallel_loop3A_375 = arith.addi %parallel_loop3A_240, %parallel_loop3A_374 : i32
      %parallel_loop3A_376 = arith.index_cast %parallel_loop3A_375 : i32 to index
      %parallel_loop3A_377 = tpu.vector_load %arg6[%parallel_loop3A_376] {strides = array<i32>} : memref<20240xf32, #tpu.memory_space<vmem>>, vector<16xf32>,
      %parallel_loop3A_378 = vector.shape_cast %parallel_loop3A_377 : vector<16xf32> to vector<16xf32>
      %parallel_loop3A_379 = math.exp %parallel_loop3A_378 : vector<16xf32>
      %parallel_loop3A_380 = arith.addf %parallel_loop3A_233, %parallel_loop3A_379 : vector<16xf32>
      %parallel_loop3A_381 = arith.constant 320 : i32
      %parallel_loop3A_382 = arith.addi %parallel_loop3A_240, %parallel_loop3A_381 : i32
      %parallel_loop3A_383 = arith.index_cast %parallel_loop3A_382 : i32 to index
      %parallel_loop3A_384 = tpu.vector_load %arg6[%parallel_loop3A_383] {strides = array<i32>} : memref<20240xf32, #tpu.memory_space<vmem>>, vector<16xf32>,
      %parallel_loop3A_385 = vector.shape_cast %parallel_loop3A_384 : vector<16xf32> to vector<16xf32>
      %parallel_loop3A_386 = math.exp %parallel_loop3A_385 : vector<16xf32>
      %parallel_loop3A_387 = arith.addf %parallel_loop3A_234, %parallel_loop3A_386 : vector<16xf32>
      %parallel_loop3A_388 = arith.constant 336 : i32
      %parallel_loop3A_389 = arith.addi %parallel_loop3A_240, %parallel_loop3A_388 : i32
      %parallel_loop3A_390 = arith.index_cast %parallel_loop3A_389 : i32 to index
      %parallel_loop3A_391 = tpu.vector_load %arg6[%parallel_loop3A_390] {strides = array<i32>} : memref<20240xf32, #tpu.memory_space<vmem>>, vector<16xf32>,
      %parallel_loop3A_392 = vector.shape_cast %parallel_loop3A_391 : vector<16xf32> to vector<16xf32>
      %parallel_loop3A_393 = math.exp %parallel_loop3A_392 : vector<16xf32>
      %parallel_loop3A_394 = arith.addf %parallel_loop3A_235, %parallel_loop3A_393 : vector<16xf32>
      %parallel_loop3A_395 = arith.constant 352 : i32
      %parallel_loop3A_396 = arith.addi %parallel_loop3A_240, %parallel_loop3A_395 : i32
      %parallel_loop3A_397 = arith.index_cast %parallel_loop3A_396 : i32 to index
      %parallel_loop3A_398 = tpu.vector_load %arg6[%parallel_loop3A_397] {strides = array<i32>} : memref<20240xf32, #tpu.memory_space<vmem>>, vector<16xf32>,
      %parallel_loop3A_399 = vector.shape_cast %parallel_loop3A_398 : vector<16xf32> to vector<16xf32>
      %parallel_loop3A_400 = math.exp %parallel_loop3A_399 : vector<16xf32>
      %parallel_loop3A_401 = arith.addf %parallel_loop3A_236, %parallel_loop3A_400 : vector<16xf32>
      scf.yield %parallel_loop3A_247, %parallel_loop3A_254, %parallel_loop3A_261, %parallel_loop3A_268, %parallel_loop3A_275, %parallel_loop3A_282, %parallel_loop3A_289, %parallel_loop3A_296, %parallel_loop3A_303, %parallel_loop3A_310, %parallel_loop3A_317, %parallel_loop3A_324, %parallel_loop3A_331, %parallel_loop3A_338, %parallel_loop3A_345, %parallel_loop3A_352, %parallel_loop3A_359, %parallel_loop3A_366, %parallel_loop3A_373, %parallel_loop3A_380, %parallel_loop3A_387, %parallel_loop3A_394, %parallel_loop3A_401 : vector<16xf32>, vector<16xf32>, vector<16xf32>, vector<16xf32>, vector<16xf32>, vector<16xf32>, vector<16xf32>, vector<16xf32>, vector<16xf32>, vector<16xf32>, vector<16xf32>, vector<16xf32>, vector<16xf32>, vector<16xf32>, vector<16xf32>, vector<16xf32>, vector<16xf32>, vector<16xf32>, vector<16xf32>, vector<16xf32>, vector<16xf32>, vector<16xf32>, vector<16xf32>
    } {sc.loop_unroll_factor = 1 : i64, sc.parallel_access}
    %dma_wait3A_147 = arith.constant 16192 : i32
    %dma_wait3A_148 = tpu.memref_slice %arg6[%dma_wait3A_147] : memref<20240xf32, #tpu.memory_space<vmem>> -> memref<4048xf32, #tpu.memory_space<vmem>>
    %dma_wait3A_149 = tpu.memref_slice %arg2[%add3A_53] : memref<1000000xf32, #tpu.memory_space<hbm>> -> memref<4048xf32, #tpu.memory_space<hbm>>
    %dma_wait3A_150 = arith.constant 16192 : i32
    %dma_wait3A_151 = tpu.memref_slice %arg6[%dma_wait3A_150] : memref<20240xf32, #tpu.memory_space<vmem>> -> memref<4048xf32, #tpu.memory_space<vmem>>
    %dma_wait3A_152 = tpu.memref_slice %arg2[%add3A_53] : memref<1000000xf32, #tpu.memory_space<hbm>> -> memref<4048xf32, #tpu.memory_space<hbm>>
    tpu.wait_dma2 semaphore(%arg16 : memref<!tpu.dma_semaphore, #tpu.memory_space<semaphore_mem>>) src(%dma_wait3A_152 : memref<4048xf32, #tpu.memory_space<hbm>>) dst(%dma_wait3A_151 : memref<4048xf32, #tpu.memory_space<vmem>>)
    %parallel_loop3A_153 = arith.constant 0 : i32
    %parallel_loop3A_154 = arith.constant 11 : i32
    %parallel_loop3A_155 = arith.constant 1 : i32
    %parallel_loop3A_156:23 = scf.for %parallel_loop3A_213 = %parallel_loop3A_153 to %parallel_loop3A_154 step %parallel_loop3A_155 iter_args(%parallel_loop3A_214 = %parallel_loop3A_146#0, %parallel_loop3A_215 = %parallel_loop3A_146#1, %parallel_loop3A_216 = %parallel_loop3A_146#2, %parallel_loop3A_217 = %parallel_loop3A_146#3, %parallel_loop3A_218 = %parallel_loop3A_146#4, %parallel_loop3A_219 = %parallel_loop3A_146#5, %parallel_loop3A_220 = %parallel_loop3A_146#6, %parallel_loop3A_221 = %parallel_loop3A_146#7, %parallel_loop3A_222 = %parallel_loop3A_146#8, %parallel_loop3A_223 = %parallel_loop3A_146#9, %parallel_loop3A_224 = %parallel_loop3A_146#10, %parallel_loop3A_225 = %parallel_loop3A_146#11, %parallel_loop3A_226 = %parallel_loop3A_146#12, %parallel_loop3A_227 = %parallel_loop3A_146#13, %parallel_loop3A_228 = %parallel_loop3A_146#14, %parallel_loop3A_229 = %parallel_loop3A_146#15, %parallel_loop3A_230 = %parallel_loop3A_146#16, %parallel_loop3A_231 = %parallel_loop3A_146#17, %parallel_loop3A_232 = %parallel_loop3A_146#18, %parallel_loop3A_233 = %parallel_loop3A_146#19, %parallel_loop3A_234 = %parallel_loop3A_146#20, %parallel_loop3A_235 = %parallel_loop3A_146#21, %parallel_loop3A_236 = %parallel_loop3A_146#22) -> (vector<16xf32>, vector<16xf32>, vector<16xf32>, vector<16xf32>, vector<16xf32>, vector<16xf32>, vector<16xf32>, vector<16xf32>, vector<16xf32>, vector<16xf32>, vector<16xf32>, vector<16xf32>, vector<16xf32>, vector<16xf32>, vector<16xf32>, vector<16xf32>, vector<16xf32>, vector<16xf32>, vector<16xf32>, vector<16xf32>, vector<16xf32>, vector<16xf32>, vector<16xf32>)  : i32 {
      %parallel_loop3A_237 = arith.constant 368 : i32
      %parallel_loop3A_238 = arith.muli %parallel_loop3A_213, %parallel_loop3A_237 : i32
      %parallel_loop3A_239 = arith.constant 16192 : i32
      %parallel_loop3A_240 = arith.addi %parallel_loop3A_239, %parallel_loop3A_238 : i32
      %parallel_loop3A_241 = arith.constant 0 : i32
      %parallel_loop3A_242 = arith.addi %parallel_loop3A_240, %parallel_loop3A_241 : i32
      %parallel_loop3A_243 = arith.index_cast %parallel_loop3A_242 : i32 to index
      %parallel_loop3A_244 = tpu.vector_load %arg6[%parallel_loop3A_243] {strides = array<i32>} : memref<20240xf32, #tpu.memory_space<vmem>>, vector<16xf32>,
      %parallel_loop3A_245 = vector.shape_cast %parallel_loop3A_244 : vector<16xf32> to vector<16xf32>
      %parallel_loop3A_246 = math.exp %parallel_loop3A_245 : vector<16xf32>
      %parallel_loop3A_247 = arith.addf %parallel_loop3A_214, %parallel_loop3A_246 : vector<16xf32>
      %parallel_loop3A_248 = arith.constant 16 : i32
      %parallel_loop3A_249 = arith.addi %parallel_loop3A_240, %parallel_loop3A_248 : i32
      %parallel_loop3A_250 = arith.index_cast %parallel_loop3A_249 : i32 to index
      %parallel_loop3A_251 = tpu.vector_load %arg6[%parallel_loop3A_250] {strides = array<i32>} : memref<20240xf32, #tpu.memory_space<vmem>>, vector<16xf32>,
      %parallel_loop3A_252 = vector.shape_cast %parallel_loop3A_251 : vector<16xf32> to vector<16xf32>
      %parallel_loop3A_253 = math.exp %parallel_loop3A_252 : vector<16xf32>
      %parallel_loop3A_254 = arith.addf %parallel_loop3A_215, %parallel_loop3A_253 : vector<16xf32>
      %parallel_loop3A_255 = arith.constant 32 : i32
      %parallel_loop3A_256 = arith.addi %parallel_loop3A_240, %parallel_loop3A_255 : i32
      %parallel_loop3A_257 = arith.index_cast %parallel_loop3A_256 : i32 to index
      %parallel_loop3A_258 = tpu.vector_load %arg6[%parallel_loop3A_257] {strides = array<i32>} : memref<20240xf32, #tpu.memory_space<vmem>>, vector<16xf32>,
      %parallel_loop3A_259 = vector.shape_cast %parallel_loop3A_258 : vector<16xf32> to vector<16xf32>
      %parallel_loop3A_260 = math.exp %parallel_loop3A_259 : vector<16xf32>
      %parallel_loop3A_261 = arith.addf %parallel_loop3A_216, %parallel_loop3A_260 : vector<16xf32>
      %parallel_loop3A_262 = arith.constant 48 : i32
      %parallel_loop3A_263 = arith.addi %parallel_loop3A_240, %parallel_loop3A_262 : i32
      %parallel_loop3A_264 = arith.index_cast %parallel_loop3A_263 : i32 to index
      %parallel_loop3A_265 = tpu.vector_load %arg6[%parallel_loop3A_264] {strides = array<i32>} : memref<20240xf32, #tpu.memory_space<vmem>>, vector<16xf32>,
      %parallel_loop3A_266 = vector.shape_cast %parallel_loop3A_265 : vector<16xf32> to vector<16xf32>
      %parallel_loop3A_267 = math.exp %parallel_loop3A_266 : vector<16xf32>
      %parallel_loop3A_268 = arith.addf %parallel_loop3A_217, %parallel_loop3A_267 : vector<16xf32>
      %parallel_loop3A_269 = arith.constant 64 : i32
      %parallel_loop3A_270 = arith.addi %parallel_loop3A_240, %parallel_loop3A_269 : i32
      %parallel_loop3A_271 = arith.index_cast %parallel_loop3A_270 : i32 to index
      %parallel_loop3A_272 = tpu.vector_load %arg6[%parallel_loop3A_271] {strides = array<i32>} : memref<20240xf32, #tpu.memory_space<vmem>>, vector<16xf32>,
      %parallel_loop3A_273 = vector.shape_cast %parallel_loop3A_272 : vector<16xf32> to vector<16xf32>
      %parallel_loop3A_274 = math.exp %parallel_loop3A_273 : vector<16xf32>
      %parallel_loop3A_275 = arith.addf %parallel_loop3A_218, %parallel_loop3A_274 : vector<16xf32>
      %parallel_loop3A_276 = arith.constant 80 : i32
      %parallel_loop3A_277 = arith.addi %parallel_loop3A_240, %parallel_loop3A_276 : i32
      %parallel_loop3A_278 = arith.index_cast %parallel_loop3A_277 : i32 to index
      %parallel_loop3A_279 = tpu.vector_load %arg6[%parallel_loop3A_278] {strides = array<i32>} : memref<20240xf32, #tpu.memory_space<vmem>>, vector<16xf32>,
      %parallel_loop3A_280 = vector.shape_cast %parallel_loop3A_279 : vector<16xf32> to vector<16xf32>
      %parallel_loop3A_281 = math.exp %parallel_loop3A_280 : vector<16xf32>
      %parallel_loop3A_282 = arith.addf %parallel_loop3A_219, %parallel_loop3A_281 : vector<16xf32>
      %parallel_loop3A_283 = arith.constant 96 : i32
      %parallel_loop3A_284 = arith.addi %parallel_loop3A_240, %parallel_loop3A_283 : i32
      %parallel_loop3A_285 = arith.index_cast %parallel_loop3A_284 : i32 to index
      %parallel_loop3A_286 = tpu.vector_load %arg6[%parallel_loop3A_285] {strides = array<i32>} : memref<20240xf32, #tpu.memory_space<vmem>>, vector<16xf32>,
      %parallel_loop3A_287 = vector.shape_cast %parallel_loop3A_286 : vector<16xf32> to vector<16xf32>
      %parallel_loop3A_288 = math.exp %parallel_loop3A_287 : vector<16xf32>
      %parallel_loop3A_289 = arith.addf %parallel_loop3A_220, %parallel_loop3A_288 : vector<16xf32>
      %parallel_loop3A_290 = arith.constant 112 : i32
      %parallel_loop3A_291 = arith.addi %parallel_loop3A_240, %parallel_loop3A_290 : i32
      %parallel_loop3A_292 = arith.index_cast %parallel_loop3A_291 : i32 to index
      %parallel_loop3A_293 = tpu.vector_load %arg6[%parallel_loop3A_292] {strides = array<i32>} : memref<20240xf32, #tpu.memory_space<vmem>>, vector<16xf32>,
      %parallel_loop3A_294 = vector.shape_cast %parallel_loop3A_293 : vector<16xf32> to vector<16xf32>
      %parallel_loop3A_295 = math.exp %parallel_loop3A_294 : vector<16xf32>
      %parallel_loop3A_296 = arith.addf %parallel_loop3A_221, %parallel_loop3A_295 : vector<16xf32>
      %parallel_loop3A_297 = arith.constant 128 : i32
      %parallel_loop3A_298 = arith.addi %parallel_loop3A_240, %parallel_loop3A_297 : i32
      %parallel_loop3A_299 = arith.index_cast %parallel_loop3A_298 : i32 to index
      %parallel_loop3A_300 = tpu.vector_load %arg6[%parallel_loop3A_299] {strides = array<i32>} : memref<20240xf32, #tpu.memory_space<vmem>>, vector<16xf32>,
      %parallel_loop3A_301 = vector.shape_cast %parallel_loop3A_300 : vector<16xf32> to vector<16xf32>
      %parallel_loop3A_302 = math.exp %parallel_loop3A_301 : vector<16xf32>
      %parallel_loop3A_303 = arith.addf %parallel_loop3A_222, %parallel_loop3A_302 : vector<16xf32>
      %parallel_loop3A_304 = arith.constant 144 : i32
      %parallel_loop3A_305 = arith.addi %parallel_loop3A_240, %parallel_loop3A_304 : i32
      %parallel_loop3A_306 = arith.index_cast %parallel_loop3A_305 : i32 to index
      %parallel_loop3A_307 = tpu.vector_load %arg6[%parallel_loop3A_306] {strides = array<i32>} : memref<20240xf32, #tpu.memory_space<vmem>>, vector<16xf32>,
      %parallel_loop3A_308 = vector.shape_cast %parallel_loop3A_307 : vector<16xf32> to vector<16xf32>
      %parallel_loop3A_309 = math.exp %parallel_loop3A_308 : vector<16xf32>
      %parallel_loop3A_310 = arith.addf %parallel_loop3A_223, %parallel_loop3A_309 : vector<16xf32>
      %parallel_loop3A_311 = arith.constant 160 : i32
      %parallel_loop3A_312 = arith.addi %parallel_loop3A_240, %parallel_loop3A_311 : i32
      %parallel_loop3A_313 = arith.index_cast %parallel_loop3A_312 : i32 to index
      %parallel_loop3A_314 = tpu.vector_load %arg6[%parallel_loop3A_313] {strides = array<i32>} : memref<20240xf32, #tpu.memory_space<vmem>>, vector<16xf32>,
      %parallel_loop3A_315 = vector.shape_cast %parallel_loop3A_314 : vector<16xf32> to vector<16xf32>
      %parallel_loop3A_316 = math.exp %parallel_loop3A_315 : vector<16xf32>
      %parallel_loop3A_317 = arith.addf %parallel_loop3A_224, %parallel_loop3A_316 : vector<16xf32>
      %parallel_loop3A_318 = arith.constant 176 : i32
      %parallel_loop3A_319 = arith.addi %parallel_loop3A_240, %parallel_loop3A_318 : i32
      %parallel_loop3A_320 = arith.index_cast %parallel_loop3A_319 : i32 to index
      %parallel_loop3A_321 = tpu.vector_load %arg6[%parallel_loop3A_320] {strides = array<i32>} : memref<20240xf32, #tpu.memory_space<vmem>>, vector<16xf32>,
      %parallel_loop3A_322 = vector.shape_cast %parallel_loop3A_321 : vector<16xf32> to vector<16xf32>
      %parallel_loop3A_323 = math.exp %parallel_loop3A_322 : vector<16xf32>
      %parallel_loop3A_324 = arith.addf %parallel_loop3A_225, %parallel_loop3A_323 : vector<16xf32>
      %parallel_loop3A_325 = arith.constant 192 : i32
      %parallel_loop3A_326 = arith.addi %parallel_loop3A_240, %parallel_loop3A_325 : i32
      %parallel_loop3A_327 = arith.index_cast %parallel_loop3A_326 : i32 to index
      %parallel_loop3A_328 = tpu.vector_load %arg6[%parallel_loop3A_327] {strides = array<i32>} : memref<20240xf32, #tpu.memory_space<vmem>>, vector<16xf32>,
      %parallel_loop3A_329 = vector.shape_cast %parallel_loop3A_328 : vector<16xf32> to vector<16xf32>
      %parallel_loop3A_330 = math.exp %parallel_loop3A_329 : vector<16xf32>
      %parallel_loop3A_331 = arith.addf %parallel_loop3A_226, %parallel_loop3A_330 : vector<16xf32>
      %parallel_loop3A_332 = arith.constant 208 : i32
      %parallel_loop3A_333 = arith.addi %parallel_loop3A_240, %parallel_loop3A_332 : i32
      %parallel_loop3A_334 = arith.index_cast %parallel_loop3A_333 : i32 to index
      %parallel_loop3A_335 = tpu.vector_load %arg6[%parallel_loop3A_334] {strides = array<i32>} : memref<20240xf32, #tpu.memory_space<vmem>>, vector<16xf32>,
      %parallel_loop3A_336 = vector.shape_cast %parallel_loop3A_335 : vector<16xf32> to vector<16xf32>
      %parallel_loop3A_337 = math.exp %parallel_loop3A_336 : vector<16xf32>
      %parallel_loop3A_338 = arith.addf %parallel_loop3A_227, %parallel_loop3A_337 : vector<16xf32>
      %parallel_loop3A_339 = arith.constant 224 : i32
      %parallel_loop3A_340 = arith.addi %parallel_loop3A_240, %parallel_loop3A_339 : i32
      %parallel_loop3A_341 = arith.index_cast %parallel_loop3A_340 : i32 to index
      %parallel_loop3A_342 = tpu.vector_load %arg6[%parallel_loop3A_341] {strides = array<i32>} : memref<20240xf32, #tpu.memory_space<vmem>>, vector<16xf32>,
      %parallel_loop3A_343 = vector.shape_cast %parallel_loop3A_342 : vector<16xf32> to vector<16xf32>
      %parallel_loop3A_344 = math.exp %parallel_loop3A_343 : vector<16xf32>
      %parallel_loop3A_345 = arith.addf %parallel_loop3A_228, %parallel_loop3A_344 : vector<16xf32>
      %parallel_loop3A_346 = arith.constant 240 : i32
      %parallel_loop3A_347 = arith.addi %parallel_loop3A_240, %parallel_loop3A_346 : i32
      %parallel_loop3A_348 = arith.index_cast %parallel_loop3A_347 : i32 to index
      %parallel_loop3A_349 = tpu.vector_load %arg6[%parallel_loop3A_348] {strides = array<i32>} : memref<20240xf32, #tpu.memory_space<vmem>>, vector<16xf32>,
      %parallel_loop3A_350 = vector.shape_cast %parallel_loop3A_349 : vector<16xf32> to vector<16xf32>
      %parallel_loop3A_351 = math.exp %parallel_loop3A_350 : vector<16xf32>
      %parallel_loop3A_352 = arith.addf %parallel_loop3A_229, %parallel_loop3A_351 : vector<16xf32>
      %parallel_loop3A_353 = arith.constant 256 : i32
      %parallel_loop3A_354 = arith.addi %parallel_loop3A_240, %parallel_loop3A_353 : i32
      %parallel_loop3A_355 = arith.index_cast %parallel_loop3A_354 : i32 to index
      %parallel_loop3A_356 = tpu.vector_load %arg6[%parallel_loop3A_355] {strides = array<i32>} : memref<20240xf32, #tpu.memory_space<vmem>>, vector<16xf32>,
      %parallel_loop3A_357 = vector.shape_cast %parallel_loop3A_356 : vector<16xf32> to vector<16xf32>
      %parallel_loop3A_358 = math.exp %parallel_loop3A_357 : vector<16xf32>
      %parallel_loop3A_359 = arith.addf %parallel_loop3A_230, %parallel_loop3A_358 : vector<16xf32>
      %parallel_loop3A_360 = arith.constant 272 : i32
      %parallel_loop3A_361 = arith.addi %parallel_loop3A_240, %parallel_loop3A_360 : i32
      %parallel_loop3A_362 = arith.index_cast %parallel_loop3A_361 : i32 to index
      %parallel_loop3A_363 = tpu.vector_load %arg6[%parallel_loop3A_362] {strides = array<i32>} : memref<20240xf32, #tpu.memory_space<vmem>>, vector<16xf32>,
      %parallel_loop3A_364 = vector.shape_cast %parallel_loop3A_363 : vector<16xf32> to vector<16xf32>
      %parallel_loop3A_365 = math.exp %parallel_loop3A_364 : vector<16xf32>
      %parallel_loop3A_366 = arith.addf %parallel_loop3A_231, %parallel_loop3A_365 : vector<16xf32>
      %parallel_loop3A_367 = arith.constant 288 : i32
      %parallel_loop3A_368 = arith.addi %parallel_loop3A_240, %parallel_loop3A_367 : i32
      %parallel_loop3A_369 = arith.index_cast %parallel_loop3A_368 : i32 to index
      %parallel_loop3A_370 = tpu.vector_load %arg6[%parallel_loop3A_369] {strides = array<i32>} : memref<20240xf32, #tpu.memory_space<vmem>>, vector<16xf32>,
      %parallel_loop3A_371 = vector.shape_cast %parallel_loop3A_370 : vector<16xf32> to vector<16xf32>
      %parallel_loop3A_372 = math.exp %parallel_loop3A_371 : vector<16xf32>
      %parallel_loop3A_373 = arith.addf %parallel_loop3A_232, %parallel_loop3A_372 : vector<16xf32>
      %parallel_loop3A_374 = arith.constant 304 : i32
      %parallel_loop3A_375 = arith.addi %parallel_loop3A_240, %parallel_loop3A_374 : i32
      %parallel_loop3A_376 = arith.index_cast %parallel_loop3A_375 : i32 to index
      %parallel_loop3A_377 = tpu.vector_load %arg6[%parallel_loop3A_376] {strides = array<i32>} : memref<20240xf32, #tpu.memory_space<vmem>>, vector<16xf32>,
      %parallel_loop3A_378 = vector.shape_cast %parallel_loop3A_377 : vector<16xf32> to vector<16xf32>
      %parallel_loop3A_379 = math.exp %parallel_loop3A_378 : vector<16xf32>
      %parallel_loop3A_380 = arith.addf %parallel_loop3A_233, %parallel_loop3A_379 : vector<16xf32>
      %parallel_loop3A_381 = arith.constant 320 : i32
      %parallel_loop3A_382 = arith.addi %parallel_loop3A_240, %parallel_loop3A_381 : i32
      %parallel_loop3A_383 = arith.index_cast %parallel_loop3A_382 : i32 to index
      %parallel_loop3A_384 = tpu.vector_load %arg6[%parallel_loop3A_383] {strides = array<i32>} : memref<20240xf32, #tpu.memory_space<vmem>>, vector<16xf32>,
      %parallel_loop3A_385 = vector.shape_cast %parallel_loop3A_384 : vector<16xf32> to vector<16xf32>
      %parallel_loop3A_386 = math.exp %parallel_loop3A_385 : vector<16xf32>
      %parallel_loop3A_387 = arith.addf %parallel_loop3A_234, %parallel_loop3A_386 : vector<16xf32>
      %parallel_loop3A_388 = arith.constant 336 : i32
      %parallel_loop3A_389 = arith.addi %parallel_loop3A_240, %parallel_loop3A_388 : i32
      %parallel_loop3A_390 = arith.index_cast %parallel_loop3A_389 : i32 to index
      %parallel_loop3A_391 = tpu.vector_load %arg6[%parallel_loop3A_390] {strides = array<i32>} : memref<20240xf32, #tpu.memory_space<vmem>>, vector<16xf32>,
      %parallel_loop3A_392 = vector.shape_cast %parallel_loop3A_391 : vector<16xf32> to vector<16xf32>
      %parallel_loop3A_393 = math.exp %parallel_loop3A_392 : vector<16xf32>
      %parallel_loop3A_394 = arith.addf %parallel_loop3A_235, %parallel_loop3A_393 : vector<16xf32>
      %parallel_loop3A_395 = arith.constant 352 : i32
      %parallel_loop3A_396 = arith.addi %parallel_loop3A_240, %parallel_loop3A_395 : i32
      %parallel_loop3A_397 = arith.index_cast %parallel_loop3A_396 : i32 to index
      %parallel_loop3A_398 = tpu.vector_load %arg6[%parallel_loop3A_397] {strides = array<i32>} : memref<20240xf32, #tpu.memory_space<vmem>>, vector<16xf32>,
      %parallel_loop3A_399 = vector.shape_cast %parallel_loop3A_398 : vector<16xf32> to vector<16xf32>
      %parallel_loop3A_400 = math.exp %parallel_loop3A_399 : vector<16xf32>
      %parallel_loop3A_401 = arith.addf %parallel_loop3A_236, %parallel_loop3A_400 : vector<16xf32>
      scf.yield %parallel_loop3A_247, %parallel_loop3A_254, %parallel_loop3A_261, %parallel_loop3A_268, %parallel_loop3A_275, %parallel_loop3A_282, %parallel_loop3A_289, %parallel_loop3A_296, %parallel_loop3A_303, %parallel_loop3A_310, %parallel_loop3A_317, %parallel_loop3A_324, %parallel_loop3A_331, %parallel_loop3A_338, %parallel_loop3A_345, %parallel_loop3A_352, %parallel_loop3A_359, %parallel_loop3A_366, %parallel_loop3A_373, %parallel_loop3A_380, %parallel_loop3A_387, %parallel_loop3A_394, %parallel_loop3A_401 : vector<16xf32>, vector<16xf32>, vector<16xf32>, vector<16xf32>, vector<16xf32>, vector<16xf32>, vector<16xf32>, vector<16xf32>, vector<16xf32>, vector<16xf32>, vector<16xf32>, vector<16xf32>, vector<16xf32>, vector<16xf32>, vector<16xf32>, vector<16xf32>, vector<16xf32>, vector<16xf32>, vector<16xf32>, vector<16xf32>, vector<16xf32>, vector<16xf32>, vector<16xf32>
    } {sc.loop_unroll_factor = 1 : i64, sc.parallel_access}
    %add3A_157 = arith.addf %parallel_loop3A_156#0, %parallel_loop3A_156#1 : vector<16xf32>
    %add3A_158 = arith.addf %add3A_157, %parallel_loop3A_156#2 : vector<16xf32>
    %add3A_159 = arith.addf %add3A_158, %parallel_loop3A_156#3 : vector<16xf32>
    %add3A_160 = arith.addf %add3A_159, %parallel_loop3A_156#4 : vector<16xf32>
    %add3A_161 = arith.addf %add3A_160, %parallel_loop3A_156#5 : vector<16xf32>
    %add3A_162 = arith.addf %add3A_161, %parallel_loop3A_156#6 : vector<16xf32>
    %add3A_163 = arith.addf %add3A_162, %parallel_loop3A_156#7 : vector<16xf32>
    %add3A_164 = arith.addf %add3A_163, %parallel_loop3A_156#8 : vector<16xf32>
    %add3A_165 = arith.addf %add3A_164, %parallel_loop3A_156#9 : vector<16xf32>
    %add3A_166 = arith.addf %add3A_165, %parallel_loop3A_156#10 : vector<16xf32>
    %add3A_167 = arith.addf %add3A_166, %parallel_loop3A_156#11 : vector<16xf32>
    %add3A_168 = arith.addf %add3A_167, %parallel_loop3A_156#12 : vector<16xf32>
    %add3A_169 = arith.addf %add3A_168, %parallel_loop3A_156#13 : vector<16xf32>
    %add3A_170 = arith.addf %add3A_169, %parallel_loop3A_156#14 : vector<16xf32>
    %add3A_171 = arith.addf %add3A_170, %parallel_loop3A_156#15 : vector<16xf32>
    %add3A_172 = arith.addf %add3A_171, %parallel_loop3A_156#16 : vector<16xf32>
    %add3A_173 = arith.addf %add3A_172, %parallel_loop3A_156#17 : vector<16xf32>
    %add3A_174 = arith.addf %add3A_173, %parallel_loop3A_156#18 : vector<16xf32>
    %add3A_175 = arith.addf %add3A_174, %parallel_loop3A_156#19 : vector<16xf32>
    %add3A_176 = arith.addf %add3A_175, %parallel_loop3A_156#20 : vector<16xf32>
    %add3A_177 = arith.addf %add3A_176, %parallel_loop3A_156#21 : vector<16xf32>
    %add3A_178 = arith.addf %add3A_177, %parallel_loop3A_156#22 : vector<16xf32>
    "tpu.region"() ({
      %run_scoped3A = tpu.sem_alloc : memref<!tpu.dma_semaphore, #tpu.memory_space<semaphore_mem>>
      %dma_start3A_213 = arith.constant 999936 : i32
      %dma_start3A_214 = tpu.memref_slice %arg2[%dma_start3A_213] : memref<1000000xf32, #tpu.memory_space<hbm>> -> memref<64xf32, #tpu.memory_space<hbm>>
      %dma_start3A_215 = arith.constant 999936 : i32
      %dma_start3A_216 = tpu.memref_slice %arg2[%dma_start3A_215] : memref<1000000xf32, #tpu.memory_space<hbm>> -> memref<64xf32, #tpu.memory_space<hbm>>
      tpu.enqueue_dma source(%dma_start3A_216 : memref<64xf32, #tpu.memory_space<hbm>>) target(%arg7 : memref<64xf32, #tpu.memory_space<vmem>>) target_semaphore(%run_scoped3A : memref<!tpu.dma_semaphore, #tpu.memory_space<semaphore_mem>>)
      %dma_wait3A_217 = arith.constant 999936 : i32
      %dma_wait3A_218 = tpu.memref_slice %arg2[%dma_wait3A_217] : memref<1000000xf32, #tpu.memory_space<hbm>> -> memref<64xf32, #tpu.memory_space<hbm>>
      %dma_wait3A_219 = arith.constant 999936 : i32
      %dma_wait3A_220 = tpu.memref_slice %arg2[%dma_wait3A_219] : memref<1000000xf32, #tpu.memory_space<hbm>> -> memref<64xf32, #tpu.memory_space<hbm>>
      tpu.wait_dma2 semaphore(%run_scoped3A : memref<!tpu.dma_semaphore, #tpu.memory_space<semaphore_mem>>) src(%dma_wait3A_220 : memref<64xf32, #tpu.memory_space<hbm>>) dst(%arg7 : memref<64xf32, #tpu.memory_space<vmem>>)
      tpu.yield
    }) : () -> ()
    %broadcast_in_dim3A_179 = arith.constant 0.000000e+00 : f32
    %broadcast_in_dim3A_180 = vector.broadcast %broadcast_in_dim3A_179 : f32 to vector<16xf32>
    %get3A = arith.constant 0 : index
    %get3A_181 = tpu.vector_load %arg7[%get3A] {strides = array<i32>} : memref<64xf32, #tpu.memory_space<vmem>>, vector<16xf32>,
    %get3A_182 = vector.shape_cast %get3A_181 : vector<16xf32> to vector<16xf32>
    %exp3A = math.exp %get3A_182 : vector<16xf32>
    %add3A_183 = arith.addf %broadcast_in_dim3A_180, %exp3A : vector<16xf32>
    %get3A_184 = arith.constant 16 : index
    %get3A_185 = tpu.vector_load %arg7[%get3A_184] {strides = array<i32>} : memref<64xf32, #tpu.memory_space<vmem>>, vector<16xf32>,
    %get3A_186 = vector.shape_cast %get3A_185 : vector<16xf32> to vector<16xf32>
    %exp3A_187 = math.exp %get3A_186 : vector<16xf32>
    %add3A_188 = arith.addf %add3A_183, %exp3A_187 : vector<16xf32>
    %get3A_189 = arith.constant 32 : index
    %get3A_190 = tpu.vector_load %arg7[%get3A_189] {strides = array<i32>} : memref<64xf32, #tpu.memory_space<vmem>>, vector<16xf32>,
    %get3A_191 = vector.shape_cast %get3A_190 : vector<16xf32> to vector<16xf32>
    %exp3A_192 = math.exp %get3A_191 : vector<16xf32>
    %add3A_193 = arith.addf %add3A_188, %exp3A_192 : vector<16xf32>
    %get3A_194 = arith.constant 48 : index
    %get3A_195 = tpu.vector_load %arg7[%get3A_194] {strides = array<i32>} : memref<64xf32, #tpu.memory_space<vmem>>, vector<16xf32>,
    %get3A_196 = vector.shape_cast %get3A_195 : vector<16xf32> to vector<16xf32>
    %exp3A_197 = math.exp %get3A_196 : vector<16xf32>
    %add3A_198 = arith.addf %add3A_193, %exp3A_197 : vector<16xf32>
    %eq3A = arith.constant 0 : i32
    %eq3A_199 = arith.cmpi eq, %add3A, %eq3A : i32
    %broadcast_in_dim3A_200 = arith.constant 0.000000e+00 : f32
    %broadcast_in_dim3A_201 = vector.broadcast %broadcast_in_dim3A_200 : f32 to vector<16xf32>
    %select_n3A = arith.select %eq3A_199, %add3A_198, %broadcast_in_dim3A_201 : vector<16xf32>
    %add3A_202 = arith.addf %add3A_178, %select_n3A : vector<16xf32>
    %swap3A = arith.constant 0 : index
    %swap3A_203 = tpu.vector_load %arg8[%swap3A] {strides = array<i32>} : memref<16xf32, #tpu.memory_space<vmem>>, vector<16xf32>,
    %swap3A_204 = vector.shape_cast %swap3A_203 : vector<16xf32> to vector<16xf32>
    %swap3A_205 = vector.shape_cast %add3A_202 : vector<16xf32> to vector<16xf32>
    tpu.vector_store %arg8[%swap3A], %swap3A_205 {strides = array<i32>} : memref<16xf32, #tpu.memory_space<vmem>>, vector<16xf32>,
    "tpu.region"() ({
      %run_scoped3A = tpu.sem_alloc : memref<!tpu.dma_semaphore, #tpu.memory_space<semaphore_mem>>
      %dma_start3A_213 = arith.constant 0 : i32
      %dma_start3A_214 = tpu.memref_slice %arg4[%add3A, %dma_start3A_213] : memref<32x16xf32, #tpu.memory_space<hbm>> -> memref<1x16xf32, #tpu.memory_space<hbm>>
      %dma_start3A_215 = tpu.memref_squeeze %dma_start3A_214 : memref<1x16xf32, #tpu.memory_space<hbm>> -> memref<16xf32, #tpu.memory_space<hbm>>
      %dma_start3A_216 = arith.constant 0 : i32
      %dma_start3A_217 = tpu.memref_slice %arg4[%add3A, %dma_start3A_216] : memref<32x16xf32, #tpu.memory_space<hbm>> -> memref<1x16xf32, #tpu.memory_space<hbm>>
      %dma_start3A_218 = tpu.memref_squeeze %dma_start3A_217 : memref<1x16xf32, #tpu.memory_space<hbm>> -> memref<16xf32, #tpu.memory_space<hbm>>
      tpu.enqueue_dma source(%arg8 : memref<16xf32, #tpu.memory_space<vmem>>) target(%dma_start3A_218 : memref<16xf32, #tpu.memory_space<hbm>>) target_semaphore(%run_scoped3A : memref<!tpu.dma_semaphore, #tpu.memory_space<semaphore_mem>>)
      %dma_wait3A_219 = arith.constant 0 : i32
      %dma_wait3A_220 = tpu.memref_slice %arg4[%add3A, %dma_wait3A_219] : memref<32x16xf32, #tpu.memory_space<hbm>> -> memref<1x16xf32, #tpu.memory_space<hbm>>
      %dma_wait3A_221 = tpu.memref_squeeze %dma_wait3A_220 : memref<1x16xf32, #tpu.memory_space<hbm>> -> memref<16xf32, #tpu.memory_space<hbm>>
      %dma_wait3A_222 = arith.constant 0 : i32
      %dma_wait3A_223 = tpu.memref_slice %arg4[%add3A, %dma_wait3A_222] : memref<32x16xf32, #tpu.memory_space<hbm>> -> memref<1x16xf32, #tpu.memory_space<hbm>>
      %dma_wait3A_224 = tpu.memref_squeeze %dma_wait3A_223 : memref<1x16xf32, #tpu.memory_space<hbm>> -> memref<16xf32, #tpu.memory_space<hbm>>
      tpu.wait_dma2 semaphore(%run_scoped3A : memref<!tpu.dma_semaphore, #tpu.memory_space<semaphore_mem>>) src(%arg8 : memref<16xf32, #tpu.memory_space<vmem>>) dst(%dma_wait3A_224 : memref<16xf32, #tpu.memory_space<hbm>>)
      tpu.yield
    }) : () -> ()
    %dma_wait3A_206 = arith.constant 0 : i32
    %dma_wait3A_207 = tpu.memref_slice %arg2[%dma_wait3A_206] : memref<1000000xf32, #tpu.memory_space<hbm>> -> memref<1000000xf32, #tpu.memory_space<hbm>>
    tpu.wait_indirect_dma semaphore(%arg17 : memref<!tpu.dma_semaphore, #tpu.memory_space<semaphore_mem>>) src(%dma_wait3A_207 : memref<1000000xf32, #tpu.memory_space<hbm>>) dst(%arg10 : memref<512xf32, #tpu.memory_space<vmem>>)
    %parallel_loop3A_208 = arith.constant 0 : i32
    %parallel_loop3A_209 = arith.constant 32 : i32
    %parallel_loop3A_210 = arith.constant 1 : i32
    scf.for %parallel_loop3A_213 = %parallel_loop3A_208 to %parallel_loop3A_209 step %parallel_loop3A_210  : i32 {
      %parallel_loop3A_214 = arith.constant 16 : i32
      %parallel_loop3A_215 = arith.muli %parallel_loop3A_213, %parallel_loop3A_214 : i32
      %parallel_loop3A_216 = arith.index_cast %parallel_loop3A_215 : i32 to index
      %parallel_loop3A_217 = tpu.vector_load %arg10[%parallel_loop3A_216] {strides = array<i32>} : memref<512xf32, #tpu.memory_space<vmem>>, vector<16xf32>,
      %parallel_loop3A_218 = vector.shape_cast %parallel_loop3A_217 : vector<16xf32> to vector<16xf32>
      %parallel_loop3A_219 = math.exp %parallel_loop3A_218 : vector<16xf32>
      %parallel_loop3A_220 = arith.constant 16 : i32
      %parallel_loop3A_221 = arith.muli %parallel_loop3A_213, %parallel_loop3A_220 : i32
      %parallel_loop3A_222 = arith.index_cast %parallel_loop3A_221 : i32 to index
      %parallel_loop3A_223 = tpu.vector_load %arg11[%parallel_loop3A_222] {strides = array<i32>} : memref<512xf32, #tpu.memory_space<vmem>>, vector<16xf32>,
      %parallel_loop3A_224 = vector.shape_cast %parallel_loop3A_223 : vector<16xf32> to vector<16xf32>
      %parallel_loop3A_225 = vector.shape_cast %parallel_loop3A_219 : vector<16xf32> to vector<16xf32>
      tpu.vector_store %arg11[%parallel_loop3A_222], %parallel_loop3A_225 {strides = array<i32>} : memref<512xf32, #tpu.memory_space<vmem>>, vector<16xf32>,
    } {sc.loop_unroll_factor = 4 : i64, sc.parallel_access}
    %mul3A_211 = arith.constant 512 : i32
    %mul3A_212 = arith.muli %add3A, %mul3A_211 : i32
    "tpu.region"() ({
      %run_scoped3A = tpu.sem_alloc : memref<!tpu.dma_semaphore, #tpu.memory_space<semaphore_mem>>
      %dma_start3A_213 = tpu.memref_slice %arg5[%mul3A_212] : memref<16384xf32, #tpu.memory_space<hbm>> -> memref<512xf32, #tpu.memory_space<hbm>>
      %dma_start3A_214 = tpu.memref_slice %arg5[%mul3A_212] : memref<16384xf32, #tpu.memory_space<hbm>> -> memref<512xf32, #tpu.memory_space<hbm>>
      tpu.enqueue_dma source(%arg11 : memref<512xf32, #tpu.memory_space<vmem>>) target(%dma_start3A_214 : memref<512xf32, #tpu.memory_space<hbm>>) target_semaphore(%run_scoped3A : memref<!tpu.dma_semaphore, #tpu.memory_space<semaphore_mem>>)
      %dma_wait3A_215 = tpu.memref_slice %arg5[%mul3A_212] : memref<16384xf32, #tpu.memory_space<hbm>> -> memref<512xf32, #tpu.memory_space<hbm>>
      %dma_wait3A_216 = tpu.memref_slice %arg5[%mul3A_212] : memref<16384xf32, #tpu.memory_space<hbm>> -> memref<512xf32, #tpu.memory_space<hbm>>
      tpu.wait_dma2 semaphore(%run_scoped3A : memref<!tpu.dma_semaphore, #tpu.memory_space<semaphore_mem>>) src(%arg11 : memref<512xf32, #tpu.memory_space<vmem>>) dst(%dma_wait3A_216 : memref<512xf32, #tpu.memory_space<hbm>>)
      tpu.yield
    }) : () -> ()
    return
  }
}

module attributes {stable_mosaic.version = 14 : i64} {
  func.func @_tc_scale_body(%arg0: memref<1x1xf32, #tpu.memory_space<smem>>, %arg1: memref<32x16xf32, #tpu.memory_space<vmem>>, %arg2: memref<128x128xf32, #tpu.memory_space<vmem>>, %arg3: memref<128x128xf32, #tpu.memory_space<vmem>>) attributes {dimension_semantics = [], scalar_prefetch = 0 : i64, scratch_operands = 0 : i64, tpu.core_type = #tpu.core_type<tc>} {
    %get3A = arith.constant 0 : index
    %get3A_0 = arith.constant 0 : index
    %get3A_1 = memref.load %arg0[%get3A, %get3A_0] : memref<1x1xf32, #tpu.memory_space<smem>>
    %get3A_2 = arith.constant 0 : index
    %get3A_3 = arith.constant 0 : index
    %get3A_4 = vector.load %arg1[%get3A_2, %get3A_3] : memref<32x16xf32, #tpu.memory_space<vmem>>, vector<32x16xf32>
    %reduce_sum3A = vector.shape_cast %get3A_4 : vector<32x16xf32> to vector<1x32x16xf32>
    %reduce_sum3A_5 = arith.constant dense<0.000000e+00> : vector<1xf32>
    %reduce_sum3A_6 = vector.multi_reduction <add>, %reduce_sum3A, %reduce_sum3A_5 [1, 2] : vector<1x32x16xf32> to vector<1xf32>
    %reduce_sum3A_7 = vector.shape_cast %reduce_sum3A_6 : vector<1xf32> to vector<1x1x1xf32>
    %reduce_sum3A_8 = vector.extract %reduce_sum3A_7[0, 0, 0] : f32 from vector<1x1x1xf32>
    %add3A = arith.addf %get3A_1, %reduce_sum3A_8 : f32
    %div3A = arith.constant 1.000000e+00 : f32
    %div3A_9 = arith.divf %div3A, %add3A : f32
    %get3A_10 = arith.constant 0 : index
    %get3A_11 = arith.constant 0 : index
    %get3A_12 = vector.load %arg2[%get3A_10, %get3A_11] : memref<128x128xf32, #tpu.memory_space<vmem>>, vector<128x128xf32>
    %mul3A = vector.broadcast %div3A_9 : f32 to vector<128x128xf32>
    %mul3A_13 = arith.mulf %get3A_12, %mul3A : vector<128x128xf32>
    %swap3A = arith.constant 0 : index
    %swap3A_14 = arith.constant 0 : index
    %swap3A_15 = vector.load %arg3[%swap3A, %swap3A_14] : memref<128x128xf32, #tpu.memory_space<vmem>>, vector<128x128xf32>
    tpu.vector_store %arg3[%swap3A, %swap3A_14], %mul3A_13 {strides = array<i32>} : memref<128x128xf32, #tpu.memory_space<vmem>>, vector<128x128xf32>,
    return
  }
}

module attributes {stable_mosaic.version = 14 : i64} {
  func.func @_tc_sum_body(%arg0: i32, %arg1: memref<44032xf32, #tpu.memory_space<vmem>>, %arg2: memref<1x1xf32, #tpu.memory_space<smem>>, %arg3: memref<1x1xf32, #tpu.memory_space<smem>>) attributes {dimension_semantics = [#tpu.dimension_semantics<arbitrary>], iteration_bounds = array<i64: 8>, scalar_prefetch = 0 : i64, scratch_operands = 1 : i64, tpu.core_type = #tpu.core_type<tc>, window_params = [{transform_indices = @transform_0, window_bounds = array<i64: 44032>}, {transform_indices = @transform_1, window_bounds = array<i64: 1, 1>}]} {
    %eq3A = arith.constant 0 : i32
    %eq3A_0 = arith.cmpi eq, %arg0, %eq3A : i32
    %convert_element_type3A = arith.extui %eq3A_0 : i1 to i32
    %cond3A = arith.constant 0 : i32
    %cond3A_1 = arith.cmpi ne, %convert_element_type3A, %cond3A : i32
    scf.if %cond3A_1 {
      %swap3A_17 = arith.constant 0.000000e+00 : f32
      %swap3A_18 = arith.constant 0 : index
      %swap3A_19 = arith.constant 0 : index
      %swap3A_20 = memref.load %arg3[%swap3A_18, %swap3A_19] : memref<1x1xf32, #tpu.memory_space<smem>>
      memref.store %swap3A_17, %arg3[%swap3A_18, %swap3A_19] : memref<1x1xf32, #tpu.memory_space<smem>>
    } else {
    }
    %get3A = arith.constant 0 : index
    %get3A_2 = arith.constant 0 : index
    %get3A_3 = memref.load %arg3[%get3A, %get3A_2] : memref<1x1xf32, #tpu.memory_space<smem>>
    %get3A_4 = arith.constant 0 : index
    %get3A_5 = vector.load %arg1[%get3A_4] : memref<44032xf32, #tpu.memory_space<vmem>>, vector<44032xf32>
    %exp3A = math.exp %get3A_5 : vector<44032xf32>
    %reduce_sum3A = vector.shape_cast %exp3A : vector<44032xf32> to vector<1x44032xf32>
    %reduce_sum3A_6 = arith.constant dense<0.000000e+00> : vector<1xf32>
    %reduce_sum3A_7 = vector.multi_reduction <add>, %reduce_sum3A, %reduce_sum3A_6 [1] : vector<1x44032xf32> to vector<1xf32>
    %reduce_sum3A_8 = vector.shape_cast %reduce_sum3A_7 : vector<1xf32> to vector<1x1xf32>
    %reduce_sum3A_9 = vector.extract %reduce_sum3A_8[0, 0] : f32 from vector<1x1xf32>
    %add3A = arith.addf %get3A_3, %reduce_sum3A_9 : f32
    %swap3A = arith.constant 0 : index
    %swap3A_10 = arith.constant 0 : index
    %swap3A_11 = memref.load %arg3[%swap3A, %swap3A_10] : memref<1x1xf32, #tpu.memory_space<smem>>
    memref.store %add3A, %arg3[%swap3A, %swap3A_10] : memref<1x1xf32, #tpu.memory_space<smem>>
    %eq3A_12 = arith.constant 7 : i32
    %eq3A_13 = arith.cmpi eq, %arg0, %eq3A_12 : i32
    %convert_element_type3A_14 = arith.extui %eq3A_13 : i1 to i32
    %cond3A_15 = arith.constant 0 : i32
    %cond3A_16 = arith.cmpi ne, %convert_element_type3A_14, %cond3A_15 : i32
    scf.if %cond3A_16 {
      %get3A_17 = arith.constant 0 : index
      %get3A_18 = arith.constant 0 : index
      %get3A_19 = memref.load %arg3[%get3A_17, %get3A_18] : memref<1x1xf32, #tpu.memory_space<smem>>
      %swap3A_20 = arith.constant 0 : index
      %swap3A_21 = arith.constant 0 : index
      %swap3A_22 = memref.load %arg2[%swap3A_20, %swap3A_21] : memref<1x1xf32, #tpu.memory_space<smem>>
      memref.store %get3A_19, %arg2[%swap3A_20, %swap3A_21] : memref<1x1xf32, #tpu.memory_space<smem>>
    } else {
    }
    return
  }
  func.func @transform_0(%arg0: i32) -> i32 {
    %c0_i32 = arith.constant 0 : i32
    return %arg0 : i32
  }
  func.func @transform_1(%arg0: i32) -> (i32, i32) {
    %c0_i32 = arith.constant 0 : i32
    %c0_i32_0 = arith.constant 0 : i32
    %c0_i32_1 = arith.constant 0 : i32
    return %c0_i32, %c0_i32_0 : i32, i32
  }
}

</mosaic_0001>

<sc_bundles>
// kernel: kernel.5.cloned.1.call-start
scs
__scs_entry_jumppad:
0x0: {  	(pc) =	sbr.rel $0x88, $3  }
0x1: {  	(tag) =	ssettag $0x0;
	lr =	simm.s32 $0x1  }
0x2: {  	[smem:$0x3F9F] =	sst lr;
	_ =	strace $0xD0000000  }
0x3: {  	_ = 	snop  }
0x4: {  	_ = 	snop  }
0x5: {  	_ = 	snop  }
0x6: {  	_ = 	snop  }
0x7: {  	_ = 	snop  }
__scs_overlays_trampoline_lowered:
0x8: {  	[smem:$0x3FAE] =	sst s0  }
0x9: {  	[smem:$0x3FAF] =	sst s1  }
0xa: {  	[smem:$0x3FB0] =	sst s2  }
0xb: {  	[smem:$0x3FB1] =	sst s3  }
0xc: {  	[smem:$0x3FB2] =	sst s4  }
0xd: {  	[smem:$0x3FB3] =	sst s5  }
0xe: {  	[smem:$0x3FB4] =	sst s6  }
0xf: {  	[smem:$0x3FB5] =	sst s7  }
0x10: {  	[smem:$0x3FB6] =	sst s8  }
0x11: {  	[smem:$0x3FB7] =	sst s9;
	s0 =	simm.s32 @!p0 $0x0  }
0x12: {  	s1 =	sld [smem:$0x3F9D];
	s0 =	simm.s32 @p0 $0x1  }
0x13: {  	[smem:$0x3FB8] =	sst s0;
	s0 =	simm.s32 @!p1 $0x0  }
0x14: {  	s2 =	sld [smem:$0x3F9C];
	s0 =	simm.s32 @p1 $0x1  }
0x15: {  	[smem:$0x3FB9] =	sst s0;
	s0 =	simm.s32 @!p2 $0x0  }
0x16: {  	s3 =	sld [smem:$0x3FDB];
	s0 =	simm.s32 @p2 $0x1  }
0x17: {  	s4 =	simm.s32 $0x1BF5;
	[smem:$0x3FBB] =	sst s0  }
0x18: {  	s0 =	sld [smem:$0x3F9E];
	_ =	swait.ge [sflag:s4], $0x0  }
0x19: {  	s7 =	sld [smem:$0x3F9F]  }
0x1a: {  	s8 =	sadd.s32 $0xFFFFE003, lr  }
0x1b: {  	s9 =	sadd.s32 $0xFFFFFEF7, lr;
	s5 =	simm.s32 $0xFFFFFFFF;
	p2 =	slt.u32 s8, $0xFFFFF086  }
0x1c: {  	p1 =	slt.u32 s9, $0xF7A;
	s5 =	simm.s32 @!p2 $0x0  }
0x1d: {  	s5 =	simm.s32 @p1 $0x1;
	p0 =	seq.s32 s7, s2  }
0x1e: {  	s7 =	smul.u32 @!p0 $0xF7A, s2;
	p2 =	seq.s32 @!p0 s5, $0x0  }
0x1f: {  	s9 =	smul.u32 $0xF7A, s1;
	s8 =	simm.s32 @!p0 $0x1BF5;
	p2 =	por !p2, p0  }
0x20: {  	[sflag:s8] =	ssyncset.s32 @!p0 $0xFFFFF086;
	s6 =	sadd.s32 @!p0 s3, s7;
	s7 =	simm.s32 @!p0 $0x108  }
0x21: {  	s3 =	sadd.s32 s3, s9;
	s6 =	sadd.s32 @!p0 $0x88, s6;
	s7 =	simm.s32 @p2 $0x1082  }
0x22: {  	[simem:s7], [sflag:s8] =	dma.local @!p0 [hbm:s6], $0xF7A  }
0x23: {  	s9 =	sor.u32 $0xD0000000, s2;
	s6 =	simm.s32 $0x108;
	_ =	swait.ge @!p0 [sflag:s8], $0x0  }
0x24: {  	s3 =	sadd.s32 $0x88, s3;
	s6 =	simm.s32 @!p1 $0x1082;
	[sflag:s4] =	ssyncset.s32 $0xFFFFF086  }
0x25: {  	[simem:s6], [sflag:s4] =	dma.local [hbm:s3], $0xF7A  }
0x26: {  	[smem:$0x3F9F] =	sst s1;
	(tag) =	ssettag s2;
	_ =	strace s9  }
0x27: {  	s1 =	sld [smem:$0x3FAF]  }
0x28: {  	s2 =	sld [smem:$0x3FB0]  }
0x29: {  	s4 =	sld [smem:$0x3FB2]  }
0x2a: {  	p0 =	seq.s32 s5, $0x0;
	s5 =	sld [smem:$0x3FB3]  }
0x2b: {  	s6 =	sld [smem:$0x3FB4]  }
0x2c: {  	s7 =	sld [smem:$0x3FB5]  }
0x2d: {  	s3 =	simm.s32 $0x108;
	s8 =	sld [smem:$0x3FB6]  }
0x2e: {  	s3 =	simm.s32 @!p0 $0x1082;
	s9 =	sld [smem:$0x3FB7]  }
0x2f: {  	lr =	sadd.s32 s0, s3;
	s0 =	sld [smem:$0x3FAE]  }
0x30: {  	s3 =	sld [smem:$0x3FB1]  }
0x31: {  	[smem:$0x3FBA] =	sst s10  }
0x32: {  	s10 =	sld [smem:$0x3FB8];
	_ =	sdelay $0x3  }
0x33: {  	p0 =	seq.s32 s10, $0x1;
	s10 =	sld [smem:$0x3FBA];
	_ =	sdelay $0x3  }
0x34: {  	[smem:$0x3FBA] =	sst s10  }
0x35: {  	s10 =	sld [smem:$0x3FB9];
	_ =	sdelay $0x3  }
0x36: {  	p1 =	seq.s32 s10, $0x1;
	s10 =	sld [smem:$0x3FBA];
	_ =	sdelay $0x3  }
0x37: {  	[smem:$0x3FBA] =	sst s10  }
0x38: {  	s10 =	sld [smem:$0x3FBB]  }
0x39: {  	_ = 	snop;
	(pc) =	sbr.ind lr, $3  }
0x3a: {  	_ = 	snop  }
0x3b: {  	_ = 	snop  }
0x3c: {  	p2 =	seq.s32 s10, $0x1;
	s10 =	sld [smem:$0x3FBA]  }
0x3d: {  	_ =	shalt  }
0x3e: {  	_ =	shalt  }
0x3f: {  	_ =	shalt  }
0x40: {  	_ =	shalt  }
0x41: {  	_ =	shalt  }
0x42: {  	_ =	shalt  }
0x43: {  	_ =	shalt  }
0x44: {  	_ =	shalt  }
0x45: {  	_ =	shalt  }
0x46: {  	_ =	shalt  }
0x47: {  	_ =	shalt  }
0x48: {  	_ =	shalt  }
0x49: {  	_ =	shalt  }
0x4a: {  	_ =	shalt  }
0x4b: {  	_ =	shalt  }
0x4c: {  	_ =	shalt  }
0x4d: {  	_ =	shalt  }
0x4e: {  	_ =	shalt  }
0x4f: {  	_ =	shalt  }
0x50: {  	_ =	shalt  }
0x51: {  	_ =	shalt  }
0x52: {  	_ =	shalt  }
0x53: {  	_ =	shalt  }
0x54: {  	_ =	shalt  }
0x55: {  	_ =	shalt  }
0x56: {  	_ =	shalt  }
0x57: {  	_ =	shalt  }
0x58: {  	_ =	shalt  }
0x59: {  	_ =	shalt  }
0x5a: {  	_ =	shalt  }
0x5b: {  	_ =	shalt  }
0x5c: {  	_ =	shalt  }
0x5d: {  	_ =	shalt  }
0x5e: {  	_ =	shalt  }
0x5f: {  	_ =	shalt  }
0x60: {  	_ =	shalt  }
0x61: {  	_ =	shalt  }
0x62: {  	_ =	shalt  }
0x63: {  	_ =	shalt  }
0x64: {  	_ =	shalt  }
0x65: {  	_ =	shalt  }
0x66: {  	_ =	shalt  }
0x67: {  	_ =	shalt  }
0x68: {  	_ =	shalt  }
0x69: {  	_ =	shalt  }
0x6a: {  	_ =	shalt  }
0x6b: {  	_ =	shalt  }
0x6c: {  	_ =	shalt  }
0x6d: {  	_ =	shalt  }
0x6e: {  	_ =	shalt  }
0x6f: {  	_ =	shalt  }
0x70: {  	_ =	shalt  }
0x71: {  	_ =	shalt  }
0x72: {  	_ =	shalt  }
0x73: {  	_ =	shalt  }
0x74: {  	_ =	shalt  }
0x75: {  	_ =	shalt  }
0x76: {  	_ =	shalt  }
0x77: {  	_ =	shalt  }
0x78: {  	_ =	shalt  }
0x79: {  	_ =	shalt  }
0x7a: {  	_ =	shalt  }
0x7b: {  	_ =	shalt  }
0x7c: {  	_ =	shalt  }
0x7d: {  	_ =	shalt  }
0x7e: {  	_ =	shalt  }
0x7f: {  	_ =	shalt  }
0x80: {  	_ =	shalt  }
0x81: {  	_ =	shalt  }
0x82: {  	_ =	shalt  }
0x83: {  	_ =	shalt  }
0x84: {  	_ =	shalt  }
0x85: {  	_ =	shalt  }
0x86: {  	_ =	shalt  }
0x87: {  	_ =	shalt  }
.Lfunc_end0:
.L_simem_size_0:
called_computation_lowered:
.L_overlay_start_0:
0x88: {  	s2 =	sld [smem:$0x3FD9]  }
0x89: {  	s3 =	sld [smem:$0x3FFE];
	_ =	sdelay $0x1  }
0x8a: {  	s1 =	srdreg.scid  }
0x8b: {  	s0 =	sand.u32 $0x1, s1  }
0x8c: {  	s17 =	sshll.u32 s0, $0xA;
	s2 =	sadd.s32 s3, s2  }
0x8d: {  	s2 =	sadd.s32 s2, s17  }
0x8e: {  	[smem:$0x3FC6] =	sst s2  }
0x8f: {  	_ = 	snop  }
0x90: {  	s2 =	sld [smem:$0x3FC9]  }
0x91: {  	s18 =	sld [smem:$0x3FC8]  }
0x92: {  	s4 =	sld [smem:$0x3FD0];
	(tm) =	ssettm $0x1  }
0x93: {  	s5 =	sld [smem:$0x3FFB];
	_ =	sdelay $0x3  }
0x94: {  	_ =	strace s5  }
0x95: {  	s5 =	sld [smem:$0x3FFC];
	_ =	sdelay $0x3  }
0x96: {  	_ =	strace s5  }
0x97: {  	s5 =	sld [smem:$0x3FFD];
	_ =	sdelay $0x3  }
0x98: {  	_ =	strace s5  }
0x99: {  	_ =	strace $0x8FFFFFFF  }
0x9a: {  	s19 =	sld [smem:$0x3FDB];
	_ =	sdelay $0x1  }
0x9b: {  	s6 =	simm.s32 $_scs_section_size  }
0x9c: {  	s7 =	simm.s32 $_size__tile_overlayer_lowered;
	s8 =	simm.s32 $_tile_overlayer_lowered  }
0x9d: {  	s22 =	simm.s32 $0x1BFF;
	s21 =	sshll.u32 s8, $0x1;
	s5 =	sadd.s32 s6, s19  }
0x9e: {  	s9 =	simm.s32 $0x0;
	s20 =	sshll.u32 s7, $0x1;
	s7 =	sadd.s32 s21, s5  }
0x9f: {  	[timem:s9], [sflag:s22] =	dma.local [hbm:s7], s20  }
0xa0: {  	_ =	swait.ge [sflag:s22], s20  }
0xa1: {  	s6 =	ssub.s32 $0x0, s20;
	[sflag:s22] =	ssyncset.done $0x0  }
0xa2: {  	[sflag:s22] =	ssyncadd.s32 s6;
	_ =	sdelay $0x1  }
0xa3: {  	s23 =	simm.s32 $0x1B8B  }
0xa4: {  	_ =	swait.ge [sflag:s23], $0x1  }
0xa5: {  	[sflag:s23] =	ssyncset.done $0x0  }
0xa6: {  	s25 =	simm.s32 $0x1B8E;
	s24 =	sld [smem:$0x3FFE];
	[sflag:s23] =	ssyncadd.s32 $0xFFFFFFFF  }
0xa7: {  	s26 =	simm.s32 $execute0_lowered;
	[smem:$0x3FD2] =	sst s25  }
0xa8: {  	s7 =	sshll.u32 s26, $0x1;
	_ =	strace $0x80000046;
	[dreg:$0x1] =	wrdreg $0xFFFFFFFF  }
0xa9: {  	s28 =	simm.s32 $_size_execute0_lowered;
	s5 =	sadd.s32 s5, s7;
	[dreg:$0x0] =	wrdreg $0x0  }
0xaa: {  	s7 =	sshll.u32 s28, $0x1;
	[dreg:$0x2] =	wrdreg s5  }
0xab: {  	[dreg:$0x3] =	wrdreg s7  }
0xac: {  	[dreg:$0x4] =	wrdreg $0xC0  }
0xad: {  	_ =	task [dreg:s9], $0x5FFFF  }
0xae: {  	[dreg:$0x1] =	wrdreg $0xFFFFFFFF  }
0xaf: {  	[dreg:$0x0] =	wrdreg $0x60  }
0xb0: {  	[dreg:$0x2] =	wrdreg s2  }
0xb1: {  	[dreg:$0x3] =	wrdreg s18  }
0xb2: {  	[dreg:$0x4] =	wrdreg s24  }
0xb3: {  	[dreg:$0x5] =	wrdreg s4  }
0xb4: {  	[dreg:$0x6] =	wrdreg $0x9  }
0xb5: {  	_ =	task.clear_ibuf [dreg:s9], $0x7FFFF;
	_ =	strace $0x90000046  }
0xb6: {  	s29 =	simm.s32 $0x9;
	_ =	strace $0x80000048  }
0xb7: {  	_ =	swait.ge [sflag:s29], $0x1  }
0xb8: {  	[sflag:s29] =	ssyncadd.s32 $0xFFFFFFFF  }
0xb9: {  	_ =	strace $0x90000048  }
0xba: {  	_ =	sfence  }
0xbb: {  	s30 =	sld [smem:$0x0];
	_ =	sdelay $0x2  }
0xbc: {  	s31 =	sshll.u32 s1, $0xD;
	s1 =	sshrl.u32 s1, $0x2  }
0xbd: {  	s3 =	sand.u32 $0x4000, s31;
	s1 =	sadd.s32 s1, s30  }
0xbe: {  	s0 =	sor.u32 s3, s0;
	s1 =	sshll.u32 s1, $0x11  }
0xbf: {  	s0 =	sor.u32 s1, s0  }
0xc0: {  	s0 =	sadd.s32 $0x8F2B, s0  }
0xc1: {  	[sflag:s0] =	ssyncadd.remote.s32 $0x1  }
0xc2: {  	_ =	sfence.sel $0xFFFF  }
0xc3: {  	[dreg:$0x0] =	wrdreg $0xFFFFFFFF;
	(pc) =	sbr.abs _section_cstart, $3  }
0xc4: {  	[dreg:$0x1] =	wrdreg $0xFFFFFFFF  }
0xc5: {  	_ =	task.clear_ibuf [dreg:s9], $0x2FFFF;
	_ =	strace $0x9FFFFFFF  }
0xc6: {  	(tm) =	ssettm $0x7FFFFFFF  }
0xc7: {  	_ =	shalt  }
tec
execute0_lowered:
.L_overlay_start_1:
0x0: {  	(tag) =	ssettag $0x1  }
0x1: {  	s0 =	rddreg [dreg:$0x0]  }
0x2: {  	s1 =	rddreg [dreg:$0x1]  }
0x3: {  	s2 =	srdreg.scid;
	s4 =	rddreg [dreg:$0x2]  }
0x4: {  	s12 =	rddreg [dreg:$0x3];
	s6 =	stileid.u32  }
0x5: {  	s3 =	simm.s32 $0x0;
	s17 =	simm.s32 $0x3F40;
	s18 =	simm.s32 $0x5080  }
0x6: {  	s19 =	simm.s32 $0x7;
	s20 =	simm.s32 $0x200;
	s21 =	simm.s32 $0x5280  }
0x7: {  	s22 =	simm.s32 $0x1;
	s23 =	simm.s32 $0x2;
	s24 =	simm.s32 $0x3  }
0x8: {  	s25 =	simm.s32 $0x4;
	s26 =	simm.s32 $0x5;
	s28 =	simm.s32 $0x4F80  }
0x9: {  	s29 =	simm.s32 $0x5000;
	s30 =	simm.s32 $0x6;
	s2 =	sand.u32 $0x1, s2  }
0xa: {  	s31 =	simm.s32 $0x5480;
	[smem:$0x7FF] =	sst s3;
	s5 =	sshll.u32 s2, $0x4  }
0xb: {  	_ =	strace $0x80000047;
	s2 =	ssub.s32 $0x2, s2;
	s14 =	sor.u32 s6, s5  }
0xc: {  	s6 =	sshll.u32 s6, $0x4;
	s7 =	sshrl.u32 s2, $0x1;
	s5 =	smul.u32 $0x4F10, s14  }
0xd: {  	s6 =	sand.u32 $0x70, s6;
	s2 =	ssub.s32 s2, s7;
	s10 =	sshll.u32 s14, $0x4  }
0xe: {  	s13 =	sshll.u32 s14, $0x6;
	p0 =	seq.s32 s14, $0x0;
	s9 =	sadd.s32 s6, s4  }
0xf: {  	s10 =	sand.u32 $0x180, s10;
	s12 =	sadd.s32 s12, s13;
	s5 =	sshrl.u32 s5, $0x3  }
0x10: {  	s11 =	sadd.s32 s10, s9;
	s9 =	sadd.s32 s1, s13;
	s10 =	sadd.s32 $0x1E840, s0  }
0x11: {  	s13 =	smax.u32 s2, $0x1;
	s1 =	simm.s32 $0x0;
	s8 =	sadd.s32 s0, s5  }
0x12: {  	s11 =	sadd.s32 $0xE00, s11;
	s4 =	sadd.s32 $0xAC00, s8;
	s5 =	sadd.s32 $0xADFA, s8  }
0x13: {  	s6 =	sadd.s32 $0xAFF4, s8;
	s7 =	sadd.s32 $0xB1EE, s8;
	s8 =	sadd.s32 $0xB3E8, s8  }
.LBB2_1:
0x14: {  	[tilespmem:s3], [sflag:$0x1] =	stream.linear.gather [hbm4b:s4+s3], $0xFD0, $0x38;
	[tilespmem:$0x5680] =	vst v63  }
0x15: {  	s2 =	simm.s32 $0xFD0  }
0x16: {  	[tilespmem:s2], [sflag:$0x2] =	stream.linear.gather [hbm4b:s5+s3], $0xFD0, $0x38;
	[tilespmem:$0x5680] =	vst v63  }
0x17: {  	s14 =	simm.s32 $0x1FA0  }
0x18: {  	[tilespmem:s14], [sflag:$0x3] =	stream.linear.gather [hbm4b:s6+s3], $0xFD0, $0x38;
	[tilespmem:$0x5680] =	vst v63  }
0x19: {  	s15 =	simm.s32 $0x2F70  }
0x1a: {  	[tilespmem:s15], [sflag:$0x4] =	stream.linear.gather [hbm4b:s7+s3], $0xFD0, $0x38;
	[tilespmem:$0x5680] =	vst v63  }
0x1b: {  	_ = 	snop  }
0x1c: {  	[tilespmem:s17], [sflag:$0x5] =	stream.linear.gather [hbm4b:s8+s3], $0xFD0, $0x38;
	[tilespmem:$0x5680] =	vst v63  }
0x1d: {  	_ = 	snop  }
0x1e: {  	[tilespmem:s18], [sflag:$0x7] =	stream.linear.gather [hbm4b:s9+s3], $0x200, $0x38;
	[tilespmem:$0x5680] =	vst v63  }
0x1f: {  	_ =	swait.ge [sflag:s19], $0x200  }
0x20: {  	[sflag:s19] =	ssyncset.done $0x0  }
0x21: {  	[sflag:s19] =	ssyncadd.s32 $0xFFFFFE00  }
0x22: {  	[tilespmem:s21], [sflag:$0x6] =	stream.indirect.gather [hbm4b:s0+s20], $0x1, s18, s20, $0xb8;
	[tilespmem:$0x5680] =	vst v63  }
0x23: {  	_ =	swait.ge [sflag:s22], $0xFD0  }
0x24: {  	[sflag:s22] =	ssyncset.done $0x0  }
0x25: {  	s14 =	sand.u32 $0x1FF0, s3;
	[sflag:s22] =	ssyncadd.s32 $0xFFFFF030  }
0x26: {  	s16 =	simm.s32 $0xB0;
	v0 =	vld [tilespmem:s14+$0x100]  }
0x27: {  	v1 =	vld [tilespmem:s16+$0xB0]  }
0x28: {  	v2 =	vld [tilespmem:s16+$0xFFFFFF60]  }
0x29: {  	v3 =	vld [tilespmem:s16+$0xFFFFFF70]  }
0x2a: {  	v4 =	vld [tilespmem:s16+$0xFFFFFF80]  }
0x2b: {  	v5 =	vld [tilespmem:s16+$0xFFFFFF90]  }
0x2c: {  	v6 =	vld [tilespmem:s16+$0xFFFFFFA0];
	v0 =	vmul.f32 $1.442695020e+00, v0  }
0x2d: {  	v7 =	vld [tilespmem:s16+$0xFFFFFFB0];
	v1 =	vmul.f32 $1.442695020e+00, v1;
	v2 =	vmul.f32 $1.442695020e+00, v2  }
0x2e: {  	v10 =	vld [tilespmem:s16+$0x70];
	(erf) = vpow2.f32 v0;
	v0 =	vmul.f32 $1.442695020e+00, v3  }
0x2f: {  	v12 =	vimm.f32 $0.0e+00;
	(erf) = vpow2.f32 v1;
	v1 =	vmul.f32 $1.442695020e+00, v4;
	v4 =	vld [tilespmem:s16+$0xFFFFFFE0]  }
0x30: {  	v13 =	vimm.f32 $0.0e+00;
	v14 =	vimm.f32 $0.0e+00;
	v3 =	vld [tilespmem:s16+$0xFFFFFFC0];
	(erf) = vpow2.f32 v2  }
0x31: {  	v15 =	vimm.f32 $0.0e+00;
	v11 =	vld [tilespmem:s16+$0x80];
	v2 =	vmul.f32 $1.442695020e+00, v5;
	(erf) = vpow2.f32 v0  }
0x32: {  	v16 =	vimm.f32 $0.0e+00;
	v5 =	vld [tilespmem:s16+$0xFFFFFFF0];
	v0 =	vmul.f32 $1.442695020e+00, v6;
	(erf) = vpow2.f32 v1  }
0x33: {  	v20 =	vimm.f32 $0.0e+00;
	v6 =	vld [tilespmem:s16+$0x0];
	v1 =	vmul.f32 $1.442695020e+00, v7;
	(erf) = vpow2.f32 v2  }
0x34: {  	v17 =	vimm.f32 $0.0e+00;
	v7 =	vld [tilespmem:s16+$0x10];
	(erf) = vpow2.f32 v0;
	v0 =	vmul.f32 $1.442695020e+00, v4  }
0x35: {  	v18 =	vimm.f32 $0.0e+00;
	v21 =	vimm.f32 $0.0e+00;
	v2 =	vmul.f32 $1.442695020e+00, v3;
	v3 =	vld [tilespmem:s16+$0x20]  }
0x36: {  	v22 =	vimm.f32 $0.0e+00;
	v29 =	vmul.f32 $1.442695020e+00, v10;
	v4 =	vld [tilespmem:s16+$0x30];
	(erf) = vpow2.f32 v1  }
0x37: {  	v19 =	vimm.f32 $0.0e+00;
	v8 =	vld [tilespmem:s16+$0x40];
	v30 =	vmul.f32 $1.442695020e+00, v11;
	(erf) = vpow2.f32 v2  }
0x38: {  	v9 =	vld [tilespmem:s16+$0x60];
	v10 =	vimm.f32 $0.0e+00;
	v5 =	vmul.f32 $1.442695020e+00, v5;
	(erf) = vpow2.f32 v0;
	v0 =	vpop (erf)  }
0x39: {  	v11 =	vimm.f32 $0.0e+00;
	v6 =	vmul.f32 $1.442695020e+00, v6;
	v7 =	vmul.f32 $1.442695020e+00, v7;
	v2 =	vpop (erf)  }
0x3a: {  	v1 =	vimm.f32 $0.0e+00;
	(erf) = vpow2.f32 v5;
	v5 =	vmul.f32 $1.442695020e+00, v3;
	v3 =	vpop (erf)  }
0x3b: {  	v0 =	vadd.f32 v0, v1;
	(erf) = vpow2.f32 v6;
	v6 =	vmul.f32 $1.442695020e+00, v4;
	v4 =	vpop (erf)  }
0x3c: {  	v24 =	vld [tilespmem:s16+$0x90];
	v2 =	vadd.f32 v2, v1;
	(erf) = vpow2.f32 v7;
	v7 =	vmul.f32 $1.442695020e+00, v8;
	v8 =	vpop (erf)  }
0x3d: {  	v25 =	vld [tilespmem:s16+$0xA0];
	(erf) = vpow2.f32 v5;
	v5 =	vadd.f32 v8, v1;
	v8 =	vmul.f32 $1.442695020e+00, v9;
	v9 =	vpop (erf)  }
0x3e: {  	s15 =	simm.s32 $0x170;
	v26 =	vld [tilespmem:s16+$0xFFFFFF50];
	v3 =	vadd.f32 v3, v1;
	(erf) = vpow2.f32 v6;
	v6 =	vadd.f32 v9, v1;
	v9 =	vpop (erf)  }
0x3f: {  	s2 =	sand.u32 $0x1FF0, s15;
	v27 =	vld [tilespmem:s14+$0x80];
	v4 =	vadd.f32 v4, v1;
	(erf) = vpow2.f32 v7;
	v7 =	vadd.f32 v9, v1  }
0x40: {  	s15 =	simm.s32 $0x2E0;
	v28 =	vld [tilespmem:s2+$0x100];
	s14 =	simm.s32 $0x220;
	(erf) = vpow2.f32 v8;
	v8 =	vimm.f32 $0.0e+00;
	v9 =	vimm.f32 $0.0e+00;
	v23 =	vpop (erf)  }
.LBB2_2:
0x41: {  	p1 =	sne.s32 s15, $0xE60;
	v31 =	vld [tilespmem:s14+$0xB0];
	v1 =	vadd.f32 v23, v1;
	v23 =	vmul.f32 $1.442695020e+00, v24;
	v24 =	vpop (erf);
	(erf) = vpow2.f32 v29  }
0x42: {  	v29 =	vld [tilespmem:s14+$0xFFFFFF60];
	v12 =	vadd.f32 v24, v12;
	v24 =	vmul.f32 $1.442695020e+00, v25;
	v25 =	vpop (erf);
	(erf) = vpow2.f32 v30  }
0x43: {  	v30 =	vld [tilespmem:s14+$0xFFFFFF70];
	v26 =	vmul.f32 $1.442695020e+00, v26;
	v13 =	vadd.f32 v25, v13;
	v25 =	vpop (erf);
	(erf) = vpow2.f32 v23  }
0x44: {  	v23 =	vld [tilespmem:s14+$0xFFFFFF80];
	v27 =	vmul.f32 $1.442695020e+00, v27;
	v8 =	vadd.f32 v25, v8;
	v25 =	vpop (erf);
	(erf) = vpow2.f32 v24  }
0x45: {  	v24 =	vld [tilespmem:s14+$0xFFFFFF90];
	v28 =	vmul.f32 $1.442695020e+00, v28;
	v14 =	vadd.f32 v25, v14;
	(erf) = vpow2.f32 v26;
	v25 =	vpop (erf)  }
0x46: {  	v26 =	vld [tilespmem:s14+$0xFFFFFFA0];
	v31 =	vmul.f32 $1.442695020e+00, v31;
	v9 =	vadd.f32 v25, v9;
	(erf) = vpow2.f32 v27;
	v25 =	vpop (erf)  }
0x47: {  	v27 =	vmul.f32 $1.442695020e+00, v29;
	v29 =	vld [tilespmem:s14+$0xFFFFFFB0];
	(erf) = vpow2.f32 v28;
	v10 =	vadd.f32 v25, v10;
	v25 =	vpop (erf)  }
0x48: {  	v28 =	vmul.f32 $1.442695020e+00, v30;
	v30 =	vld [tilespmem:s14+$0xFFFFFFC0];
	(erf) = vpow2.f32 v31;
	v15 =	vadd.f32 v25, v15;
	v25 =	vpop (erf)  }
0x49: {  	v32 =	vmul.f32 $1.442695020e+00, v23;
	v31 =	vld [tilespmem:s14+$0xFFFFFFE0];
	(erf) = vpow2.f32 v27;
	v16 =	vadd.f32 v25, v16;
	v25 =	vpop (erf)  }
0x4a: {  	v24 =	vmul.f32 $1.442695020e+00, v24;
	v27 =	vld [tilespmem:s14+$0xFFFFFFF0];
	(erf) = vpow2.f32 v28;
	v11 =	vadd.f32 v25, v11;
	v25 =	vpop (erf)  }
0x4b: {  	v26 =	vmul.f32 $1.442695020e+00, v26;
	v28 =	vld [tilespmem:s14+$0x0];
	(erf) = vpow2.f32 v32;
	v20 =	vadd.f32 v25, v20;
	v23 =	vpop (erf)  }
0x4c: {  	v25 =	vmul.f32 $1.442695020e+00, v29;
	v29 =	vld [tilespmem:s14+$0x10];
	(erf) = vpow2.f32 v24;
	v17 =	vadd.f32 v23, v17;
	v23 =	vpop (erf)  }
0x4d: {  	v24 =	vmul.f32 $1.442695020e+00, v30;
	v30 =	vld [tilespmem:s14+$0x20];
	(erf) = vpow2.f32 v26;
	v18 =	vadd.f32 v23, v18;
	v23 =	vpop (erf)  }
0x4e: {  	v32 =	vmul.f32 $1.442695020e+00, v31;
	v31 =	vld [tilespmem:s14+$0x30];
	(erf) = vpow2.f32 v25;
	v21 =	vadd.f32 v23, v21;
	v23 =	vpop (erf)  }
0x4f: {  	v33 =	vmul.f32 $1.442695020e+00, v27;
	v27 =	vld [tilespmem:s14+$0x40];
	(erf) = vpow2.f32 v24;
	v22 =	vadd.f32 v23, v22;
	v23 =	vpop (erf)  }
0x50: {  	v24 =	vmul.f32 $1.442695020e+00, v28;
	v28 =	vld [tilespmem:s14+$0x60];
	(erf) = vpow2.f32 v32;
	v26 =	vpop (erf);
	v19 =	vadd.f32 v23, v19  }
0x51: {  	v23 =	vmul.f32 $1.442695020e+00, v29;
	v0 =	vadd.f32 v26, v0;
	v29 =	vld [tilespmem:s14+$0x70];
	(erf) = vpow2.f32 v33;
	v25 =	vpop (erf)  }
0x52: {  	v26 =	vmul.f32 $1.442695020e+00, v30;
	v30 =	vld [tilespmem:s14+$0x80];
	v2 =	vadd.f32 v25, v2;
	v25 =	vpop (erf);
	(erf) = vpow2.f32 v24  }
.Ltmp0:
0x53: {  	v3 =	vadd.f32 v25, v3;
	v33 =	vmul.f32 $1.442695020e+00, v31;
	v24 =	vld [tilespmem:s14+$0x90];
	v25 =	vpop (erf);
	(erf) = vpow2.f32 v23;
	(pc) =	sbr.rel @p1 .LBB2_2-.Ltmp0, $4  }
0x54: {  	v4 =	vadd.f32 v25, v4;
	v34 =	vmul.f32 $1.442695020e+00, v27;
	v25 =	vld [tilespmem:s14+$0xA0];
	v27 =	vpop (erf);
	(erf) = vpow2.f32 v26  }
0x55: {  	v26 =	vld [tilespmem:s14+$0xFFFFFF50];
	v5 =	vadd.f32 v27, v5;
	v32 =	vmul.f32 $1.442695020e+00, v28;
	v27 =	vpop (erf);
	(erf) = vpow2.f32 v33  }
0x56: {  	v6 =	vadd.f32 v27, v6;
	v27 =	vld [tilespmem:s2+$0x80];
	s2 =	sand.u32 $0x1FF0, s15;
	v29 =	vmul.f32 $1.442695020e+00, v29;
	v31 =	vpop (erf);
	(erf) = vpow2.f32 v34  }
0x57: {  	s14 =	sadd.s32 $0x170, s14;
	s15 =	sadd.s32 $0x170, s15;
	v28 =	vld [tilespmem:s2+$0x100];
	v7 =	vadd.f32 v31, v7;
	v30 =	vmul.f32 $1.442695020e+00, v30;
	v23 =	vpop (erf);
	(erf) = vpow2.f32 v32  }
0x58: {  	v31 =	vld [tilespmem:s14+$0xB0];
	v24 =	vmul.f32 $1.442695020e+00, v24  }
0x59: {  	v32 =	vpop (erf);
	(erf) = vpow2.f32 v29;
	v29 =	vld [tilespmem:s14+$0xFFFFFF60];
	v25 =	vmul.f32 $1.442695020e+00, v25  }
0x5a: {  	v33 =	vpop (erf);
	(erf) = vpow2.f32 v30;
	v30 =	vld [tilespmem:s14+$0xFFFFFF70];
	v26 =	vmul.f32 $1.442695020e+00, v26  }
0x5b: {  	v34 =	vpop (erf);
	(erf) = vpow2.f32 v24;
	v24 =	vld [tilespmem:s14+$0xFFFFFF80];
	v27 =	vmul.f32 $1.442695020e+00, v27  }
0x5c: {  	v35 =	vpop (erf);
	(erf) = vpow2.f32 v25;
	v25 =	vld [tilespmem:s14+$0xFFFFFF90];
	v28 =	vmul.f32 $1.442695020e+00, v28  }
0x5d: {  	v36 =	vld [tilespmem:s14+$0xFFFFFFA0];
	v31 =	vmul.f32 $1.442695020e+00, v31  }
0x5e: {  	v37 =	vld [tilespmem:s14+$0xFFFFFFB0];
	(erf) = vpow2.f32 v26;
	v29 =	vmul.f32 $1.442695020e+00, v29;
	v26 =	vpop (erf)  }
0x5f: {  	v38 =	vld [tilespmem:s14+$0xFFFFFFC0];
	(erf) = vpow2.f32 v27;
	v30 =	vmul.f32 $1.442695020e+00, v30;
	v27 =	vpop (erf)  }
0x60: {  	v39 =	vld [tilespmem:s14+$0xFFFFFFE0];
	(erf) = vpow2.f32 v28;
	v24 =	vmul.f32 $1.442695020e+00, v24;
	v28 =	vpop (erf)  }
0x61: {  	v40 =	vld [tilespmem:s14+$0xFFFFFFF0];
	(erf) = vpow2.f32 v31;
	v25 =	vmul.f32 $1.442695020e+00, v25;
	v31 =	vpop (erf)  }
0x62: {  	v36 =	vmul.f32 $1.442695020e+00, v36;
	(erf) = vpow2.f32 v29;
	v29 =	vpop (erf)  }
0x63: {  	v41 =	vld [tilespmem:s14+$0x0];
	v37 =	vmul.f32 $1.442695020e+00, v37;
	(erf) = vpow2.f32 v30;
	v30 =	vpop (erf)  }
0x64: {  	v42 =	vld [tilespmem:s14+$0x10];
	v38 =	vmul.f32 $1.442695020e+00, v38;
	(erf) = vpow2.f32 v24;
	v24 =	vpop (erf)  }
0x65: {  	v43 =	vld [tilespmem:s14+$0x20];
	v39 =	vmul.f32 $1.442695020e+00, v39;
	(erf) = vpow2.f32 v25;
	v25 =	vpop (erf)  }
0x66: {  	v44 =	vld [tilespmem:s14+$0x30];
	v40 =	vmul.f32 $1.442695020e+00, v40;
	(erf) = vpow2.f32 v36;
	v36 =	vpop (erf)  }
0x67: {  	v45 =	vld [tilespmem:s14+$0x40];
	(erf) = vpow2.f32 v37;
	v37 =	vpop (erf)  }
0x68: {  	v46 =	vld [tilespmem:s14+$0x60];
	v41 =	vmul.f32 $1.442695020e+00, v41;
	(erf) = vpow2.f32 v38;
	v38 =	vpop (erf)  }
0x69: {  	v47 =	vld [tilespmem:s14+$0x70];
	v42 =	vmul.f32 $1.442695020e+00, v42;
	(erf) = vpow2.f32 v39;
	v39 =	vpop (erf)  }
0x6a: {  	v48 =	vld [tilespmem:s14+$0x80];
	v43 =	vmul.f32 $1.442695020e+00, v43;
	(erf) = vpow2.f32 v40;
	v40 =	vpop (erf)  }
0x6b: {  	v63 =	vld [tilespmem:s14+$0x90];
	v62 =	vmul.f32 $1.442695020e+00, v44;
	(erf) = vpow2.f32 v41;
	v49 =	vpop (erf)  }
0x6c: {  	v57 =	vld [tilespmem:s14+$0xA0];
	v56 =	vmul.f32 $1.442695020e+00, v45;
	(erf) = vpow2.f32 v42;
	v50 =	vpop (erf)  }
0x6d: {  	v59 =	vld [tilespmem:s2+$0x80];
	v46 =	vmul.f32 $1.442695020e+00, v46;
	v51 =	vpop (erf);
	(erf) = vpow2.f32 v43  }
0x6e: {  	v58 =	vld [tilespmem:s14+$0xFFFFFF50];
	v47 =	vmul.f32 $1.442695020e+00, v47;
	v52 =	vpop (erf);
	(erf) = vpow2.f32 v62  }
0x6f: {  	v60 =	vmul.f32 $1.442695020e+00, v48;
	v53 =	vpop (erf);
	(erf) = vpow2.f32 v56  }
0x70: {  	v44 =	vmul.f32 $1.442695020e+00, v63;
	v48 =	vpop (erf);
	(erf) = vpow2.f32 v46  }
0x71: {  	v45 =	vmul.f32 $1.442695020e+00, v57;
	v46 =	vpop (erf);
	(erf) = vpow2.f32 v47  }
0x72: {  	v41 =	vmul.f32 $1.442695020e+00, v59;
	v47 =	vpop (erf);
	(erf) = vpow2.f32 v60  }
0x73: {  	v61 =	vmul.f32 $1.442695020e+00, v58;
	v43 =	vpop (erf);
	(erf) = vpow2.f32 v44  }
0x74: {  	v44 =	vpop (erf);
	(erf) = vpow2.f32 v45  }
0x75: {  	(erf) = vpow2.f32 v61;
	v42 =	vpop (erf)  }
0x76: {  	(erf) = vpow2.f32 v41;
	v41 =	vpop (erf)  }
0x77: {  	v62 =	vpop (erf)  }
0x78: {  	v54 =	vpop (erf)  }
0x79: {  	v55 =	vpop (erf)  }
0x7a: {  	v56 =	vpop (erf)  }
0x7b: {  	v57 =	vpop (erf)  }
0x7c: {  	v23 =	vadd.f32 v23, v1;
	v63 =	vpop (erf)  }
0x7d: {  	v12 =	vadd.f32 v32, v12;
	v13 =	vadd.f32 v33, v13;
	v58 =	vpop (erf)  }
0x7e: {  	v8 =	vadd.f32 v34, v8;
	v9 =	vadd.f32 v26, v9;
	v26 =	vpop (erf)  }
0x7f: {  	v14 =	vadd.f32 v35, v14;
	v10 =	vadd.f32 v27, v10;
	v27 =	vpop (erf)  }
0x80: {  	v15 =	vadd.f32 v28, v15;
	v16 =	vadd.f32 v31, v16;
	_ =	swait.ge [sflag:s23], $0xFD0  }
0x81: {  	s14 =	simm.s32 $0x0;
	v11 =	vadd.f32 v29, v11;
	v20 =	vadd.f32 v30, v20;
	[sflag:s23] =	ssyncset.done $0x0  }
0x82: {  	s14 =	sand.u32 $0x1FF0, s14;
	v17 =	vadd.f32 v24, v17;
	v18 =	vadd.f32 v25, v18;
	[sflag:s23] =	ssyncadd.s32 $0xFFFFF030  }
0x83: {  	s15 =	simm.s32 $0x1130;
	v21 =	vadd.f32 v36, v21;
	v22 =	vadd.f32 v37, v22;
	v24 =	vld [tilespmem:s14+$0x1100]  }
0x84: {  	v1 =	vadd.f32 v39, v0;
	v25 =	vadd.f32 v40, v2;
	v29 =	vld [tilespmem:s15+$0x0]  }
0x85: {  	v28 =	vadd.f32 v49, v3;
	v30 =	vadd.f32 v50, v4;
	v31 =	vld [tilespmem:s15+$0xFFFFFEB0]  }
0x86: {  	v0 =	vadd.f32 v51, v5;
	v5 =	vadd.f32 v46, v12;
	v12 =	vld [tilespmem:s15+$0xFFFFFEE0]  }
0x87: {  	v59 =	vadd.f32 v52, v6;
	v60 =	vadd.f32 v53, v7;
	v61 =	vld [tilespmem:s15+$0xFFFFFEC0]  }
0x88: {  	v4 =	vadd.f32 v47, v13;
	v3 =	vadd.f32 v43, v8;
	v13 =	vld [tilespmem:s15+$0xFFFFFEF0]  }
0x89: {  	v2 =	vadd.f32 v44, v14;
	v6 =	vadd.f32 v42, v9;
	v14 =	vld [tilespmem:s15+$0xFFFFFF00];
	v8 =	vmul.f32 $1.442695020e+00, v24  }
0x8a: {  	v7 =	vadd.f32 v41, v10;
	v9 =	vmul.f32 $1.442695020e+00, v29;
	v10 =	vmul.f32 $1.442695020e+00, v31;
	v24 =	vld [tilespmem:s15+$0xFFFFFF10]  }
0x8b: {  	v19 =	vadd.f32 v38, v19;
	v29 =	vld [tilespmem:s15+$0xFFFFFF20];
	v12 =	vmul.f32 $1.442695020e+00, v12;
	(erf) = vpow2.f32 v8  }
0x8c: {  	v31 =	vld [tilespmem:s15+$0xFFFFFF70];
	v8 =	vadd.f32 v62, v15;
	v15 =	vmul.f32 $1.442695020e+00, v61;
	(erf) = vpow2.f32 v9  }
0x8d: {  	v13 =	vmul.f32 $1.442695020e+00, v13;
	v9 =	vadd.f32 v54, v16;
	v16 =	vld [tilespmem:s15+$0xFFFFFF30];
	(erf) = vpow2.f32 v10  }
0x8e: {  	v14 =	vmul.f32 $1.442695020e+00, v14;
	v10 =	vadd.f32 v55, v11;
	(erf) = vpow2.f32 v15;
	v15 =	vld [tilespmem:s15+$0xFFFFFF40]  }
0x8f: {  	v11 =	vadd.f32 v56, v20;
	v20 =	vld [tilespmem:s15+$0xFFFFFF60];
	v24 =	vmul.f32 $1.442695020e+00, v24;
	(erf) = vpow2.f32 v12  }
0x90: {  	v12 =	vadd.f32 v63, v18;
	v18 =	vmul.f32 $1.442695020e+00, v29;
	(erf) = vpow2.f32 v13  }
0x91: {  	v29 =	vld [tilespmem:s15+$0xFFFFFF80];
	v13 =	vadd.f32 v58, v21;
	v21 =	vadd.f32 v27, v19;
	v19 =	vmul.f32 $1.442695020e+00, v31  }
0x92: {  	v17 =	vadd.f32 v57, v17;
	v31 =	vld [tilespmem:s15+$0xFFFFFFC0];
	(erf) = vpow2.f32 v14;
	v16 =	vmul.f32 $1.442695020e+00, v16  }
0x93: {  	v14 =	vadd.f32 v26, v22;
	(erf) = vpow2.f32 v24;
	v24 =	vld [tilespmem:s15+$0xFFFFFF90];
	v22 =	vmul.f32 $1.442695020e+00, v15  }
0x94: {  	v26 =	vld [tilespmem:s15+$0xFFFFFFA0];
	(erf) = vpow2.f32 v18;
	v18 =	vmul.f32 $1.442695020e+00, v20  }
0x95: {  	v20 =	vld [tilespmem:s15+$0xFFFFFFB0];
	(erf) = vpow2.f32 v16;
	v15 =	vpop (erf)  }
0x96: {  	v23 =	vadd.f32 v48, v23;
	v62 =	vld [tilespmem:s15+$0xFFFFFFE0];
	(erf) = vpow2.f32 v22;
	v16 =	vpop (erf);
	v22 =	vmul.f32 $1.442695020e+00, v29  }
0x97: {  	v15 =	vadd.f32 v15, v17;
	v29 =	vmul.f32 $1.442695020e+00, v31;
	v17 =	vpop (erf);
	(erf) = vpow2.f32 v18  }
0x98: {  	v16 =	vadd.f32 v16, v25;
	v25 =	vld [tilespmem:s15+$0xFFFFFFF0];
	v27 =	vmul.f32 $1.442695020e+00, v24;
	v18 =	vpop (erf);
	(erf) = vpow2.f32 v19  }
0x99: {  	v17 =	vadd.f32 v17, v28;
	v24 =	vld [tilespmem:s15+$0xFFFFFEA0];
	v28 =	vmul.f32 $1.442695020e+00, v26;
	v19 =	vpop (erf);
	(erf) = vpow2.f32 v22  }
0x9a: {  	s16 =	simm.s32 $0x170;
	v26 =	vld [tilespmem:s14+$0x1000];
	v18 =	vadd.f32 v18, v30;
	v63 =	vmul.f32 $1.442695020e+00, v20;
	v20 =	vpop (erf);
	(erf) = vpow2.f32 v27  }
0x9b: {  	s2 =	sand.u32 $0x1FF0, s16;
	v30 =	vmul.f32 $1.442695020e+00, v62;
	v19 =	vadd.f32 v19, v59;
	v27 =	vld [tilespmem:s14+$0x1080];
	v22 =	vpop (erf);
	(erf) = vpow2.f32 v28  }
0x9c: {  	s15 =	simm.s32 $0x2E0;
	s14 =	simm.s32 $0x12A0;
	v20 =	vadd.f32 v20, v60;
	v28 =	vld [tilespmem:s2+$0x1100];
	v22 =	vadd.f32 v22, v23;
	v23 =	vpop (erf);
	(erf) = vpow2.f32 v63  }
.LBB2_4:
0x9d: {  	p1 =	sne.s32 s15, $0xE60;
	v31 =	vld [tilespmem:s14+$0x0];
	v5 =	vadd.f32 v23, v5;
	v23 =	vmul.f32 $1.442695020e+00, v25;
	v25 =	vpop (erf);
	(erf) = vpow2.f32 v29  }
0x9e: {  	v29 =	vld [tilespmem:s14+$0xFFFFFEB0];
	v32 =	vmul.f32 $1.442695020e+00, v24;
	v21 =	vadd.f32 v25, v21;
	v25 =	vpop (erf);
	(erf) = vpow2.f32 v30  }
0x9f: {  	v30 =	vld [tilespmem:s14+$0xFFFFFEC0];
	v26 =	vmul.f32 $1.442695020e+00, v26;
	v4 =	vadd.f32 v25, v4;
	v25 =	vpop (erf);
	(erf) = vpow2.f32 v23  }
0xa0: {  	v23 =	vld [tilespmem:s14+$0xFFFFFEE0];
	v3 =	vadd.f32 v25, v3;
	v25 =	vmul.f32 $1.442695020e+00, v27;
	(erf) = vpow2.f32 v32;
	v24 =	vpop (erf)  }
0xa1: {  	v27 =	vld [tilespmem:s14+$0xFFFFFEF0];
	v28 =	vmul.f32 $1.442695020e+00, v28;
	v6 =	vadd.f32 v24, v6;
	(erf) = vpow2.f32 v26;
	v24 =	vpop (erf)  }
0xa2: {  	v26 =	vld [tilespmem:s14+$0xFFFFFF00];
	v31 =	vmul.f32 $1.442695020e+00, v31;
	v7 =	vadd.f32 v24, v7;
	(erf) = vpow2.f32 v25;
	v24 =	vpop (erf)  }
0xa3: {  	v25 =	vmul.f32 $1.442695020e+00, v29;
	v29 =	vld [tilespmem:s14+$0xFFFFFF10];
	(erf) = vpow2.f32 v28;
	v8 =	vadd.f32 v24, v8;
	v24 =	vpop (erf)  }
0xa4: {  	v28 =	vmul.f32 $1.442695020e+00, v30;
	v30 =	vld [tilespmem:s14+$0xFFFFFF20];
	(erf) = vpow2.f32 v31;
	v9 =	vadd.f32 v24, v9;
	v24 =	vpop (erf)  }
0xa5: {  	v32 =	vmul.f32 $1.442695020e+00, v23;
	v31 =	vld [tilespmem:s14+$0xFFFFFF30];
	(erf) = vpow2.f32 v25;
	v1 =	vadd.f32 v24, v1;
	v24 =	vpop (erf)  }
0xa6: {  	v25 =	vmul.f32 $1.442695020e+00, v27;
	v27 =	vld [tilespmem:s14+$0xFFFFFF40];
	(erf) = vpow2.f32 v28;
	v10 =	vadd.f32 v24, v10;
	v24 =	vpop (erf)  }
0xa7: {  	v26 =	vmul.f32 $1.442695020e+00, v26;
	v28 =	vld [tilespmem:s14+$0xFFFFFF60];
	(erf) = vpow2.f32 v32;
	v11 =	vadd.f32 v24, v11;
	v23 =	vpop (erf)  }
0xa8: {  	v24 =	vmul.f32 $1.442695020e+00, v29;
	v29 =	vld [tilespmem:s14+$0xFFFFFF70];
	(erf) = vpow2.f32 v25;
	v12 =	vadd.f32 v23, v12;
	v23 =	vpop (erf)  }
0xa9: {  	v25 =	vmul.f32 $1.442695020e+00, v30;
	v30 =	vld [tilespmem:s14+$0xFFFFFF80];
	(erf) = vpow2.f32 v26;
	v13 =	vadd.f32 v23, v13;
	v23 =	vpop (erf)  }
0xaa: {  	v32 =	vmul.f32 $1.442695020e+00, v31;
	v31 =	vld [tilespmem:s14+$0xFFFFFF90];
	(erf) = vpow2.f32 v24;
	v14 =	vadd.f32 v23, v14;
	v23 =	vpop (erf)  }
0xab: {  	v33 =	vmul.f32 $1.442695020e+00, v27;
	v27 =	vld [tilespmem:s14+$0xFFFFFFA0];
	(erf) = vpow2.f32 v25;
	v0 =	vadd.f32 v23, v0;
	v23 =	vpop (erf)  }
0xac: {  	v25 =	vmul.f32 $1.442695020e+00, v28;
	v28 =	vld [tilespmem:s14+$0xFFFFFFB0];
	(erf) = vpow2.f32 v32;
	v26 =	vpop (erf);
	v2 =	vadd.f32 v23, v2  }
0xad: {  	v23 =	vmul.f32 $1.442695020e+00, v29;
	v29 =	vld [tilespmem:s14+$0xFFFFFFC0];
	v15 =	vadd.f32 v26, v15;
	(erf) = vpow2.f32 v33;
	v24 =	vpop (erf)  }
0xae: {  	v26 =	vmul.f32 $1.442695020e+00, v30;
	v30 =	vld [tilespmem:s14+$0xFFFFFFE0];
	v16 =	vadd.f32 v24, v16;
	v24 =	vpop (erf);
	(erf) = vpow2.f32 v25  }
.Ltmp1:
0xaf: {  	v17 =	vadd.f32 v24, v17;
	v33 =	vmul.f32 $1.442695020e+00, v31;
	v25 =	vld [tilespmem:s14+$0xFFFFFFF0];
	v32 =	vpop (erf);
	(erf) = vpow2.f32 v23;
	(pc) =	sbr.rel @p1 .LBB2_4-.Ltmp1, $4  }
0xb0: {  	v24 =	vld [tilespmem:s14+$0xFFFFFEA0];
	v18 =	vadd.f32 v32, v18;
	v34 =	vmul.f32 $1.442695020e+00, v27;
	v27 =	vpop (erf);
	(erf) = vpow2.f32 v26  }
0xb1: {  	v26 =	vld [tilespmem:s2+$0x1000];
	v19 =	vadd.f32 v27, v19;
	v32 =	vmul.f32 $1.442695020e+00, v28;
	v27 =	vpop (erf);
	(erf) = vpow2.f32 v33  }
0xb2: {  	v20 =	vadd.f32 v27, v20;
	v27 =	vld [tilespmem:s2+$0x1080];
	s2 =	sand.u32 $0x1FF0, s15;
	v29 =	vmul.f32 $1.442695020e+00, v29;
	v31 =	vpop (erf);
	(erf) = vpow2.f32 v34  }
0xb3: {  	s14 =	sadd.s32 $0x170, s14;
	s15 =	sadd.s32 $0x170, s15;
	v28 =	vld [tilespmem:s2+$0x1100];
	v22 =	vadd.f32 v31, v22;
	v30 =	vmul.f32 $1.442695020e+00, v30;
	v23 =	vpop (erf);
	(erf) = vpow2.f32 v32  }
0xb4: {  	v31 =	vld [tilespmem:s14+$0x0];
	v25 =	vmul.f32 $1.442695020e+00, v25  }
0xb5: {  	v32 =	vpop (erf);
	(erf) = vpow2.f32 v29;
	v29 =	vld [tilespmem:s14+$0xFFFFFEB0];
	v24 =	vmul.f32 $1.442695020e+00, v24  }
0xb6: {  	v33 =	vpop (erf);
	(erf) = vpow2.f32 v30;
	v30 =	vld [tilespmem:s14+$0xFFFFFEC0];
	v26 =	vmul.f32 $1.442695020e+00, v26  }
0xb7: {  	v34 =	vpop (erf);
	(erf) = vpow2.f32 v25;
	v25 =	vld [tilespmem:s14+$0xFFFFFEE0];
	v27 =	vmul.f32 $1.442695020e+00, v27  }
0xb8: {  	v35 =	vld [tilespmem:s14+$0xFFFFFEF0];
	v28 =	vmul.f32 $1.442695020e+00, v28  }
0xb9: {  	v36 =	vld [tilespmem:s14+$0xFFFFFF00];
	(erf) = vpow2.f32 v24;
	v24 =	vpop (erf);
	v31 =	vmul.f32 $1.442695020e+00, v31  }
0xba: {  	v37 =	vld [tilespmem:s14+$0xFFFFFF10];
	(erf) = vpow2.f32 v26;
	v29 =	vmul.f32 $1.442695020e+00, v29;
	v26 =	vpop (erf)  }
0xbb: {  	v38 =	vld [tilespmem:s14+$0xFFFFFF20];
	(erf) = vpow2.f32 v27;
	v30 =	vmul.f32 $1.442695020e+00, v30;
	v27 =	vpop (erf)  }
0xbc: {  	v39 =	vld [tilespmem:s14+$0xFFFFFF30];
	(erf) = vpow2.f32 v28;
	v25 =	vmul.f32 $1.442695020e+00, v25;
	v28 =	vpop (erf)  }
0xbd: {  	v40 =	vld [tilespmem:s14+$0xFFFFFF40];
	v35 =	vmul.f32 $1.442695020e+00, v35;
	(erf) = vpow2.f32 v31;
	v31 =	vpop (erf)  }
0xbe: {  	v41 =	vld [tilespmem:s14+$0xFFFFFF60];
	v36 =	vmul.f32 $1.442695020e+00, v36;
	(erf) = vpow2.f32 v29;
	v29 =	vpop (erf)  }
0xbf: {  	v42 =	vld [tilespmem:s14+$0xFFFFFF70];
	v37 =	vmul.f32 $1.442695020e+00, v37;
	(erf) = vpow2.f32 v30;
	v30 =	vpop (erf)  }
0xc0: {  	v43 =	vld [tilespmem:s14+$0xFFFFFF80];
	v38 =	vmul.f32 $1.442695020e+00, v38;
	(erf) = vpow2.f32 v25;
	v25 =	vpop (erf)  }
0xc1: {  	v44 =	vld [tilespmem:s14+$0xFFFFFF90];
	v39 =	vmul.f32 $1.442695020e+00, v39;
	(erf) = vpow2.f32 v35;
	v35 =	vpop (erf)  }
0xc2: {  	v45 =	vld [tilespmem:s14+$0xFFFFFFA0];
	v40 =	vmul.f32 $1.442695020e+00, v40;
	(erf) = vpow2.f32 v36;
	v36 =	vpop (erf)  }
0xc3: {  	v46 =	vld [tilespmem:s14+$0xFFFFFFB0];
	v41 =	vmul.f32 $1.442695020e+00, v41;
	(erf) = vpow2.f32 v37;
	v37 =	vpop (erf)  }
0xc4: {  	v47 =	vld [tilespmem:s14+$0xFFFFFFC0];
	v42 =	vmul.f32 $1.442695020e+00, v42;
	(erf) = vpow2.f32 v38;
	v38 =	vpop (erf)  }
0xc5: {  	v48 =	vld [tilespmem:s14+$0xFFFFFFE0];
	v43 =	vmul.f32 $1.442695020e+00, v43;
	(erf) = vpow2.f32 v39;
	v39 =	vpop (erf)  }
0xc6: {  	v58 =	vld [tilespmem:s14+$0xFFFFFFF0];
	v57 =	vmul.f32 $1.442695020e+00, v44;
	(erf) = vpow2.f32 v40;
	v40 =	vpop (erf)  }
0xc7: {  	v59 =	vld [tilespmem:s14+$0xFFFFFEA0];
	v45 =	vmul.f32 $1.442695020e+00, v45;
	(erf) = vpow2.f32 v41;
	v49 =	vpop (erf)  }
0xc8: {  	v60 =	vld [tilespmem:s2+$0x1000];
	v46 =	vmul.f32 $1.442695020e+00, v46;
	(erf) = vpow2.f32 v42;
	v50 =	vpop (erf)  }
0xc9: {  	v61 =	vld [tilespmem:s2+$0x1080];
	v47 =	vmul.f32 $1.442695020e+00, v47;
	v51 =	vpop (erf);
	(erf) = vpow2.f32 v43  }
0xca: {  	v62 =	vmul.f32 $1.442695020e+00, v48;
	v52 =	vpop (erf);
	(erf) = vpow2.f32 v57  }
0xcb: {  	v44 =	vmul.f32 $1.442695020e+00, v58;
	v53 =	vpop (erf);
	(erf) = vpow2.f32 v45  }
0xcc: {  	v42 =	vmul.f32 $1.442695020e+00, v59;
	v48 =	vpop (erf);
	(erf) = vpow2.f32 v46  }
0xcd: {  	v43 =	vmul.f32 $1.442695020e+00, v60;
	v46 =	vpop (erf);
	(erf) = vpow2.f32 v47  }
0xce: {  	v41 =	vmul.f32 $1.442695020e+00, v61;
	v47 =	vpop (erf);
	(erf) = vpow2.f32 v62  }
0xcf: {  	v45 =	vpop (erf);
	(erf) = vpow2.f32 v44  }
0xd0: {  	(erf) = vpow2.f32 v42;
	v42 =	vpop (erf)  }
0xd1: {  	(erf) = vpow2.f32 v43;
	v43 =	vpop (erf)  }
0xd2: {  	(erf) = vpow2.f32 v41;
	v41 =	vpop (erf)  }
0xd3: {  	v44 =	vpop (erf)  }
0xd4: {  	v54 =	vpop (erf)  }
0xd5: {  	v55 =	vpop (erf)  }
0xd6: {  	v56 =	vpop (erf)  }
0xd7: {  	v5 =	vadd.f32 v23, v5;
	v23 =	vpop (erf)  }
0xd8: {  	v63 =	vpop (erf)  }
0xd9: {  	v6 =	vadd.f32 v24, v6;
	v24 =	vpop (erf)  }
0xda: {  	v21 =	vadd.f32 v32, v21;
	v4 =	vadd.f32 v33, v4;
	v58 =	vpop (erf)  }
0xdb: {  	v9 =	vadd.f32 v28, v9;
	v28 =	vadd.f32 v31, v1;
	v31 =	vpop (erf)  }
0xdc: {  	v26 =	vadd.f32 v26, v7;
	v27 =	vadd.f32 v27, v8;
	_ =	swait.ge [sflag:s24], $0xFD0  }
0xdd: {  	s14 =	simm.s32 $0x0;
	v29 =	vadd.f32 v29, v10;
	v30 =	vadd.f32 v30, v11;
	[sflag:s24] =	ssyncset.done $0x0  }
0xde: {  	s14 =	sand.u32 $0x1FF0, s14;
	v25 =	vadd.f32 v25, v12;
	v35 =	vadd.f32 v35, v13;
	[sflag:s24] =	ssyncadd.s32 $0xFFFFF030  }
0xdf: {  	s15 =	simm.s32 $0x20F0;
	v14 =	vadd.f32 v36, v14;
	v60 =	vadd.f32 v38, v2;
	v2 =	vld [tilespmem:s14+$0x2100]  }
0xe0: {  	v59 =	vadd.f32 v37, v0;
	v0 =	vadd.f32 v39, v15;
	v10 =	vld [tilespmem:s15+$0x0]  }
0xe1: {  	v15 =	vadd.f32 v40, v16;
	v17 =	vadd.f32 v49, v17;
	v11 =	vld [tilespmem:s15+$0xFFFFFEC0]  }
0xe2: {  	v18 =	vadd.f32 v50, v18;
	v57 =	vadd.f32 v34, v3;
	v12 =	vld [tilespmem:s15+$0xFFFFFED0]  }
0xe3: {  	v61 =	vadd.f32 v51, v19;
	v1 =	vadd.f32 v53, v22;
	v13 =	vld [tilespmem:s15+$0xFFFFFEE0]  }
0xe4: {  	v7 =	vadd.f32 v48, v5;
	v62 =	vadd.f32 v52, v20;
	v16 =	vld [tilespmem:s15+$0xFFFFFEF0];
	v19 =	vmul.f32 $1.442695020e+00, v2  }
0xe5: {  	v3 =	vadd.f32 v46, v21;
	v8 =	vadd.f32 v47, v4;
	v20 =	vld [tilespmem:s15+$0xFFFFFF00];
	v10 =	vmul.f32 $1.442695020e+00, v10  }
0xe6: {  	v4 =	vadd.f32 v45, v57;
	v11 =	vmul.f32 $1.442695020e+00, v11;
	(erf) = vpow2.f32 v19;
	v19 =	vld [tilespmem:s15+$0xFFFFFF20]  }
0xe7: {  	v5 =	vadd.f32 v42, v6;
	v22 =	vld [tilespmem:s15+$0xFFFFFF40];
	v12 =	vmul.f32 $1.442695020e+00, v12;
	(erf) = vpow2.f32 v10  }
0xe8: {  	v6 =	vadd.f32 v43, v26;
	v21 =	vld [tilespmem:s15+$0xFFFFFF30];
	v13 =	vmul.f32 $1.442695020e+00, v13;
	(erf) = vpow2.f32 v11  }
0xe9: {  	v9 =	vadd.f32 v44, v9;
	v26 =	vld [tilespmem:s15+$0xFFFFFF50];
	v16 =	vmul.f32 $1.442695020e+00, v16;
	(erf) = vpow2.f32 v12  }
0xea: {  	v2 =	vadd.f32 v41, v27;
	v20 =	vmul.f32 $1.442695020e+00, v20;
	v27 =	vld [tilespmem:s15+$0xFFFFFF60];
	(erf) = vpow2.f32 v13  }
0xeb: {  	v14 =	vadd.f32 v24, v14;
	v19 =	vmul.f32 $1.442695020e+00, v19;
	(erf) = vpow2.f32 v16;
	v16 =	vld [tilespmem:s15+$0xFFFFFF70]  }
0xec: {  	v22 =	vmul.f32 $1.442695020e+00, v22;
	v13 =	vadd.f32 v23, v25;
	v25 =	vld [tilespmem:s15+$0xFFFFFF80];
	(erf) = vpow2.f32 v20  }
0xed: {  	v21 =	vmul.f32 $1.442695020e+00, v21;
	v10 =	vadd.f32 v54, v28;
	(erf) = vpow2.f32 v19;
	v19 =	vld [tilespmem:s15+$0xFFFFFFA0]  }
0xee: {  	v24 =	vmul.f32 $1.442695020e+00, v26;
	v26 =	vld [tilespmem:s15+$0xFFFFFFB0];
	v11 =	vadd.f32 v55, v29;
	v23 =	vadd.f32 v63, v35  }
0xef: {  	v12 =	vadd.f32 v56, v30;
	v30 =	vld [tilespmem:s15+$0xFFFFFFD0];
	(erf) = vpow2.f32 v21;
	v21 =	vmul.f32 $1.442695020e+00, v27  }
0xf0: {  	v20 =	vadd.f32 v31, v60;
	v27 =	vld [tilespmem:s15+$0xFFFFFFC0];
	(erf) = vpow2.f32 v22;
	v22 =	vpop (erf);
	v29 =	vmul.f32 $1.442695020e+00, v16  }
0xf1: {  	v31 =	vld [tilespmem:s15+$0xFFFFFFE0];
	v15 =	vadd.f32 v22, v15;
	(erf) = vpow2.f32 v24;
	v16 =	vpop (erf);
	v22 =	vmul.f32 $1.442695020e+00, v25  }
0xf2: {  	v16 =	vadd.f32 v16, v23;
	v23 =	vpop (erf);
	(erf) = vpow2.f32 v21;
	v21 =	vmul.f32 $1.442695020e+00, v19  }
0xf3: {  	v25 =	vld [tilespmem:s15+$0xFFFFFFF0];
	v17 =	vadd.f32 v23, v17;
	v19 =	vpop (erf);
	(erf) = vpow2.f32 v29;
	v23 =	vmul.f32 $1.442695020e+00, v26  }
0xf4: {  	v24 =	vld [tilespmem:s15+$0xFFFFFEB0];
	v29 =	vmul.f32 $1.442695020e+00, v30;
	v18 =	vadd.f32 v19, v18;
	v19 =	vpop (erf);
	(erf) = vpow2.f32 v22  }
0xf5: {  	s16 =	simm.s32 $0x170;
	v28 =	vadd.f32 v58, v59;
	v26 =	vld [tilespmem:s14+$0x2000];
	v63 =	vmul.f32 $1.442695020e+00, v27;
	v22 =	vpop (erf);
	(erf) = vpow2.f32 v21  }
0xf6: {  	s2 =	sand.u32 $0x1FF0, s16;
	v30 =	vmul.f32 $1.442695020e+00, v31;
	v27 =	vld [tilespmem:s14+$0x2080];
	v21 =	vadd.f32 v22, v61;
	v22 =	vpop (erf);
	(erf) = vpow2.f32 v23  }
0xf7: {  	s15 =	simm.s32 $0x2E0;
	s14 =	simm.s32 $0x2260;
	v19 =	vadd.f32 v19, v28;
	v28 =	vld [tilespmem:s2+$0x2100];
	v22 =	vadd.f32 v22, v62;
	v23 =	vpop (erf);
	(erf) = vpow2.f32 v63  }
.LBB2_6:
0xf8: {  	p1 =	sne.s32 s15, $0xE60;
	v31 =	vld [tilespmem:s14+$0x0];
	v7 =	vadd.f32 v23, v7;
	v23 =	vmul.f32 $1.442695020e+00, v25;
	v25 =	vpop (erf);
	(erf) = vpow2.f32 v29  }
0xf9: {  	v29 =	vld [tilespmem:s14+$0xFFFFFEC0];
	v32 =	vmul.f32 $1.442695020e+00, v24;
	v3 =	vadd.f32 v25, v3;
	v25 =	vpop (erf);
	(erf) = vpow2.f32 v30  }
0xfa: {  	v30 =	vld [tilespmem:s14+$0xFFFFFED0];
	v26 =	vmul.f32 $1.442695020e+00, v26;
	v8 =	vadd.f32 v25, v8;
	v25 =	vpop (erf);
	(erf) = vpow2.f32 v23  }
0xfb: {  	v23 =	vld [tilespmem:s14+$0xFFFFFEE0];
	v4 =	vadd.f32 v25, v4;
	v25 =	vmul.f32 $1.442695020e+00, v27;
	(erf) = vpow2.f32 v32;
	v24 =	vpop (erf)  }
0xfc: {  	v27 =	vld [tilespmem:s14+$0xFFFFFEF0];
	v28 =	vmul.f32 $1.442695020e+00, v28;
	v20 =	vadd.f32 v24, v20;
	(erf) = vpow2.f32 v26;
	v24 =	vpop (erf)  }
0xfd: {  	v26 =	vld [tilespmem:s14+$0xFFFFFF00];
	v31 =	vmul.f32 $1.442695020e+00, v31;
	v5 =	vadd.f32 v24, v5;
	v24 =	vpop (erf);
	(erf) = vpow2.f32 v25  }
0xfe: {  	v25 =	vmul.f32 $1.442695020e+00, v29;
	v29 =	vld [tilespmem:s14+$0xFFFFFF20];
	(erf) = vpow2.f32 v28;
	v6 =	vadd.f32 v24, v6;
	v24 =	vpop (erf)  }
0xff: {  	v28 =	vmul.f32 $1.442695020e+00, v30;
	v30 =	vld [tilespmem:s14+$0xFFFFFF30];
	(erf) = vpow2.f32 v31;
	v9 =	vadd.f32 v24, v9;
	v24 =	vpop (erf)  }
0x100: {  	v32 =	vmul.f32 $1.442695020e+00, v23;
	v31 =	vld [tilespmem:s14+$0xFFFFFF40];
	(erf) = vpow2.f32 v25;
	v10 =	vadd.f32 v24, v10;
	v24 =	vpop (erf)  }
0x101: {  	v25 =	vmul.f32 $1.442695020e+00, v27;
	v27 =	vld [tilespmem:s14+$0xFFFFFF50];
	(erf) = vpow2.f32 v28;
	v11 =	vadd.f32 v24, v11;
	v24 =	vpop (erf)  }
0x102: {  	v26 =	vmul.f32 $1.442695020e+00, v26;
	v28 =	vld [tilespmem:s14+$0xFFFFFF60];
	(erf) = vpow2.f32 v32;
	v12 =	vadd.f32 v24, v12;
	v23 =	vpop (erf)  }
0x103: {  	v24 =	vmul.f32 $1.442695020e+00, v29;
	v29 =	vld [tilespmem:s14+$0xFFFFFF70];
	(erf) = vpow2.f32 v25;
	v0 =	vadd.f32 v23, v0;
	v23 =	vpop (erf)  }
0x104: {  	v25 =	vmul.f32 $1.442695020e+00, v30;
	v30 =	vld [tilespmem:s14+$0xFFFFFF80];
	(erf) = vpow2.f32 v26;
	v13 =	vadd.f32 v23, v13;
	v23 =	vpop (erf)  }
0x105: {  	v32 =	vmul.f32 $1.442695020e+00, v31;
	v31 =	vld [tilespmem:s14+$0xFFFFFFA0];
	(erf) = vpow2.f32 v24;
	v14 =	vadd.f32 v23, v14;
	v23 =	vpop (erf)  }
0x106: {  	v33 =	vmul.f32 $1.442695020e+00, v27;
	v27 =	vld [tilespmem:s14+$0xFFFFFFB0];
	(erf) = vpow2.f32 v25;
	v1 =	vadd.f32 v23, v1;
	v23 =	vpop (erf)  }
0x107: {  	v25 =	vmul.f32 $1.442695020e+00, v28;
	v28 =	vld [tilespmem:s14+$0xFFFFFFC0];
	(erf) = vpow2.f32 v32;
	v26 =	vpop (erf);
	v2 =	vadd.f32 v23, v2  }
0x108: {  	v23 =	vmul.f32 $1.442695020e+00, v29;
	v29 =	vld [tilespmem:s14+$0xFFFFFFD0];
	v15 =	vadd.f32 v26, v15;
	(erf) = vpow2.f32 v33;
	v24 =	vpop (erf)  }
0x109: {  	v26 =	vmul.f32 $1.442695020e+00, v30;
	v30 =	vld [tilespmem:s14+$0xFFFFFFE0];
	v16 =	vadd.f32 v24, v16;
	v24 =	vpop (erf);
	(erf) = vpow2.f32 v25  }
.Ltmp2:
0x10a: {  	v17 =	vadd.f32 v24, v17;
	v33 =	vmul.f32 $1.442695020e+00, v31;
	v25 =	vld [tilespmem:s14+$0xFFFFFFF0];
	v32 =	vpop (erf);
	(erf) = vpow2.f32 v23;
	(pc) =	sbr.rel @p1 .LBB2_6-.Ltmp2, $4  }
0x10b: {  	v24 =	vld [tilespmem:s14+$0xFFFFFEB0];
	v18 =	vadd.f32 v32, v18;
	v34 =	vmul.f32 $1.442695020e+00, v27;
	v27 =	vpop (erf);
	(erf) = vpow2.f32 v26  }
0x10c: {  	v19 =	vadd.f32 v27, v19;
	v26 =	vld [tilespmem:s2+$0x2000];
	v32 =	vmul.f32 $1.442695020e+00, v28;
	v27 =	vpop (erf);
	(erf) = vpow2.f32 v33  }
0x10d: {  	v21 =	vadd.f32 v27, v21;
	v27 =	vld [tilespmem:s2+$0x2080];
	s2 =	sand.u32 $0x1FF0, s15;
	v29 =	vmul.f32 $1.442695020e+00, v29;
	v31 =	vpop (erf);
	(erf) = vpow2.f32 v34  }
0x10e: {  	s14 =	sadd.s32 $0x170, s14;
	s15 =	sadd.s32 $0x170, s15;
	v28 =	vld [tilespmem:s2+$0x2100];
	v22 =	vadd.f32 v31, v22;
	v30 =	vmul.f32 $1.442695020e+00, v30;
	v23 =	vpop (erf);
	(erf) = vpow2.f32 v32  }
0x10f: {  	v31 =	vld [tilespmem:s14+$0x0];
	v25 =	vmul.f32 $1.442695020e+00, v25  }
0x110: {  	v32 =	vpop (erf);
	(erf) = vpow2.f32 v29;
	v29 =	vld [tilespmem:s14+$0xFFFFFEC0];
	v24 =	vmul.f32 $1.442695020e+00, v24  }
0x111: {  	v33 =	vpop (erf);
	(erf) = vpow2.f32 v30;
	v30 =	vld [tilespmem:s14+$0xFFFFFED0];
	v26 =	vmul.f32 $1.442695020e+00, v26  }
0x112: {  	v34 =	vpop (erf);
	(erf) = vpow2.f32 v25;
	v25 =	vld [tilespmem:s14+$0xFFFFFEE0];
	v27 =	vmul.f32 $1.442695020e+00, v27  }
0x113: {  	v35 =	vld [tilespmem:s14+$0xFFFFFEF0];
	(erf) = vpow2.f32 v24;
	v28 =	vmul.f32 $1.442695020e+00, v28  }
0x114: {  	v36 =	vld [tilespmem:s14+$0xFFFFFF00];
	v24 =	vpop (erf);
	(erf) = vpow2.f32 v26;
	v31 =	vmul.f32 $1.442695020e+00, v31  }
0x115: {  	v26 =	vpop (erf);
	(erf) = vpow2.f32 v27;
	v27 =	vmul.f32 $1.442695020e+00, v29;
	v29 =	vld [tilespmem:s14+$0xFFFFFF20]  }
0x116: {  	v38 =	vld [tilespmem:s14+$0xFFFFFF30];
	v30 =	vmul.f32 $1.442695020e+00, v30;
	v37 =	vpop (erf)  }
0x117: {  	v39 =	vld [tilespmem:s14+$0xFFFFFF40];
	(erf) = vpow2.f32 v28;
	v25 =	vmul.f32 $1.442695020e+00, v25;
	v28 =	vpop (erf)  }
0x118: {  	v40 =	vld [tilespmem:s14+$0xFFFFFF50];
	v35 =	vmul.f32 $1.442695020e+00, v35;
	(erf) = vpow2.f32 v31;
	v31 =	vpop (erf)  }
0x119: {  	v36 =	vmul.f32 $1.442695020e+00, v36;
	(erf) = vpow2.f32 v27;
	v27 =	vpop (erf)  }
0x11a: {  	v41 =	vld [tilespmem:s14+$0xFFFFFF60];
	(erf) = vpow2.f32 v30;
	v30 =	vpop (erf);
	v29 =	vmul.f32 $1.442695020e+00, v29  }
0x11b: {  	v42 =	vld [tilespmem:s14+$0xFFFFFF70];
	v38 =	vmul.f32 $1.442695020e+00, v38;
	(erf) = vpow2.f32 v25;
	v25 =	vpop (erf)  }
0x11c: {  	v43 =	vld [tilespmem:s14+$0xFFFFFF80];
	v39 =	vmul.f32 $1.442695020e+00, v39;
	(erf) = vpow2.f32 v35;
	v35 =	vpop (erf)  }
0x11d: {  	v44 =	vld [tilespmem:s14+$0xFFFFFFA0];
	v40 =	vmul.f32 $1.442695020e+00, v40;
	(erf) = vpow2.f32 v36;
	v36 =	vpop (erf)  }
0x11e: {  	v45 =	vld [tilespmem:s14+$0xFFFFFFB0];
	(erf) = vpow2.f32 v29;
	v29 =	vpop (erf)  }
0x11f: {  	v46 =	vld [tilespmem:s14+$0xFFFFFFC0];
	v41 =	vmul.f32 $1.442695020e+00, v41;
	(erf) = vpow2.f32 v38;
	v38 =	vpop (erf)  }
0x120: {  	v47 =	vld [tilespmem:s14+$0xFFFFFFD0];
	v42 =	vmul.f32 $1.442695020e+00, v42;
	(erf) = vpow2.f32 v39;
	v39 =	vpop (erf)  }
0x121: {  	v48 =	vld [tilespmem:s14+$0xFFFFFFE0];
	v43 =	vmul.f32 $1.442695020e+00, v43;
	(erf) = vpow2.f32 v40;
	v40 =	vpop (erf)  }
0x122: {  	v56 =	vld [tilespmem:s14+$0xFFFFFEB0];
	v62 =	vmul.f32 $1.442695020e+00, v44;
	(erf) = vpow2.f32 v41;
	v49 =	vpop (erf)  }
0x123: {  	v63 =	vld [tilespmem:s14+$0xFFFFFFF0];
	v45 =	vmul.f32 $1.442695020e+00, v45;
	(erf) = vpow2.f32 v42;
	v50 =	vpop (erf)  }
0x124: {  	v46 =	vmul.f32 $1.442695020e+00, v46;
	v51 =	vpop (erf);
	(erf) = vpow2.f32 v43  }
0x125: {  	v57 =	vld [tilespmem:s2+$0x2000];
	v47 =	vmul.f32 $1.442695020e+00, v47;
	v52 =	vpop (erf);
	(erf) = vpow2.f32 v62  }
0x126: {  	v58 =	vld [tilespmem:s2+$0x2080];
	v59 =	vmul.f32 $1.442695020e+00, v48;
	v53 =	vpop (erf);
	(erf) = vpow2.f32 v45  }
0x127: {  	v42 =	vmul.f32 $1.442695020e+00, v56;
	v48 =	vpop (erf);
	(erf) = vpow2.f32 v46  }
0x128: {  	v44 =	vmul.f32 $1.442695020e+00, v63;
	v46 =	vpop (erf);
	(erf) = vpow2.f32 v47  }
0x129: {  	v47 =	vpop (erf);
	(erf) = vpow2.f32 v59  }
0x12a: {  	v43 =	vmul.f32 $1.442695020e+00, v57;
	v45 =	vpop (erf);
	(erf) = vpow2.f32 v44  }
0x12b: {  	v41 =	vmul.f32 $1.442695020e+00, v58;
	(erf) = vpow2.f32 v42;
	v42 =	vpop (erf)  }
0x12c: {  	(erf) = vpow2.f32 v43;
	v60 =	vpop (erf)  }
0x12d: {  	v61 =	vpop (erf);
	(erf) = vpow2.f32 v41  }
0x12e: {  	v62 =	vpop (erf)  }
0x12f: {  	v54 =	vpop (erf)  }
0x130: {  	v55 =	vpop (erf)  }
0x131: {  	v56 =	vpop (erf)  }
0x132: {  	v7 =	vadd.f32 v23, v7;
	v23 =	vpop (erf)  }
0x133: {  	v63 =	vpop (erf)  }
0x134: {  	v20 =	vadd.f32 v24, v20;
	v24 =	vpop (erf)  }
0x135: {  	v32 =	vadd.f32 v32, v3;
	v8 =	vadd.f32 v33, v8;
	v57 =	vpop (erf)  }
0x136: {  	v34 =	vadd.f32 v34, v4;
	v9 =	vadd.f32 v28, v9;
	v28 =	vpop (erf)  }
0x137: {  	v26 =	vadd.f32 v26, v5;
	v37 =	vadd.f32 v37, v6;
	_ =	swait.ge [sflag:s25], $0xFD0  }
0x138: {  	s14 =	simm.s32 $0x0;
	v10 =	vadd.f32 v31, v10;
	v11 =	vadd.f32 v27, v11;
	[sflag:s25] =	ssyncset.done $0x0  }
0x139: {  	s14 =	sand.u32 $0x1FF0, s14;
	v12 =	vadd.f32 v30, v12;
	v25 =	vadd.f32 v25, v0;
	[sflag:s25] =	ssyncadd.s32 $0xFFFFF030  }
0x13a: {  	s15 =	simm.s32 $0x30D0;
	v13 =	vadd.f32 v35, v13;
	v14 =	vadd.f32 v36, v14;
	v6 =	vld [tilespmem:s14+$0x3080]  }
0x13b: {  	v27 =	vadd.f32 v29, v1;
	v30 =	vadd.f32 v39, v15;
	v15 =	vld [tilespmem:s15+$0x0]  }
0x13c: {  	v1 =	vadd.f32 v40, v16;
	v0 =	vadd.f32 v49, v17;
	v16 =	vld [tilespmem:s15+$0xFFFFFEC0]  }
0x13d: {  	v17 =	vadd.f32 v50, v18;
	v18 =	vadd.f32 v51, v19;
	v19 =	vld [tilespmem:s15+$0xFFFFFED0]  }
0x13e: {  	v29 =	vadd.f32 v38, v2;
	v21 =	vadd.f32 v52, v21;
	v31 =	vld [tilespmem:s15+$0xFFFFFEE0]  }
0x13f: {  	v22 =	vadd.f32 v53, v22;
	v3 =	vadd.f32 v48, v7;
	v58 =	vld [tilespmem:s15+$0xFFFFFEF0];
	v59 =	vmul.f32 $1.442695020e+00, v6  }
0x140: {  	v4 =	vadd.f32 v46, v32;
	v7 =	vadd.f32 v42, v20;
	v20 =	vld [tilespmem:s15+$0xFFFFFF00];
	v15 =	vmul.f32 $1.442695020e+00, v15  }
0x141: {  	v6 =	vadd.f32 v60, v26;
	v16 =	vmul.f32 $1.442695020e+00, v16;
	v26 =	vld [tilespmem:s15+$0xFFFFFF10];
	(erf) = vpow2.f32 v59  }
0x142: {  	v2 =	vadd.f32 v47, v8;
	v19 =	vmul.f32 $1.442695020e+00, v19;
	(erf) = vpow2.f32 v15;
	v15 =	vld [tilespmem:s15+$0xFFFFFF20]  }
0x143: {  	v5 =	vadd.f32 v45, v34;
	v31 =	vmul.f32 $1.442695020e+00, v31;
	(erf) = vpow2.f32 v16;
	v16 =	vld [tilespmem:s15+$0xFFFFFF40]  }
0x144: {  	v60 =	vadd.f32 v55, v11;
	v32 =	vmul.f32 $1.442695020e+00, v58;
	(erf) = vpow2.f32 v19;
	v19 =	vld [tilespmem:s15+$0xFFFFFF50]  }
0x145: {  	v11 =	vadd.f32 v56, v12;
	v20 =	vmul.f32 $1.442695020e+00, v20;
	(erf) = vpow2.f32 v31;
	v31 =	vld [tilespmem:s15+$0xFFFFFF60]  }
0x146: {  	v12 =	vadd.f32 v23, v25;
	v25 =	vld [tilespmem:s15+$0xFFFFFF70];
	v23 =	vmul.f32 $1.442695020e+00, v26;
	(erf) = vpow2.f32 v32  }
0x147: {  	v8 =	vadd.f32 v61, v37;
	v15 =	vmul.f32 $1.442695020e+00, v15;
	(erf) = vpow2.f32 v20;
	v20 =	vld [tilespmem:s15+$0xFFFFFF80]  }
0x148: {  	v9 =	vadd.f32 v62, v9;
	v16 =	vmul.f32 $1.442695020e+00, v16;
	(erf) = vpow2.f32 v23;
	v23 =	vld [tilespmem:s15+$0xFFFFFF90]  }
0x149: {  	v10 =	vadd.f32 v54, v10;
	v14 =	vadd.f32 v24, v14;
	v26 =	vld [tilespmem:s15+$0xFFFFFFA0];
	v24 =	vmul.f32 $1.442695020e+00, v19  }
0x14a: {  	v61 =	vadd.f32 v57, v27;
	(erf) = vpow2.f32 v15;
	v27 =	vmul.f32 $1.442695020e+00, v31  }
0x14b: {  	v19 =	vadd.f32 v28, v29;
	v28 =	vld [tilespmem:s15+$0xFFFFFFC0];
	v29 =	vmul.f32 $1.442695020e+00, v25;
	(erf) = vpow2.f32 v16;
	v15 =	vpop (erf)  }
0x14c: {  	v13 =	vadd.f32 v63, v13;
	v31 =	vld [tilespmem:s15+$0xFFFFFFD0];
	(erf) = vpow2.f32 v24;
	v16 =	vpop (erf);
	v20 =	vmul.f32 $1.442695020e+00, v20  }
0x14d: {  	v62 =	vld [tilespmem:s15+$0xFFFFFFE0];
	v15 =	vadd.f32 v15, v60;
	(erf) = vpow2.f32 v27;
	v24 =	vpop (erf);
	v23 =	vmul.f32 $1.442695020e+00, v23  }
0x14e: {  	v25 =	vld [tilespmem:s15+$0xFFFFFFF0];
	v16 =	vadd.f32 v16, v30;
	(erf) = vpow2.f32 v29;
	v30 =	vmul.f32 $1.442695020e+00, v26;
	v27 =	vpop (erf)  }
0x14f: {  	v17 =	vadd.f32 v24, v17;
	v24 =	vld [tilespmem:s15+$0xFFFFFEA0];
	(erf) = vpow2.f32 v20;
	v18 =	vadd.f32 v27, v18;
	v27 =	vpop (erf)  }
0x150: {  	s16 =	simm.s32 $0x170;
	v26 =	vld [tilespmem:s14+$0x2F80];
	v63 =	vmul.f32 $1.442695020e+00, v28;
	(erf) = vpow2.f32 v23;
	v20 =	vadd.f32 v27, v21;
	v21 =	vpop (erf)  }
0x151: {  	s2 =	sand.u32 $0x1FF0, s16;
	v29 =	vmul.f32 $1.442695020e+00, v31;
	v27 =	vld [tilespmem:s14+$0x3000];
	(erf) = vpow2.f32 v30;
	v21 =	vadd.f32 v21, v22;
	v22 =	vpop (erf)  }
0x152: {  	v28 =	vld [tilespmem:s2+$0x3080];
	s15 =	simm.s32 $0x2E0;
	v30 =	vmul.f32 $1.442695020e+00, v62;
	s14 =	simm.s32 $0x3240;
	(erf) = vpow2.f32 v63;
	v22 =	vadd.f32 v22, v61;
	v23 =	vpop (erf)  }
.LBB2_8:
0x153: {  	p1 =	sne.s32 s15, $0xE60;
	v31 =	vld [tilespmem:s14+$0x0];
	v3 =	vadd.f32 v23, v3;
	v23 =	vmul.f32 $1.442695020e+00, v25;
	v25 =	vpop (erf);
	(erf) = vpow2.f32 v29  }
0x154: {  	v29 =	vld [tilespmem:s14+$0xFFFFFEC0];
	v32 =	vmul.f32 $1.442695020e+00, v24;
	v4 =	vadd.f32 v25, v4;
	v25 =	vpop (erf);
	(erf) = vpow2.f32 v30  }
0x155: {  	v30 =	vld [tilespmem:s14+$0xFFFFFED0];
	v26 =	vmul.f32 $1.442695020e+00, v26;
	v5 =	vadd.f32 v25, v5;
	v25 =	vpop (erf);
	(erf) = vpow2.f32 v23  }
0x156: {  	v23 =	vld [tilespmem:s14+$0xFFFFFEE0];
	v27 =	vmul.f32 $1.442695020e+00, v27;
	v7 =	vadd.f32 v25, v7;
	(erf) = vpow2.f32 v32;
	v24 =	vpop (erf)  }
0x157: {  	v25 =	vld [tilespmem:s14+$0xFFFFFEF0];
	v28 =	vmul.f32 $1.442695020e+00, v28;
	v6 =	vadd.f32 v24, v6;
	(erf) = vpow2.f32 v26;
	v24 =	vpop (erf)  }
0x158: {  	v26 =	vld [tilespmem:s14+$0xFFFFFF00];
	v31 =	vmul.f32 $1.442695020e+00, v31;
	v8 =	vadd.f32 v24, v8;
	(erf) = vpow2.f32 v27;
	v24 =	vpop (erf)  }
0x159: {  	v27 =	vmul.f32 $1.442695020e+00, v29;
	v29 =	vld [tilespmem:s14+$0xFFFFFF10];
	(erf) = vpow2.f32 v28;
	v19 =	vadd.f32 v24, v19;
	v24 =	vpop (erf)  }
0x15a: {  	v28 =	vmul.f32 $1.442695020e+00, v30;
	v30 =	vld [tilespmem:s14+$0xFFFFFF20];
	(erf) = vpow2.f32 v31;
	v9 =	vadd.f32 v24, v9;
	v24 =	vpop (erf)  }
0x15b: {  	v32 =	vmul.f32 $1.442695020e+00, v23;
	v31 =	vld [tilespmem:s14+$0xFFFFFF40];
	(erf) = vpow2.f32 v27;
	v10 =	vadd.f32 v24, v10;
	v24 =	vpop (erf)  }
0x15c: {  	v25 =	vmul.f32 $1.442695020e+00, v25;
	v27 =	vld [tilespmem:s14+$0xFFFFFF50];
	(erf) = vpow2.f32 v28;
	v11 =	vadd.f32 v24, v11;
	v24 =	vpop (erf)  }
0x15d: {  	v26 =	vmul.f32 $1.442695020e+00, v26;
	v28 =	vld [tilespmem:s14+$0xFFFFFF60];
	(erf) = vpow2.f32 v32;
	v12 =	vadd.f32 v24, v12;
	v23 =	vpop (erf)  }
0x15e: {  	v24 =	vmul.f32 $1.442695020e+00, v29;
	v29 =	vld [tilespmem:s14+$0xFFFFFF70];
	(erf) = vpow2.f32 v25;
	v13 =	vadd.f32 v23, v13;
	v23 =	vpop (erf)  }
0x15f: {  	v25 =	vmul.f32 $1.442695020e+00, v30;
	v30 =	vld [tilespmem:s14+$0xFFFFFF80];
	(erf) = vpow2.f32 v26;
	v1 =	vadd.f32 v23, v1;
	v23 =	vpop (erf)  }
0x160: {  	v32 =	vmul.f32 $1.442695020e+00, v31;
	v31 =	vld [tilespmem:s14+$0xFFFFFF90];
	(erf) = vpow2.f32 v24;
	v14 =	vadd.f32 v23, v14;
	v23 =	vpop (erf)  }
0x161: {  	v33 =	vmul.f32 $1.442695020e+00, v27;
	v27 =	vld [tilespmem:s14+$0xFFFFFFA0];
	(erf) = vpow2.f32 v25;
	v0 =	vadd.f32 v23, v0;
	v23 =	vpop (erf)  }
0x162: {  	v25 =	vmul.f32 $1.442695020e+00, v28;
	v28 =	vld [tilespmem:s14+$0xFFFFFFC0];
	(erf) = vpow2.f32 v32;
	v26 =	vpop (erf);
	v2 =	vadd.f32 v23, v2  }
0x163: {  	v23 =	vmul.f32 $1.442695020e+00, v29;
	v15 =	vadd.f32 v26, v15;
	v29 =	vld [tilespmem:s14+$0xFFFFFFD0];
	(erf) = vpow2.f32 v33;
	v24 =	vpop (erf)  }
0x164: {  	v26 =	vmul.f32 $1.442695020e+00, v30;
	v30 =	vld [tilespmem:s14+$0xFFFFFFE0];
	v16 =	vadd.f32 v24, v16;
	v24 =	vpop (erf);
	(erf) = vpow2.f32 v25  }
.Ltmp3:
0x165: {  	v17 =	vadd.f32 v24, v17;
	v33 =	vmul.f32 $1.442695020e+00, v31;
	v25 =	vld [tilespmem:s14+$0xFFFFFFF0];
	v32 =	vpop (erf);
	(erf) = vpow2.f32 v23;
	(pc) =	sbr.rel @p1 .LBB2_8-.Ltmp3, $4  }
0x166: {  	v24 =	vld [tilespmem:s14+$0xFFFFFEA0];
	v18 =	vadd.f32 v32, v18;
	v34 =	vmul.f32 $1.442695020e+00, v27;
	v27 =	vpop (erf);
	(erf) = vpow2.f32 v26  }
0x167: {  	v26 =	vld [tilespmem:s2+$0x2F80];
	v20 =	vadd.f32 v27, v20;
	v32 =	vmul.f32 $1.442695020e+00, v28;
	v27 =	vpop (erf);
	(erf) = vpow2.f32 v33  }
0x168: {  	v21 =	vadd.f32 v27, v21;
	v27 =	vld [tilespmem:s2+$0x3000];
	s2 =	sand.u32 $0x1FF0, s15;
	v29 =	vmul.f32 $1.442695020e+00, v29;
	v31 =	vpop (erf);
	(erf) = vpow2.f32 v34  }
0x169: {  	s14 =	sadd.s32 $0x170, s14;
	s15 =	sadd.s32 $0x170, s15;
	v28 =	vld [tilespmem:s2+$0x3080];
	v22 =	vadd.f32 v31, v22;
	v30 =	vmul.f32 $1.442695020e+00, v30;
	v23 =	vpop (erf);
	(erf) = vpow2.f32 v32  }
0x16a: {  	v31 =	vld [tilespmem:s14+$0x0];
	v25 =	vmul.f32 $1.442695020e+00, v25  }
0x16b: {  	v32 =	vpop (erf);
	(erf) = vpow2.f32 v29;
	v29 =	vld [tilespmem:s14+$0xFFFFFEC0];
	v24 =	vmul.f32 $1.442695020e+00, v24  }
0x16c: {  	v33 =	vpop (erf);
	(erf) = vpow2.f32 v30;
	v30 =	vld [tilespmem:s14+$0xFFFFFED0];
	v26 =	vmul.f32 $1.442695020e+00, v26  }
0x16d: {  	v34 =	vpop (erf);
	(erf) = vpow2.f32 v25;
	v25 =	vld [tilespmem:s14+$0xFFFFFEE0];
	v27 =	vmul.f32 $1.442695020e+00, v27  }
0x16e: {  	v35 =	vld [tilespmem:s14+$0xFFFFFEF0];
	v28 =	vmul.f32 $1.442695020e+00, v28  }
0x16f: {  	v36 =	vld [tilespmem:s14+$0xFFFFFF00];
	(erf) = vpow2.f32 v24;
	v24 =	vpop (erf);
	v31 =	vmul.f32 $1.442695020e+00, v31  }
0x170: {  	v37 =	vld [tilespmem:s14+$0xFFFFFF10];
	(erf) = vpow2.f32 v26;
	v29 =	vmul.f32 $1.442695020e+00, v29;
	v26 =	vpop (erf)  }
0x171: {  	v38 =	vld [tilespmem:s14+$0xFFFFFF20];
	(erf) = vpow2.f32 v27;
	v30 =	vmul.f32 $1.442695020e+00, v30;
	v27 =	vpop (erf)  }
0x172: {  	v39 =	vld [tilespmem:s14+$0xFFFFFF40];
	(erf) = vpow2.f32 v28;
	v25 =	vmul.f32 $1.442695020e+00, v25;
	v28 =	vpop (erf)  }
0x173: {  	v40 =	vld [tilespmem:s14+$0xFFFFFF50];
	v35 =	vmul.f32 $1.442695020e+00, v35;
	(erf) = vpow2.f32 v31;
	v31 =	vpop (erf)  }
0x174: {  	v41 =	vld [tilespmem:s14+$0xFFFFFF60];
	v36 =	vmul.f32 $1.442695020e+00, v36;
	(erf) = vpow2.f32 v29;
	v29 =	vpop (erf)  }
0x175: {  	v42 =	vld [tilespmem:s14+$0xFFFFFF70];
	v37 =	vmul.f32 $1.442695020e+00, v37;
	(erf) = vpow2.f32 v30;
	v30 =	vpop (erf)  }
0x176: {  	v43 =	vld [tilespmem:s14+$0xFFFFFF80];
	v38 =	vmul.f32 $1.442695020e+00, v38;
	(erf) = vpow2.f32 v25;
	v25 =	vpop (erf)  }
0x177: {  	v44 =	vld [tilespmem:s14+$0xFFFFFF90];
	v39 =	vmul.f32 $1.442695020e+00, v39;
	(erf) = vpow2.f32 v35;
	v35 =	vpop (erf)  }
0x178: {  	v45 =	vld [tilespmem:s14+$0xFFFFFFA0];
	v40 =	vmul.f32 $1.442695020e+00, v40;
	(erf) = vpow2.f32 v36;
	v36 =	vpop (erf)  }
0x179: {  	v46 =	vld [tilespmem:s14+$0xFFFFFFC0];
	v41 =	vmul.f32 $1.442695020e+00, v41;
	(erf) = vpow2.f32 v37;
	v37 =	vpop (erf)  }
0x17a: {  	v47 =	vld [tilespmem:s14+$0xFFFFFFD0];
	v42 =	vmul.f32 $1.442695020e+00, v42;
	(erf) = vpow2.f32 v38;
	v38 =	vpop (erf)  }
0x17b: {  	v48 =	vld [tilespmem:s14+$0xFFFFFFE0];
	v43 =	vmul.f32 $1.442695020e+00, v43;
	(erf) = vpow2.f32 v39;
	v39 =	vpop (erf)  }
0x17c: {  	v63 =	vld [tilespmem:s14+$0xFFFFFFF0];
	v62 =	vmul.f32 $1.442695020e+00, v44;
	(erf) = vpow2.f32 v40;
	v40 =	vpop (erf)  }
0x17d: {  	v58 =	vld [tilespmem:s2+$0x3000];
	v45 =	vmul.f32 $1.442695020e+00, v45;
	(erf) = vpow2.f32 v41;
	v49 =	vpop (erf)  }
0x17e: {  	v57 =	vld [tilespmem:s2+$0x2F80];
	v46 =	vmul.f32 $1.442695020e+00, v46;
	(erf) = vpow2.f32 v42;
	v50 =	vpop (erf)  }
0x17f: {  	v56 =	vld [tilespmem:s14+$0xFFFFFEA0];
	v47 =	vmul.f32 $1.442695020e+00, v47;
	v51 =	vpop (erf);
	(erf) = vpow2.f32 v43  }
0x180: {  	v59 =	vmul.f32 $1.442695020e+00, v48;
	v52 =	vpop (erf);
	(erf) = vpow2.f32 v62  }
0x181: {  	v44 =	vmul.f32 $1.442695020e+00, v63;
	v53 =	vpop (erf);
	(erf) = vpow2.f32 v45  }
0x182: {  	v41 =	vmul.f32 $1.442695020e+00, v58;
	v48 =	vpop (erf);
	(erf) = vpow2.f32 v46  }
0x183: {  	v43 =	vmul.f32 $1.442695020e+00, v57;
	v46 =	vpop (erf);
	(erf) = vpow2.f32 v47  }
0x184: {  	v42 =	vmul.f32 $1.442695020e+00, v56;
	v47 =	vpop (erf);
	(erf) = vpow2.f32 v59  }
0x185: {  	v45 =	vpop (erf);
	(erf) = vpow2.f32 v44  }
0x186: {  	(erf) = vpow2.f32 v42;
	v60 =	vpop (erf)  }
0x187: {  	(erf) = vpow2.f32 v43;
	v43 =	vpop (erf)  }
0x188: {  	(erf) = vpow2.f32 v41;
	v41 =	vpop (erf)  }
0x189: {  	v44 =	vpop (erf)  }
0x18a: {  	v54 =	vpop (erf)  }
0x18b: {  	v55 =	vpop (erf)  }
0x18c: {  	v56 =	vpop (erf)  }
0x18d: {  	v57 =	vpop (erf)  }
0x18e: {  	v3 =	vadd.f32 v23, v3;
	v23 =	vpop (erf)  }
0x18f: {  	v61 =	vpop (erf)  }
0x190: {  	v4 =	vadd.f32 v32, v4;
	v6 =	vadd.f32 v24, v6;
	v24 =	vpop (erf)  }
0x191: {  	v5 =	vadd.f32 v33, v5;
	v19 =	vadd.f32 v27, v19;
	v27 =	vpop (erf)  }
0x192: {  	v7 =	vadd.f32 v34, v7;
	v8 =	vadd.f32 v26, v8;
	_ =	swait.ge [sflag:s26], $0xFD0  }
0x193: {  	v26 =	vadd.f32 v28, v9;
	v28 =	vadd.f32 v31, v10;
	[sflag:s26] =	ssyncset.done $0x0  }
0x194: {  	s15 =	simm.s32 $0x0;
	s16 =	simm.s32 $0x0;
	v11 =	vadd.f32 v29, v11;
	v29 =	vadd.f32 v30, v12;
	[sflag:s26] =	ssyncadd.s32 $0xFFFFF030  }
0x195: {  	s14 =	sand.u32 $0x1FF0, s15;
	v25 =	vadd.f32 v25, v13;
	v30 =	vadd.f32 v35, v1;
	v1 =	vld [tilespmem:s16+$0x40A0]  }
0x196: {  	v31 =	vadd.f32 v36, v14;
	v63 =	vadd.f32 v38, v2;
	v2 =	vld [tilespmem:s14+$0x4080]  }
0x197: {  	v58 =	vadd.f32 v49, v17;
	v13 =	vadd.f32 v48, v3;
	v3 =	vld [tilespmem:s16+$0x3F40]  }
0x198: {  	v62 =	vadd.f32 v37, v0;
	v0 =	vadd.f32 v39, v15;
	v17 =	vld [tilespmem:s14+$0x3F80]  }
0x199: {  	v59 =	vadd.f32 v50, v18;
	v18 =	vadd.f32 v51, v20;
	v20 =	vld [tilespmem:s14+$0x4000]  }
0x19a: {  	v15 =	vadd.f32 v52, v21;
	v14 =	vadd.f32 v53, v22;
	v21 =	vld [tilespmem:s16+$0x3F50]  }
0x19b: {  	v10 =	vadd.f32 v47, v5;
	v5 =	vadd.f32 v43, v8;
	v8 =	vld [tilespmem:s16+$0x3F70];
	v1 =	vmul.f32 $1.442695020e+00, v1  }
0x19c: {  	v22 =	vadd.f32 v60, v6;
	v60 =	vld [tilespmem:s16+$0x3F60];
	v2 =	vmul.f32 $1.442695020e+00, v2;
	v3 =	vmul.f32 $1.442695020e+00, v3  }
0x19d: {  	v6 =	vadd.f32 v41, v19;
	v19 =	vld [tilespmem:s16+$0x3FA0];
	(erf) = vpow2.f32 v1;
	v1 =	vmul.f32 $1.442695020e+00, v17  }
0x19e: {  	v16 =	vadd.f32 v40, v16;
	v17 =	vld [tilespmem:s16+$0x3F90];
	(erf) = vpow2.f32 v2;
	v2 =	vmul.f32 $1.442695020e+00, v20  }
0x19f: {  	v9 =	vadd.f32 v45, v7;
	v20 =	vmul.f32 $1.442695020e+00, v21;
	v21 =	vld [tilespmem:s16+$0x3FB0];
	(erf) = vpow2.f32 v1  }
0x1a0: {  	v7 =	vadd.f32 v44, v26;
	v8 =	vmul.f32 $1.442695020e+00, v8;
	(erf) = vpow2.f32 v2  }
0x1a1: {  	v26 =	vld [tilespmem:s16+$0x3FC0];
	v2 =	vadd.f32 v55, v11;
	v11 =	vmul.f32 $1.442695020e+00, v60;
	(erf) = vpow2.f32 v3  }
0x1a2: {  	v19 =	vmul.f32 $1.442695020e+00, v19;
	v1 =	vadd.f32 v56, v29;
	v29 =	vld [tilespmem:s16+$0x4020];
	(erf) = vpow2.f32 v20  }
0x1a3: {  	v12 =	vadd.f32 v46, v4;
	v20 =	vld [tilespmem:s16+$0x3FD0];
	v17 =	vmul.f32 $1.442695020e+00, v17;
	(erf) = vpow2.f32 v11  }
0x1a4: {  	v4 =	vadd.f32 v54, v28;
	v11 =	vld [tilespmem:s16+$0x3FE0];
	(erf) = vpow2.f32 v8;
	v8 =	vmul.f32 $1.442695020e+00, v21  }
0x1a5: {  	v25 =	vadd.f32 v57, v25;
	v28 =	vadd.f32 v61, v31;
	v31 =	vld [tilespmem:s16+$0x4040]  }
0x1a6: {  	v26 =	vmul.f32 $1.442695020e+00, v26;
	v3 =	vadd.f32 v23, v30;
	v23 =	vld [tilespmem:s16+$0x3FF0];
	(erf) = vpow2.f32 v17  }
0x1a7: {  	v21 =	vld [tilespmem:s16+$0x4010];
	v17 =	vadd.f32 v27, v63;
	v63 =	vmul.f32 $1.442695020e+00, v29;
	(erf) = vpow2.f32 v19;
	v19 =	vpop (erf)  }
0x1a8: {  	v24 =	vadd.f32 v24, v62;
	v62 =	vld [tilespmem:s16+$0x4050];
	v20 =	vmul.f32 $1.442695020e+00, v20;
	(erf) = vpow2.f32 v8;
	v8 =	vpop (erf)  }
0x1a9: {  	v27 =	vld [tilespmem:s16+$0x4030];
	v30 =	vmul.f32 $1.442695020e+00, v11;
	v11 =	vadd.f32 v8, v25;
	v8 =	vadd.f32 v19, v16;
	v16 =	vpop (erf)  }
0x1aa: {  	v29 =	vmul.f32 $1.442695020e+00, v31;
	(erf) = vpow2.f32 v26;
	v18 =	vadd.f32 v16, v18;
	v16 =	vpop (erf)  }
0x1ab: {  	v61 =	vmul.f32 $1.442695020e+00, v23;
	v23 =	vld [tilespmem:s16+$0x4060];
	(erf) = vpow2.f32 v20;
	v19 =	vpop (erf)  }
0x1ac: {  	v25 =	vld [tilespmem:s16+$0x4070];
	v16 =	vadd.f32 v16, v22;
	v22 =	vmul.f32 $1.442695020e+00, v21;
	(erf) = vpow2.f32 v30;
	v20 =	vpop (erf)  }
0x1ad: {  	v26 =	vld [tilespmem:s16+$0x4090];
	v30 =	vmul.f32 $1.442695020e+00, v62;
	v19 =	vadd.f32 v19, v28;
	(erf) = vpow2.f32 v61;
	v21 =	vpop (erf)  }
0x1ae: {  	s2 =	simm.s32 $0x170;
	s14 =	simm.s32 $0x170;
	v28 =	vmul.f32 $1.442695020e+00, v27;
	v20 =	vadd.f32 v20, v24;
	(erf) = vpow2.f32 v22;
	v24 =	vpop (erf)  }
0x1af: {  	s15 =	simm.s32 $0xB80;
	s16 =	sand.u32 $0x1FF0, s14;
	v27 =	vld [tilespmem:s2+$0x40A0];
	v21 =	vadd.f32 v21, v58;
	(erf) = vpow2.f32 v63;
	v22 =	vadd.f32 v24, v59;
	v24 =	vpop (erf)  }
.LBB2_10:
0x1b0: {  	p1 =	sne.s32 s15, $0x3980;
	v31 =	vld [tilespmem:s16+$0x4080];
	v15 =	vadd.f32 v24, v15;
	v23 =	vmul.f32 $1.442695020e+00, v23;
	v24 =	vpop (erf);
	(erf) = vpow2.f32 v28  }
0x1b1: {  	v28 =	vld [tilespmem:s16+$0x3F80];
	v14 =	vadd.f32 v24, v14;
	v24 =	vmul.f32 $1.442695020e+00, v25;
	v25 =	vpop (erf);
	(erf) = vpow2.f32 v29  }
0x1b2: {  	v29 =	vld [tilespmem:s16+$0x4000];
	v13 =	vadd.f32 v25, v13;
	v25 =	vmul.f32 $1.442695020e+00, v26;
	(erf) = vpow2.f32 v30  }
0x1b3: {  	v26 =	vld [tilespmem:s2+$0x3F40];
	v30 =	vpop (erf);
	(erf) = vpow2.f32 v23  }
0x1b4: {  	v23 =	vld [tilespmem:s2+$0x3F50];
	v32 =	vmul.f32 $1.442695020e+00, v27;
	v12 =	vadd.f32 v30, v12;
	v30 =	vpop (erf);
	(erf) = vpow2.f32 v24  }
0x1b5: {  	v24 =	vld [tilespmem:s2+$0x3F60];
	v31 =	vmul.f32 $1.442695020e+00, v31;
	v17 =	vadd.f32 v30, v17;
	v30 =	vpop (erf);
	(erf) = vpow2.f32 v25  }
0x1b6: {  	v25 =	vld [tilespmem:s2+$0x3F70];
	v28 =	vmul.f32 $1.442695020e+00, v28;
	(erf) = vpow2.f32 v32;
	v10 =	vadd.f32 v30, v10;
	v27 =	vpop (erf)  }
0x1b7: {  	v30 =	vld [tilespmem:s2+$0x3F90];
	v29 =	vmul.f32 $1.442695020e+00, v29;
	(erf) = vpow2.f32 v31;
	v9 =	vadd.f32 v27, v9;
	v27 =	vpop (erf)  }
0x1b8: {  	v32 =	vmul.f32 $1.442695020e+00, v26;
	v31 =	vld [tilespmem:s2+$0x3FA0];
	(erf) = vpow2.f32 v28;
	v5 =	vadd.f32 v27, v5;
	v27 =	vpop (erf)  }
0x1b9: {  	v33 =	vmul.f32 $1.442695020e+00, v23;
	v28 =	vld [tilespmem:s2+$0x3FB0];
	(erf) = vpow2.f32 v29;
	v6 =	vadd.f32 v27, v6;
	v27 =	vpop (erf)  }
0x1ba: {  	v24 =	vmul.f32 $1.442695020e+00, v24;
	v29 =	vld [tilespmem:s2+$0x3FC0];
	(erf) = vpow2.f32 v32;
	v7 =	vadd.f32 v27, v7;
	v26 =	vpop (erf)  }
0x1bb: {  	v25 =	vmul.f32 $1.442695020e+00, v25;
	v27 =	vld [tilespmem:s2+$0x3FD0];
	(erf) = vpow2.f32 v33;
	v4 =	vadd.f32 v26, v4;
	v23 =	vpop (erf)  }
0x1bc: {  	v26 =	vmul.f32 $1.442695020e+00, v30;
	v30 =	vld [tilespmem:s2+$0x3FE0];
	(erf) = vpow2.f32 v24;
	v0 =	vadd.f32 v23, v0;
	v23 =	vpop (erf)  }
0x1bd: {  	v32 =	vmul.f32 $1.442695020e+00, v31;
	v31 =	vld [tilespmem:s2+$0x3FF0];
	(erf) = vpow2.f32 v25;
	v2 =	vadd.f32 v23, v2;
	v23 =	vpop (erf)  }
0x1be: {  	v25 =	vmul.f32 $1.442695020e+00, v28;
	v28 =	vld [tilespmem:s2+$0x4010];
	(erf) = vpow2.f32 v26;
	v1 =	vadd.f32 v23, v1;
	v23 =	vpop (erf)  }
0x1bf: {  	v26 =	vmul.f32 $1.442695020e+00, v29;
	v29 =	vld [tilespmem:s2+$0x4020];
	(erf) = vpow2.f32 v32;
	v24 =	vpop (erf);
	v3 =	vadd.f32 v23, v3  }
0x1c0: {  	v27 =	vmul.f32 $1.442695020e+00, v27;
	v32 =	vld [tilespmem:s2+$0x4030];
	(erf) = vpow2.f32 v25;
	v23 =	vpop (erf)  }
0x1c1: {  	v8 =	vadd.f32 v24, v8;
	v30 =	vmul.f32 $1.442695020e+00, v30;
	v33 =	vld [tilespmem:s2+$0x4040];
	v11 =	vadd.f32 v23, v11;
	v23 =	vpop (erf)  }
0x1c2: {  	v18 =	vadd.f32 v23, v18;
	v24 =	vmul.f32 $1.442695020e+00, v31;
	v31 =	vld [tilespmem:s2+$0x4050];
	(erf) = vpow2.f32 v26;
	v23 =	vpop (erf)  }
.Ltmp4:
0x1c3: {  	v16 =	vadd.f32 v23, v16;
	v34 =	vmul.f32 $1.442695020e+00, v28;
	v23 =	vld [tilespmem:s2+$0x4060];
	v25 =	vpop (erf);
	(erf) = vpow2.f32 v27;
	(pc) =	sbr.rel @p1 .LBB2_10-.Ltmp4, $4  }
0x1c4: {  	v19 =	vadd.f32 v25, v19;
	v35 =	vmul.f32 $1.442695020e+00, v29;
	v25 =	vld [tilespmem:s2+$0x4070];
	v26 =	vpop (erf);
	(erf) = vpow2.f32 v30  }
0x1c5: {  	v20 =	vadd.f32 v26, v20;
	v28 =	vmul.f32 $1.442695020e+00, v32;
	v26 =	vld [tilespmem:s2+$0x4090];
	v27 =	vpop (erf);
	(erf) = vpow2.f32 v24  }
0x1c6: {  	s14 =	sadd.s32 $0x170, s14;
	s2 =	sshra.s32 s15, $0x2;
	v21 =	vadd.f32 v27, v21;
	v29 =	vmul.f32 $1.442695020e+00, v33;
	v24 =	vpop (erf);
	(erf) = vpow2.f32 v34  }
0x1c7: {  	s16 =	sand.u32 $0x1FF0, s14;
	s15 =	sadd.s32 $0x5C0, s15;
	v27 =	vld [tilespmem:s2+$0x40A0];
	v22 =	vadd.f32 v24, v22;
	v30 =	vmul.f32 $1.442695020e+00, v31;
	v24 =	vpop (erf);
	(erf) = vpow2.f32 v35  }
0x1c8: {  	v31 =	vld [tilespmem:s16+$0x4080]  }
0x1c9: {  	v32 =	vld [tilespmem:s16+$0x3F80]  }
0x1ca: {  	(erf) = vpow2.f32 v28;
	v23 =	vmul.f32 $1.442695020e+00, v23;
	v33 =	vld [tilespmem:s16+$0x4000]  }
0x1cb: {  	v28 =	vpop (erf);
	v52 =	vld [tilespmem:s2+$0x3F40];
	(erf) = vpow2.f32 v29;
	v25 =	vmul.f32 $1.442695020e+00, v25  }
0x1cc: {  	v53 =	vld [tilespmem:s2+$0x3F50];
	v29 =	vpop (erf);
	(erf) = vpow2.f32 v30;
	v26 =	vmul.f32 $1.442695020e+00, v26  }
0x1cd: {  	v54 =	vld [tilespmem:s2+$0x3F60];
	v34 =	vpop (erf);
	(erf) = vpow2.f32 v23;
	v27 =	vmul.f32 $1.442695020e+00, v27  }
0x1ce: {  	v55 =	vld [tilespmem:s2+$0x3F70];
	v35 =	vpop (erf);
	(erf) = vpow2.f32 v25;
	v31 =	vmul.f32 $1.442695020e+00, v31  }
0x1cf: {  	v37 =	vld [tilespmem:s2+$0x3F90];
	v36 =	vpop (erf);
	(erf) = vpow2.f32 v26;
	v32 =	vmul.f32 $1.442695020e+00, v32  }
0x1d0: {  	v38 =	vld [tilespmem:s2+$0x3FA0];
	v33 =	vmul.f32 $1.442695020e+00, v33;
	v30 =	vmul.f32 $1.442695020e+00, v52  }
0x1d1: {  	v39 =	vld [tilespmem:s2+$0x3FB0];
	v23 =	vmul.f32 $1.442695020e+00, v53;
	(erf) = vpow2.f32 v27;
	v27 =	vpop (erf)  }
0x1d2: {  	v40 =	vld [tilespmem:s2+$0x3FC0];
	v25 =	vmul.f32 $1.442695020e+00, v54;
	(erf) = vpow2.f32 v31;
	v31 =	vpop (erf)  }
0x1d3: {  	v41 =	vld [tilespmem:s2+$0x3FD0];
	v26 =	vmul.f32 $1.442695020e+00, v55;
	(erf) = vpow2.f32 v32;
	v32 =	vpop (erf)  }
0x1d4: {  	v57 =	vld [tilespmem:s2+$0x3FE0];
	v56 =	vmul.f32 $1.442695020e+00, v37;
	(erf) = vpow2.f32 v33;
	v33 =	vpop (erf)  }
0x1d5: {  	v43 =	vld [tilespmem:s2+$0x3FF0];
	v38 =	vmul.f32 $1.442695020e+00, v38;
	(erf) = vpow2.f32 v30;
	v30 =	vpop (erf)  }
0x1d6: {  	v44 =	vld [tilespmem:s2+$0x4010];
	v39 =	vmul.f32 $1.442695020e+00, v39;
	(erf) = vpow2.f32 v23;
	v42 =	vpop (erf)  }
0x1d7: {  	v46 =	vld [tilespmem:s2+$0x4020];
	v40 =	vmul.f32 $1.442695020e+00, v40;
	(erf) = vpow2.f32 v25;
	v25 =	vpop (erf)  }
0x1d8: {  	v59 =	vld [tilespmem:s2+$0x4030];
	v58 =	vmul.f32 $1.442695020e+00, v41;
	(erf) = vpow2.f32 v26;
	v26 =	vpop (erf)  }
0x1d9: {  	v47 =	vld [tilespmem:s2+$0x4040];
	v37 =	vmul.f32 $1.442695020e+00, v57;
	(erf) = vpow2.f32 v56;
	v45 =	vpop (erf)  }
0x1da: {  	v61 =	vld [tilespmem:s2+$0x4050];
	v60 =	vmul.f32 $1.442695020e+00, v43;
	(erf) = vpow2.f32 v38;
	v23 =	vpop (erf)  }
0x1db: {  	v62 =	vmul.f32 $1.442695020e+00, v44;
	(erf) = vpow2.f32 v39;
	v39 =	vpop (erf)  }
0x1dc: {  	v63 =	vld [tilespmem:s2+$0x4060];
	v51 =	vmul.f32 $1.442695020e+00, v46;
	(erf) = vpow2.f32 v40;
	v48 =	vpop (erf)  }
0x1dd: {  	v54 =	vmul.f32 $1.442695020e+00, v59;
	(erf) = vpow2.f32 v58;
	v49 =	vpop (erf)  }
0x1de: {  	v52 =	vld [tilespmem:s2+$0x4070];
	v57 =	vmul.f32 $1.442695020e+00, v47;
	(erf) = vpow2.f32 v37;
	v50 =	vpop (erf)  }
0x1df: {  	v59 =	vmul.f32 $1.442695020e+00, v61;
	(erf) = vpow2.f32 v60;
	v53 =	vpop (erf)  }
0x1e0: {  	v55 =	vld [tilespmem:s2+$0x4090];
	v19 =	vadd.f32 v50, v19;
	(erf) = vpow2.f32 v62;
	v20 =	vadd.f32 v53, v20;
	v56 =	vpop (erf)  }
0x1e1: {  	v61 =	vmul.f32 $1.442695020e+00, v63;
	(erf) = vpow2.f32 v51;
	v58 =	vpop (erf)  }
0x1e2: {  	v21 =	vadd.f32 v56, v21;
	(erf) = vpow2.f32 v54;
	v19 =	vadd.f32 v20, v19;
	v60 =	vpop (erf)  }
0x1e3: {  	v63 =	vmul.f32 $1.442695020e+00, v52;
	(erf) = vpow2.f32 v57;
	v62 =	vpop (erf)  }
0x1e4: {  	v22 =	vadd.f32 v58, v22;
	(erf) = vpow2.f32 v59;
	v19 =	vadd.f32 v21, v19;
	v44 =	vpop (erf)  }
0x1e5: {  	v15 =	vadd.f32 v24, v15;
	v46 =	vmul.f32 $1.442695020e+00, v55;
	(erf) = vpow2.f32 v61;
	v47 =	vpop (erf)  }
0x1e6: {  	v18 =	vadd.f32 v48, v18;
	(erf) = vpow2.f32 v63;
	v19 =	vadd.f32 v22, v19;
	v48 =	vpop (erf)  }
0x1e7: {  	v14 =	vadd.f32 v28, v14;
	(erf) = vpow2.f32 v46;
	v50 =	vpop (erf)  }
0x1e8: {  	v15 =	vadd.f32 v60, v15;
	v18 =	vadd.f32 v18, v19;
	v51 =	vpop (erf)  }
0x1e9: {  	v13 =	vadd.f32 v29, v13;
	v52 =	vpop (erf)  }
0x1ea: {  	v14 =	vadd.f32 v62, v14;
	v15 =	vadd.f32 v15, v18;
	v53 =	vpop (erf)  }
0x1eb: {  	v12 =	vadd.f32 v34, v12;
	v54 =	vpop (erf)  }
0x1ec: {  	v13 =	vadd.f32 v44, v13;
	v14 =	vadd.f32 v14, v15;
	v55 =	vpop (erf)  }
0x1ed: {  	v17 =	vadd.f32 v35, v17;
	v56 =	vpop (erf)  }
0x1ee: {  	v12 =	vadd.f32 v47, v12;
	v13 =	vadd.f32 v13, v14;
	v57 =	vpop (erf)  }
0x1ef: {  	v10 =	vadd.f32 v36, v10;
	v58 =	vpop (erf)  }
0x1f0: {  	[tilespmem:s28], [sflag:$0x7] =	stream.linear.gather [hbm4b:s10+s3], $0x40, $0x38;
	v17 =	vadd.f32 v48, v17;
	v12 =	vadd.f32 v12, v13;
	v59 =	vpop (erf);
	[tilespmem:$0x5680] =	vst v63  }
0x1f1: {  	v9 =	vadd.f32 v27, v9;
	_ =	swait.ge [sflag:s19], $0x40  }
0x1f2: {  	v10 =	vadd.f32 v50, v10;
	v12 =	vadd.f32 v17, v12;
	[sflag:s19] =	ssyncset.done $0x0  }
0x1f3: {  	[sflag:s19] =	ssyncadd.s32 $0xFFFFFFC0  }
0x1f4: {  	v9 =	vadd.f32 v51, v9;
	v10 =	vadd.f32 v10, v12;
	v60 =	vld [tilespmem:$0x4F80]  }
0x1f5: {  	v5 =	vadd.f32 v31, v5  }
0x1f6: {  	v16 =	vadd.f32 v49, v16;
	v61 =	vld [tilespmem:$0x4F90];
	v9 =	vadd.f32 v9, v10  }
0x1f7: {  	v6 =	vadd.f32 v32, v6  }
0x1f8: {  	v5 =	vadd.f32 v52, v5;
	v9 =	vadd.f32 v16, v9  }
0x1f9: {  	v7 =	vadd.f32 v33, v7;
	v4 =	vadd.f32 v30, v4;
	v62 =	vld [tilespmem:$0x4FA0];
	v12 =	vmul.f32 $1.442695020e+00, v60  }
0x1fa: {  	v6 =	vadd.f32 v53, v6;
	v5 =	vadd.f32 v5, v9  }
0x1fb: {  	v0 =	vadd.f32 v42, v0;
	v63 =	vld [tilespmem:$0x4FB0];
	v10 =	vmul.f32 $1.442695020e+00, v61;
	(erf) = vpow2.f32 v12  }
0x1fc: {  	v7 =	vadd.f32 v54, v7;
	v5 =	vadd.f32 v6, v5  }
0x1fd: {  	v2 =	vadd.f32 v25, v2;
	v1 =	vadd.f32 v26, v1;
	(erf) = vpow2.f32 v10  }
0x1fe: {  	v4 =	vadd.f32 v55, v4;
	v6 =	vmul.f32 $1.442695020e+00, v62;
	v5 =	vadd.f32 v7, v5  }
0x1ff: {  	v0 =	vadd.f32 v56, v0;
	v2 =	vadd.f32 v57, v2  }
0x200: {  	(erf) = vpow2.f32 v6;
	v6 =	vmul.f32 $1.442695020e+00, v63;
	v4 =	vadd.f32 v4, v5;
	_ =	sdelay $0x1  }
0x201: {  	v1 =	vadd.f32 v58, v1;
	(erf) = vpow2.f32 v6;
	v0 =	vadd.f32 v0, v4;
	_ =	sdelay $0x1  }
0x202: {  	v0 =	vadd.f32 v2, v0;
	v2 =	vpop (erf)  }
0x203: {  	v3 =	vadd.f32 v45, v3;
	v2 =	vadd.f32 $0.0e+00, v2  }
0x204: {  	v4 =	vadd.f32 v39, v11;
	v0 =	vadd.f32 v1, v0;
	v1 =	vpop (erf)  }
0x205: {  	v1 =	vadd.f32 v1, v2;
	v2 =	vadd.f32 v59, v3;
	_ =	sdelay $0x1  }
0x206: {  	v3 =	vpop (erf);
	v0 =	vadd.f32 v4, v0  }
0x207: {  	v1 =	vadd.f32 v3, v1  }
0x208: {  	v3 =	vadd.f32 v23, v8;
	v0 =	vadd.f32 v2, v0;
	v2 =	vpop (erf)  }
0x209: {  	v1 =	vadd.f32 v2, v1  }
0x20a: {  	v0 =	vadd.f32 v3, v0  }
0x20b: {  	v1 =	vpsel !p0, $0x0, v1  }
0x20c: {  	v0 =	vadd.f32 v1, v0;
	_ =	sdelay $0x1  }
0x20d: {  	[tilespmem:$0x5000] =	vst v0  }
0x20e: {  	[hbm4b:s11+s3] =	stream.linear.scatter [tilespmem:s29], [sflag:$0x7], $0x80, $0x38;
	[tilespmem:$0x5680] =	vst v63  }
0x20f: {  	_ =	swait.ge [sflag:s19], $0x80  }
0x210: {  	[sflag:s19] =	ssyncset.done $0x0  }
0x211: {  	[sflag:s19] =	ssyncadd.s32 $0xFFFFFF80  }
0x212: {  	_ =	swait.ge [sflag:s30], $0x200  }
0x213: {  	[sflag:s30] =	ssyncset.done $0x0  }
0x214: {  	s15 =	simm.s32 $0x52A0;
	[sflag:s30] =	ssyncadd.s32 $0xFFFFFE00  }
0x215: {  	v0 =	vld [tilespmem:s15+$0x0]  }
0x216: {  	v1 =	vld [tilespmem:s15+$0xFFFFFFE0];
	_ =	sdelay $0x2  }
0x217: {  	v2 =	vld [tilespmem:s15+$0xFFFFFFF0]  }
0x218: {  	s16 =	simm.s32 $0x52E0;
	v3 =	vld [tilespmem:s15+$0x10];
	v0 =	vmul.f32 $1.442695020e+00, v0  }
0x219: {  	v4 =	vld [tilespmem:s16+$0x0];
	v1 =	vmul.f32 $1.442695020e+00, v1  }
0x21a: {  	(erf) = vpow2.f32 v0;
	v0 =	vld [tilespmem:s16+$0xFFFFFFE0]  }
0x21b: {  	(erf) = vpow2.f32 v1;
	v1 =	vld [tilespmem:s16+$0xFFFFFFF0]  }
0x21c: {  	v2 =	vmul.f32 $1.442695020e+00, v2  }
0x21d: {  	v5 =	vld [tilespmem:s16+$0x10];
	v3 =	vmul.f32 $1.442695020e+00, v3  }
0x21e: {  	(erf) = vpow2.f32 v2  }
0x21f: {  	v2 =	vmul.f32 $1.442695020e+00, v4;
	(erf) = vpow2.f32 v3  }
0x220: {  	s14 =	simm.s32 $0x5320;
	v3 =	vmul.f32 $1.442695020e+00, v0;
	v6 =	vmul.f32 $1.442695020e+00, v1  }
0x221: {  	v4 =	vld [tilespmem:s14+$0x0];
	(erf) = vpow2.f32 v2  }
0x222: {  	v5 =	vmul.f32 $1.442695020e+00, v5;
	(erf) = vpow2.f32 v3  }
0x223: {  	v0 =	vld [tilespmem:s14+$0xFFFFFFE0];
	(erf) = vpow2.f32 v6  }
0x224: {  	v1 =	vld [tilespmem:s14+$0xFFFFFFF0];
	v6 =	vpop (erf);
	(erf) = vpow2.f32 v5  }
0x225: {  	s2 =	simm.s32 $0x54A0;
	v2 =	vld [tilespmem:s14+$0x10]  }
0x226: {  	s15 =	simm.s32 $0x8;
	s16 =	simm.s32 $0x5360;
	s14 =	simm.s32 $0x54A0;
	v3 =	vmul.f32 $1.442695020e+00, v4;
	[tilespmem:s2+$0x0] =	vst v6;
	v4 =	vpop (erf)  }
.LBB2_12:
0x227: {  	s15 =	sadd.s32 $0x4, s15  }
0x228: {  	v5 =	vld [tilespmem:s16+$0x0];
	v6 =	vmul.f32 $1.442695020e+00, v0;
	[tilespmem:s2+$0xFFFFFFE0] =	vst v4;
	s14 =	sadd.s32 $0x40, s14;
	v4 =	vpop (erf);
	p1 =	slt.u32 s15, $0x1C  }
.Ltmp5:
0x229: {  	v0 =	vld [tilespmem:s16+$0xFFFFFFE0];
	v7 =	vmul.f32 $1.442695020e+00, v1;
	(erf) = vpow2.f32 v3;
	[tilespmem:s2+$0xFFFFFFF0] =	vst v4;
	v3 =	vpop (erf);
	(pc) =	sbr.rel @p1 .LBB2_12-.Ltmp5, $4  }
0x22a: {  	v1 =	vld [tilespmem:s16+$0xFFFFFFF0];
	v8 =	vmul.f32 $1.442695020e+00, v2;
	(erf) = vpow2.f32 v6;
	[tilespmem:s2+$0x10] =	vst v3;
	s2 =	smov.u32 s14  }
0x22b: {  	v2 =	vld [tilespmem:s16+$0x10];
	(erf) = vpow2.f32 v7  }
0x22c: {  	(erf) = vpow2.f32 v8;
	v4 =	vpop (erf)  }
0x22d: {  	s16 =	sadd.s32 $0x40, s16;
	v3 =	vmul.f32 $1.442695020e+00, v5;
	[tilespmem:s14+$0x0] =	vst v4;
	v4 =	vpop (erf)  }
0x22e: {  	v0 =	vmul.f32 $1.442695020e+00, v0  }
0x22f: {  	v1 =	vmul.f32 $1.442695020e+00, v1;
	(erf) = vpow2.f32 v3  }
0x230: {  	v2 =	vmul.f32 $1.442695020e+00, v2;
	(erf) = vpow2.f32 v0  }
0x231: {  	(erf) = vpow2.f32 v1  }
0x232: {  	[tilespmem:s2+$0xFFFFFFE0] =	vst v4;
	v54 =	vpop (erf);
	(erf) = vpow2.f32 v2  }
0x233: {  	v55 =	vpop (erf);
	[tilespmem:s2+$0xFFFFFFF0] =	vst v54  }
0x234: {  	s14 =	sadd.s32 $0x40, s14;
	[tilespmem:s2+$0x10] =	vst v55;
	v56 =	vpop (erf)  }
0x235: {  	[tilespmem:s14+$0x0] =	vst v56;
	v57 =	vpop (erf)  }
0x236: {  	[tilespmem:s14+$0xFFFFFFE0] =	vst v57;
	v58 =	vpop (erf)  }
0x237: {  	[tilespmem:s14+$0xFFFFFFF0] =	vst v58;
	v59 =	vpop (erf)  }
0x238: {  	s16 =	sadd.s32 $0x40, s14;
	[tilespmem:s14+$0x10] =	vst v59;
	v60 =	vpop (erf)  }
0x239: {  	[tilespmem:s16+$0x0] =	vst v60;
	v61 =	vpop (erf)  }
0x23a: {  	s1 =	sadd.s32 $0x1, s1;
	[tilespmem:s16+$0xFFFFFFE0] =	vst v61;
	v62 =	vpop (erf)  }
0x23b: {  	p1 =	sne.s32 s1, s13;
	[tilespmem:s16+$0xFFFFFFF0] =	vst v62;
	v63 =	vpop (erf)  }
.Ltmp6:
0x23c: {  	[tilespmem:s16+$0x10] =	vst v63;
	(pc) =	sbr.rel @p1 .LBB2_1-.Ltmp6, $4  }
0x23d: {  	[hbm4b:s12+s3] =	stream.linear.scatter [tilespmem:s31], [sflag:$0x7], $0x200, $0x38;
	[tilespmem:$0x5680] =	vst v63  }
0x23e: {  	_ =	swait.ge [sflag:s19], $0x200  }
0x23f: {  	[sflag:s19] =	ssyncset.done $0x0  }
0x240: {  	[sflag:s19] =	ssyncadd.s32 $0xFFFFFE00  }
0x241: {  	_ =	sfence.sel $0x180000  }
0x242: {  	[bflag:$0x0] =	sbarrier.arrive $0xFFFF  }
0x243: {  	_ =	strace $0x90000047  }
0x244: {  	s0 =	stileid.u32;
	[bflag:$0x2] =	sbarrier.arrive $0xFFFF  }
0x245: {  	p0 =	sne.s32 s0, $0x0;
	s0 =	rddreg [dreg:$0x4]  }
0x246: {  	s0 =	sadd.s32 @!p0 $0x100000, s0  }
0x247: {  	[sflag:s0] =	ssyncadd.tile.s32 @!p0 $0x1;
	_ =	shalt  }
.Lfunc_end2:
_tile_overlayer_lowered:
.L_overlay_start_2:
0x248: {  	(tag) =	ssettag $0x2  }
0x249: {  	s0 =	rddreg [dreg:$0x0];
	s2 =	stileid.u32  }
0x24a: {  	s1 =	rddreg [dreg:$0x1];
	p0 =	sne.s32 s2, $0x0  }
0x24b: {  	s3 =	rddreg [dreg:$0x2];
	[bflag:$0x3] =	sbarrier.arrive $0xFFFF;
	s2 =	simm.s32 @!p0 $0x1C07  }
0x24c: {  	[timem:s3], [sflag:s2] =	dma.local @!p0 [hbm:s0], s1  }
0x24d: {  	s0 =	simm.s32 @!p0 $0x7  }
0x24e: {  	_ =	swait.ge @!p0 [sflag:s0], s1  }
0x24f: {  	s1 =	ssub.s32 @!p0 $0x0, s1;
	[sflag:s0] =	ssyncset.done @!p0 $0x0  }
0x250: {  	[sflag:s0] =	ssyncadd.s32 @!p0 s1  }
0x251: {  	[bflag:$0x3] =	sbarrier.arrive $0xFFFF  }
0x252: {  	_ =	shalt  }

</sc_bundles>
